<compile_context>
chip_gen: v7x
topology: tpu7x:2x2x1
jax: 0.10.2.dev20260603
libtpu: 0.0.44.dev20260713+nightly
codegen_flags: <defaults>
</compile_context>

<pallas_src>
import functools
import math

import jax
import jax.numpy as jnp
from jax import lax
from jax.experimental import pallas as pl
from jax.experimental.pallas import tpu as pltpu
from jax.experimental.pallas import tpu_sc as plsc

K = 64
MV_BLK = 16384


def _matvec_body(x_ref, w_ref, o_ref):
    o_ref[...] = lax.dot_general(
        x_ref[...], w_ref[...],
        (((1,), (0,)), ((), ())),
        preferred_element_type=jnp.float32,
    )


NLEV = 8
GBIG = 1 << 24


def _topk_body(s_ref, m_ref, n_ref, gi_ref, tv_ref, work_ref):
    b, c, l = work_ref.shape
    g = c * l
    work_ref[...] = s_ref[...] / n_ref[0, 0] + m_ref[...]
    siota = lax.broadcasted_iota(jnp.int32, (b, c, l), 1)
    liota2 = lax.broadcasted_iota(jnp.int32, (b, l), 1)
    base = lax.broadcasted_iota(jnp.int32, (b, K), 0) * g
    kiota = lax.broadcasted_iota(jnp.int32, (b, K), 1)
    neg = -jnp.inf

    cv, cg = [], []
    for _ in range(NLEV):
        w3 = work_ref[...]
        mx = jnp.max(w3, axis=1, keepdims=True)
        sidx = jnp.min(jnp.where(w3 == mx, siota, c), axis=1, keepdims=True)
        work_ref[...] = jnp.where(siota == sidx, neg, w3)
        cv.append(mx[:, 0, :])
        cg.append(sidx[:, 0, :] * l + liota2)

    def body(i, carry):
        cvs = list(carry[:NLEV])
        cgs = list(carry[NLEV:2 * NLEV])
        colcnt, vacc, iacc = carry[2 * NLEV:]
        cmb = cvs[0]
        for r in range(1, NLEV):
            cmb = jnp.maximum(cmb, cvs[r])
        mx = jnp.max(cmb, axis=1, keepdims=True)
        m8 = jnp.full((b, l), GBIG, jnp.int32)
        for r in range(NLEV):
            m8 = jnp.minimum(m8, jnp.where(cvs[r] == mx, cgs[r], GBIG))
        gmin = jnp.min(m8, axis=1, keepdims=True)
        for r in range(NLEV):
            cvs[r] = jnp.where(cgs[r] == gmin, neg, cvs[r])
        lanecol = gmin - (gmin // l) * l
        colcnt = colcnt + jnp.where(liota2 == lanecol, 1, 0)
        sel = kiota == i
        vacc = jnp.where(sel, mx, vacc)
        iacc = jnp.where(sel, gmin, iacc)
        return tuple(cvs) + tuple(cgs) + (colcnt, vacc, iacc)

    init = tuple(cv) + tuple(cg) + (
        jnp.zeros((b, l), jnp.int32),
        jnp.zeros((b, K), jnp.float32),
        jnp.zeros((b, K), jnp.int32),
    )
    res = lax.fori_loop(0, K, body, init, unroll=16)
    colcnt, vacc, iacc = res[2 * NLEV:]
    gi_ref[...] = iacc + base
    tv_ref[...] = jnp.tanh(vacc)

    overflow = jnp.max(colcnt) >= NLEV

    @pl.when(overflow)
    def _():
        work_ref[...] = s_ref[...] / n_ref[0, 0] + m_ref[...]
        giota = siota * l + lax.broadcasted_iota(jnp.int32, (b, c, l), 2)

        def sbody(i, carry):
            vacc2, iacc2 = carry
            x = work_ref[...]
            mx = jnp.max(jnp.max(x, axis=1, keepdims=True), axis=2,
                         keepdims=True)
            gidx = jnp.where(x == mx, giota, GBIG)
            idxm = jnp.min(jnp.min(gidx, axis=1, keepdims=True), axis=2,
                           keepdims=True)
            work_ref[...] = jnp.where(giota == idxm, neg, x)
            sel = kiota == i
            vacc2 = jnp.where(sel, mx[:, :, 0], vacc2)
            iacc2 = jnp.where(sel, idxm[:, :, 0], iacc2)
            return vacc2, iacc2

        vacc2, iacc2 = lax.fori_loop(
            0, K, sbody,
            (jnp.zeros((b, K), jnp.float32), jnp.zeros((b, K), jnp.int32)),
        )
        gi_ref[...] = iacc2 + base
        tv_ref[...] = jnp.tanh(vacc2)


def _sc_gather(emb_hbm, gi_hbm, out_hbm, idx_v, rows_v, sem):
    num_b = out_hbm.shape[0]
    nc = 2
    wid = lax.axis_index("s") * nc + lax.axis_index("c")

    @pl.when(wid < num_b)
    def _():
        pltpu.sync_copy(gi_hbm.at[wid], idx_v)
        pltpu.async_copy(emb_hbm.at[idx_v], rows_v, sem).wait()
        pltpu.sync_copy(rows_v, out_hbm.at[wid])


def _scale_t_body(x_ref, tv_ref, o_ref):
    xt = jnp.transpose(x_ref[0], (1, 0))
    o_ref[0] = xt * tv_ref[0]


def kernel(node_embs, mask, scorer):
    b, g, f = node_embs.shape
    rows = b * g
    nrm = jnp.linalg.norm(scorer).reshape(1, 1)

    emb_flat = node_embs.reshape(rows, f)
    scores = pl.pallas_call(
        _matvec_body,
        grid=(rows // MV_BLK,),
        in_specs=[
            pl.BlockSpec((MV_BLK, f), lambda i: (i, 0)),
            pl.BlockSpec((f, 1), lambda i: (0, 0)),
        ],
        out_specs=pl.BlockSpec((MV_BLK, 1), lambda i: (i, 0)),
        out_shape=jax.ShapeDtypeStruct((rows, 1), jnp.float32),
    )(emb_flat, scorer)

    nc = g // 128
    gidx, tvals = pl.pallas_call(
        _topk_body,
        in_specs=[
            pl.BlockSpec((b, nc, 128), lambda: (0, 0, 0)),
            pl.BlockSpec((b, nc, 128), lambda: (0, 0, 0)),
            pl.BlockSpec((1, 1), lambda: (0, 0)),
        ],
        out_specs=[
            pl.BlockSpec((b, K), lambda: (0, 0)),
            pl.BlockSpec((b, K), lambda: (0, 0)),
        ],
        out_shape=[
            jax.ShapeDtypeStruct((b, K), jnp.int32),
            jax.ShapeDtypeStruct((b, K), jnp.float32),
        ],
        scratch_shapes=[pltpu.VMEM((b, nc, 128), jnp.float32)],
    )(scores.reshape(b, nc, 128), mask.reshape(b, nc, 128), nrm)

    mesh = plsc.VectorSubcoreMesh(core_axis_name="c", subcore_axis_name="s")
    gathered = pl.kernel(
        _sc_gather,
        out_type=jax.ShapeDtypeStruct((b, K, f), jnp.float32),
        mesh=mesh,
        scratch_types=[
            pltpu.VMEM((K,), jnp.int32),
            pltpu.VMEM((K, f), jnp.float32),
            pltpu.SemaphoreType.DMA,
        ],
    )(emb_flat, gidx)

    out = pl.pallas_call(
        _scale_t_body,
        grid=(b,),
        in_specs=[
            pl.BlockSpec((1, K, f), lambda i: (i, 0, 0)),
            pl.BlockSpec((1, 1, K), lambda i: (i, 0, 0)),
        ],
        out_specs=pl.BlockSpec((1, f, K), lambda i: (i, 0, 0)),
        out_shape=jax.ShapeDtypeStruct((b, f, K), jnp.float32),
    )(gathered, tvals.reshape(b, 1, K))
    return out

# --- scband reference (transcript-rebuilt; emitter-appended) ---
"""Pipeline reference for scband-top-k-970662609131 (READ-ONLY COPY).

The authoritative reference and input builder live on the scoring server;
editing this copy changes nothing except your own understanding.
"""

import jax, jax.numpy as jnp
import numpy as np
import math

B = 16
G = 32768
FEATS = 128
K = 64

def setup_inputs(seed: int = 0) -> dict:
    key = jax.random.key(seed)
    k1, k2, k3 = jax.random.split(key, 3)
    node_embs = jax.random.normal(k1, (B, G, FEATS), dtype=jnp.float32)
    mask = jax.random.normal(k2, (B, G), dtype=jnp.float32)
    stdv = 1.0 / math.sqrt(FEATS)
    scorer = jax.random.uniform(k3, (FEATS, 1), minval=-stdv, maxval=stdv, dtype=jnp.float32)
    return {"node_embs": node_embs, "mask": mask, "scorer": scorer}

def reference(node_embs, mask, scorer):
    # scores = node_embs @ scorer / ||scorer||
    scores = jnp.matmul(node_embs, scorer) / jnp.linalg.norm(scorer)  # [B, G, 1]
    scores = jnp.squeeze(scores, axis=-1) + mask  # [B, G]
    vals, topk_indices = jax.lax.top_k(scores, K)  # [B, K]
    # mask is finite (randn), so all vals > -inf; no padding branch taken
    feat_size = node_embs.shape[-1]
    gathered = jnp.take_along_axis(node_embs, topk_indices[:, :, None], axis=1)  # [B, K, F]
    sc = jnp.take_along_axis(scores, topk_indices, axis=1)  # [B, K]
    out = gathered * jnp.tanh(sc)[:, :, None]  # [B, K, F]
    return jnp.transpose(out, (0, 2, 1))  # [B, F, K]

if __name__ == "__main__":
    import jax
    _d = setup_inputs()
    print(jax.jit(kernel)(*tuple(_d.values())))

</pallas_src>

<mosaic_0001>
#map = affine_map<(d0, d1) -> (0, 0)>
#map1 = affine_map<(d0, d1) -> (0, 0, 0)>
module attributes {stable_mosaic.version = 14 : i64} {
  func.func @_sc_gather(%arg0: i32, %arg1: i32, %arg2: memref<524288x128xf32, #tpu.memory_space<hbm>>, %arg3: memref<16x64xi32, #tpu.memory_space<hbm>>, %arg4: memref<16x64x128xf32, #tpu.memory_space<hbm>>, %arg5: memref<64xi32, #tpu.memory_space<vmem>>, %arg6: memref<64x128xf32, #tpu.memory_space<vmem>>, %arg7: memref<!tpu.dma_semaphore, #tpu.memory_space<semaphore_mem>>) attributes {dimension_semantics = [#tpu.dimension_semantics<core_parallel>, #tpu.dimension_semantics<subcore_parallel>], iteration_bounds = array<i64: 2, 16>, scalar_prefetch = 0 : i64, scratch_operands = 3 : i64, tpu.core_type = #tpu.core_type<sc_vector_subcore>, window_params = [{transform_indices = #map}, {transform_indices = #map}, {transform_indices = #map1}]} {
    %mul3A = arith.constant 2 : i32
    %mul3A_0 = arith.muli %arg1, %mul3A : i32
    %add3A = arith.addi %mul3A_0, %arg0 : i32
    %lt3A = arith.constant 16 : i32
    %lt3A_1 = arith.cmpi slt, %add3A, %lt3A : i32
    %convert_element_type3A = arith.extui %lt3A_1 : i1 to i32
    %cond3A = arith.constant 0 : i32
    %cond3A_2 = arith.cmpi ne, %convert_element_type3A, %cond3A : i32
    scf.if %cond3A_2 {
      "tpu.region"() ({
        %run_scoped3A = tpu.sem_alloc : memref<!tpu.dma_semaphore, #tpu.memory_space<semaphore_mem>>
        %dma_start3A_7 = arith.constant 0 : i32
        %dma_start3A_8 = tpu.memref_slice %arg3[%add3A, %dma_start3A_7] : memref<16x64xi32, #tpu.memory_space<hbm>> -> memref<1x64xi32, #tpu.memory_space<hbm>>
        %dma_start3A_9 = tpu.memref_squeeze %dma_start3A_8 : memref<1x64xi32, #tpu.memory_space<hbm>> -> memref<64xi32, #tpu.memory_space<hbm>>
        %dma_start3A_10 = arith.constant 0 : i32
        %dma_start3A_11 = tpu.memref_slice %arg3[%add3A, %dma_start3A_10] : memref<16x64xi32, #tpu.memory_space<hbm>> -> memref<1x64xi32, #tpu.memory_space<hbm>>
        %dma_start3A_12 = tpu.memref_squeeze %dma_start3A_11 : memref<1x64xi32, #tpu.memory_space<hbm>> -> memref<64xi32, #tpu.memory_space<hbm>>
        tpu.enqueue_dma source(%dma_start3A_12 : memref<64xi32, #tpu.memory_space<hbm>>) target(%arg5 : memref<64xi32, #tpu.memory_space<vmem>>) target_semaphore(%run_scoped3A : memref<!tpu.dma_semaphore, #tpu.memory_space<semaphore_mem>>)
        %dma_wait3A_13 = arith.constant 0 : i32
        %dma_wait3A_14 = tpu.memref_slice %arg3[%add3A, %dma_wait3A_13] : memref<16x64xi32, #tpu.memory_space<hbm>> -> memref<1x64xi32, #tpu.memory_space<hbm>>
        %dma_wait3A_15 = tpu.memref_squeeze %dma_wait3A_14 : memref<1x64xi32, #tpu.memory_space<hbm>> -> memref<64xi32, #tpu.memory_space<hbm>>
        %dma_wait3A_16 = arith.constant 0 : i32
        %dma_wait3A_17 = tpu.memref_slice %arg3[%add3A, %dma_wait3A_16] : memref<16x64xi32, #tpu.memory_space<hbm>> -> memref<1x64xi32, #tpu.memory_space<hbm>>
        %dma_wait3A_18 = tpu.memref_squeeze %dma_wait3A_17 : memref<1x64xi32, #tpu.memory_space<hbm>> -> memref<64xi32, #tpu.memory_space<hbm>>
        tpu.wait_dma2 semaphore(%run_scoped3A : memref<!tpu.dma_semaphore, #tpu.memory_space<semaphore_mem>>) src(%dma_wait3A_18 : memref<64xi32, #tpu.memory_space<hbm>>) dst(%arg5 : memref<64xi32, #tpu.memory_space<vmem>>)
        tpu.yield
      }) : () -> ()
      %dma_start3A = arith.constant 0 : i32
      %dma_start3A_3 = arith.constant 0 : i32
      %dma_start3A_4 = tpu.memref_slice %arg2[%dma_start3A, %dma_start3A_3] : memref<524288x128xf32, #tpu.memory_space<hbm>> -> memref<524288x128xf32, #tpu.memory_space<hbm>>
      tpu.enqueue_indirect_dma source(%dma_start3A_4 : memref<524288x128xf32, #tpu.memory_space<hbm>>) target(%arg6 : memref<64x128xf32, #tpu.memory_space<vmem>>) offsets(%arg5 : memref<64xi32, #tpu.memory_space<vmem>>) semaphore(%arg7 : memref<!tpu.dma_semaphore, #tpu.memory_space<semaphore_mem>>)
      %dma_wait3A = arith.constant 0 : i32
      %dma_wait3A_5 = arith.constant 0 : i32
      %dma_wait3A_6 = tpu.memref_slice %arg2[%dma_wait3A, %dma_wait3A_5] : memref<524288x128xf32, #tpu.memory_space<hbm>> -> memref<524288x128xf32, #tpu.memory_space<hbm>>
      tpu.wait_indirect_dma semaphore(%arg7 : memref<!tpu.dma_semaphore, #tpu.memory_space<semaphore_mem>>) src(%dma_wait3A_6 : memref<524288x128xf32, #tpu.memory_space<hbm>>) dst(%arg6 : memref<64x128xf32, #tpu.memory_space<vmem>>)
      "tpu.region"() ({
        %run_scoped3A = tpu.sem_alloc : memref<!tpu.dma_semaphore, #tpu.memory_space<semaphore_mem>>
        %dma_start3A_7 = arith.constant 0 : i32
        %dma_start3A_8 = arith.constant 0 : i32
        %dma_start3A_9 = tpu.memref_slice %arg4[%add3A, %dma_start3A_7, %dma_start3A_8] : memref<16x64x128xf32, #tpu.memory_space<hbm>> -> memref<1x64x128xf32, #tpu.memory_space<hbm>>
        %dma_start3A_10 = tpu.memref_squeeze %dma_start3A_9 : memref<1x64x128xf32, #tpu.memory_space<hbm>> -> memref<64x128xf32, #tpu.memory_space<hbm>>
        %dma_start3A_11 = arith.constant 0 : i32
        %dma_start3A_12 = arith.constant 0 : i32
        %dma_start3A_13 = tpu.memref_slice %arg4[%add3A, %dma_start3A_11, %dma_start3A_12] : memref<16x64x128xf32, #tpu.memory_space<hbm>> -> memref<1x64x128xf32, #tpu.memory_space<hbm>>
        %dma_start3A_14 = tpu.memref_squeeze %dma_start3A_13 : memref<1x64x128xf32, #tpu.memory_space<hbm>> -> memref<64x128xf32, #tpu.memory_space<hbm>>
        tpu.enqueue_dma source(%arg6 : memref<64x128xf32, #tpu.memory_space<vmem>>) target(%dma_start3A_14 : memref<64x128xf32, #tpu.memory_space<hbm>>) target_semaphore(%run_scoped3A : memref<!tpu.dma_semaphore, #tpu.memory_space<semaphore_mem>>)
        %dma_wait3A_15 = arith.constant 0 : i32
        %dma_wait3A_16 = arith.constant 0 : i32
        %dma_wait3A_17 = tpu.memref_slice %arg4[%add3A, %dma_wait3A_15, %dma_wait3A_16] : memref<16x64x128xf32, #tpu.memory_space<hbm>> -> memref<1x64x128xf32, #tpu.memory_space<hbm>>
        %dma_wait3A_18 = tpu.memref_squeeze %dma_wait3A_17 : memref<1x64x128xf32, #tpu.memory_space<hbm>> -> memref<64x128xf32, #tpu.memory_space<hbm>>
        %dma_wait3A_19 = arith.constant 0 : i32
        %dma_wait3A_20 = arith.constant 0 : i32
        %dma_wait3A_21 = tpu.memref_slice %arg4[%add3A, %dma_wait3A_19, %dma_wait3A_20] : memref<16x64x128xf32, #tpu.memory_space<hbm>> -> memref<1x64x128xf32, #tpu.memory_space<hbm>>
        %dma_wait3A_22 = tpu.memref_squeeze %dma_wait3A_21 : memref<1x64x128xf32, #tpu.memory_space<hbm>> -> memref<64x128xf32, #tpu.memory_space<hbm>>
        tpu.wait_dma2 semaphore(%run_scoped3A : memref<!tpu.dma_semaphore, #tpu.memory_space<semaphore_mem>>) src(%arg6 : memref<64x128xf32, #tpu.memory_space<vmem>>) dst(%dma_wait3A_22 : memref<64x128xf32, #tpu.memory_space<hbm>>)
        tpu.yield
      }) : () -> ()
    } else {
    }
    return
  }
}

module attributes {stable_mosaic.version = 14 : i64} {
  func.func @_matvec_body(%arg0: i32, %arg1: memref<16384x128xf32, #tpu.memory_space<vmem>>, %arg2: memref<128x1xf32, #tpu.memory_space<vmem>>, %arg3: memref<16384x1xf32, #tpu.memory_space<vmem>>) attributes {dimension_semantics = [#tpu.dimension_semantics<arbitrary>], iteration_bounds = array<i64: 32>, scalar_prefetch = 0 : i64, scratch_operands = 0 : i64, tpu.core_type = #tpu.core_type<tc>, window_params = [{transform_indices = @transform_0, window_bounds = array<i64: 16384, 128>}, {pipeline_mode = #tpu.pipeline_mode<synchronous>, transform_indices = @transform_1, window_bounds = array<i64: 128, 1>}, {transform_indices = @transform_2, window_bounds = array<i64: 16384, 1>}]} {
    %get3A = arith.constant 0 : index
    %get3A_0 = arith.constant 0 : index
    %get3A_1 = vector.load %arg1[%get3A, %get3A_0] : memref<16384x128xf32, #tpu.memory_space<vmem>>, vector<16384x128xf32>
    %get3A_2 = arith.constant 0 : index
    %get3A_3 = arith.constant 0 : index
    %get3A_4 = vector.load %arg2[%get3A_2, %get3A_3] : memref<128x1xf32, #tpu.memory_space<vmem>>, vector<128x1xf32>
    %dot_general3A = arith.constant dense<0.000000e+00> : vector<16384x1xf32>
    %dot_general3A_5 = tpu.matmul %get3A_1, %get3A_4, %dot_general3A {dimension_numbers = #tpu.dot_dimension_numbers<[1], [0], [0], [1], [0, 0, 1, 1], [], []>, transpose_lhs_hint = false} : vector<16384x128xf32>, vector<128x1xf32>, vector<16384x1xf32> -> vector<16384x1xf32>
    %swap3A = arith.constant 0 : index
    %swap3A_6 = arith.constant 0 : index
    %swap3A_7 = vector.load %arg3[%swap3A, %swap3A_6] : memref<16384x1xf32, #tpu.memory_space<vmem>>, vector<16384x1xf32>
    tpu.vector_store %arg3[%swap3A, %swap3A_6], %dot_general3A_5 {strides = array<i32>} : memref<16384x1xf32, #tpu.memory_space<vmem>>, vector<16384x1xf32>,
    return
  }
  func.func @transform_0(%arg0: i32) -> (i32, i32) {
    %c0_i32 = arith.constant 0 : i32
    %c0_i32_0 = arith.constant 0 : i32
    return %arg0, %c0_i32 : i32, i32
  }
  func.func @transform_1(%arg0: i32) -> (i32, i32) {
    %c0_i32 = arith.constant 0 : i32
    %c0_i32_0 = arith.constant 0 : i32
    %c0_i32_1 = arith.constant 0 : i32
    return %c0_i32, %c0_i32_0 : i32, i32
  }
  func.func @transform_2(%arg0: i32) -> (i32, i32) {
    %c0_i32 = arith.constant 0 : i32
    %c0_i32_0 = arith.constant 0 : i32
    return %arg0, %c0_i32 : i32, i32
  }
}

module attributes {stable_mosaic.version = 14 : i64} {
  func.func @_topk_body(%arg0: memref<16x256x128xf32, #tpu.memory_space<vmem>>, %arg1: memref<16x256x128xf32, #tpu.memory_space<vmem>>, %arg2: memref<1x1xf32, #tpu.memory_space<vmem>>, %arg3: memref<16x64xi32, #tpu.memory_space<vmem>>, %arg4: memref<16x64xf32, #tpu.memory_space<vmem>>, %arg5: memref<16x256x128xf32, #tpu.memory_space<vmem>>) attributes {dimension_semantics = [], scalar_prefetch = 0 : i64, scratch_operands = 1 : i64, tpu.core_type = #tpu.core_type<tc>} {
    %get3A = arith.constant 0 : index
    %get3A_0 = arith.constant 0 : index
    %get3A_1 = arith.constant 0 : index
    %get3A_2 = vector.load %arg0[%get3A, %get3A_0, %get3A_1] : memref<16x256x128xf32, #tpu.memory_space<vmem>>, vector<16x256x128xf32>
    %get3A_3 = arith.constant 0 : index
    %get3A_4 = arith.constant 0 : index
    %get3A_5 = vector.load %arg2[%get3A_3, %get3A_4] : memref<1x1xf32, #tpu.memory_space<vmem>>, vector<1x1xf32>
    %get3A_6 = vector.extract %get3A_5[0, 0] : f32 from vector<1x1xf32>
    %div3A = vector.broadcast %get3A_6 : f32 to vector<16x256x128xf32>
    %div3A_7 = arith.divf %get3A_2, %div3A : vector<16x256x128xf32>
    %get3A_8 = arith.constant 0 : index
    %get3A_9 = arith.constant 0 : index
    %get3A_10 = arith.constant 0 : index
    %get3A_11 = vector.load %arg1[%get3A_8, %get3A_9, %get3A_10] : memref<16x256x128xf32, #tpu.memory_space<vmem>>, vector<16x256x128xf32>
    %add3A = arith.addf %div3A_7, %get3A_11 : vector<16x256x128xf32>
    %swap3A = arith.constant 0 : index
    %swap3A_12 = arith.constant 0 : index
    %swap3A_13 = arith.constant 0 : index
    %swap3A_14 = vector.load %arg5[%swap3A, %swap3A_12, %swap3A_13] : memref<16x256x128xf32, #tpu.memory_space<vmem>>, vector<16x256x128xf32>
    tpu.vector_store %arg5[%swap3A, %swap3A_12, %swap3A_13], %add3A {strides = array<i32>} : memref<16x256x128xf32, #tpu.memory_space<vmem>>, vector<16x256x128xf32>,
    %iota3A = tpu.iota {dimensions = array<i32: 1>} : vector<16x256x128xi32>
    %iota3A_15 = tpu.iota {dimensions = array<i32: 1>} : vector<16x128xi32>
    %iota3A_16 = tpu.iota {dimensions = array<i32: 0>} : vector<16x64xi32>
    %mul3A = arith.constant 32768 : i32
    %mul3A_17 = vector.broadcast %mul3A : i32 to vector<16x64xi32>
    %mul3A_18 = arith.muli %iota3A_16, %mul3A_17 : vector<16x64xi32>
    %iota3A_19 = tpu.iota {dimensions = array<i32: 1>} : vector<16x64xi32>
    %get3A_20 = arith.constant 0 : index
    %get3A_21 = arith.constant 0 : index
    %get3A_22 = arith.constant 0 : index
    %get3A_23 = vector.load %arg5[%get3A_20, %get3A_21, %get3A_22] : memref<16x256x128xf32, #tpu.memory_space<vmem>>, vector<16x256x128xf32>
    %reduce_max3A = arith.constant dense<0xFF800000> : vector<16x128xf32>
    %reduce_max3A_24 = vector.multi_reduction <maximumf>, %get3A_23, %reduce_max3A [1] : vector<16x256x128xf32> to vector<16x128xf32>
    %broadcast_in_dim3A = vector.shape_cast %reduce_max3A_24 : vector<16x128xf32> to vector<16x1x128xf32>
    %eq3A = vector.broadcast %broadcast_in_dim3A : vector<16x1x128xf32> to vector<16x256x128xf32>
    %eq3A_25 = arith.cmpf oeq, %get3A_23, %eq3A : vector<16x256x128xf32>
    %jit3A = arith.constant 256 : i32
    %broadcast_in_dim3A_26 = vector.broadcast %jit3A : i32 to vector<16x256x128xi32>
    %select_n3A = arith.select %eq3A_25, %iota3A, %broadcast_in_dim3A_26 : vector<16x256x128xi1>, vector<16x256x128xi32>
    %reduce_min3A = arith.constant dense<2147483647> : vector<16x128xi32>
    %reduce_min3A_27 = vector.multi_reduction <minsi>, %select_n3A, %reduce_min3A [1] : vector<16x256x128xi32> to vector<16x128xi32>
    %broadcast_in_dim3A_28 = vector.shape_cast %reduce_min3A_27 : vector<16x128xi32> to vector<16x1x128xi32>
    %eq3A_29 = vector.broadcast %broadcast_in_dim3A_28 : vector<16x1x128xi32> to vector<16x256x128xi32>
    %eq3A_30 = arith.cmpi eq, %iota3A, %eq3A_29 : vector<16x256x128xi32>
    %jit3A_31 = arith.constant 0xFF800000 : f32
    %broadcast_in_dim3A_32 = vector.broadcast %jit3A_31 : f32 to vector<16x256x128xf32>
    %select_n3A_33 = arith.select %eq3A_30, %broadcast_in_dim3A_32, %get3A_23 : vector<16x256x128xi1>, vector<16x256x128xf32>
    %swap3A_34 = arith.constant 0 : index
    %swap3A_35 = arith.constant 0 : index
    %swap3A_36 = arith.constant 0 : index
    %swap3A_37 = vector.load %arg5[%swap3A_34, %swap3A_35, %swap3A_36] : memref<16x256x128xf32, #tpu.memory_space<vmem>>, vector<16x256x128xf32>
    tpu.vector_store %arg5[%swap3A_34, %swap3A_35, %swap3A_36], %select_n3A_33 {strides = array<i32>} : memref<16x256x128xf32, #tpu.memory_space<vmem>>, vector<16x256x128xf32>,
    %squeeze3A = vector.shape_cast %broadcast_in_dim3A : vector<16x1x128xf32> to vector<16x128xf32>
    %squeeze3A_38 = vector.shape_cast %broadcast_in_dim3A_28 : vector<16x1x128xi32> to vector<16x128xi32>
    %mul3A_39 = arith.constant 128 : i32
    %mul3A_40 = vector.broadcast %mul3A_39 : i32 to vector<16x128xi32>
    %mul3A_41 = arith.muli %squeeze3A_38, %mul3A_40 : vector<16x128xi32>
    %add3A_42 = arith.addi %mul3A_41, %iota3A_15 : vector<16x128xi32>
    %get3A_43 = arith.constant 0 : index
    %get3A_44 = arith.constant 0 : index
    %get3A_45 = arith.constant 0 : index
    %get3A_46 = vector.load %arg5[%get3A_43, %get3A_44, %get3A_45] : memref<16x256x128xf32, #tpu.memory_space<vmem>>, vector<16x256x128xf32>
    %reduce_max3A_47 = arith.constant dense<0xFF800000> : vector<16x128xf32>
    %reduce_max3A_48 = vector.multi_reduction <maximumf>, %get3A_46, %reduce_max3A_47 [1] : vector<16x256x128xf32> to vector<16x128xf32>
    %broadcast_in_dim3A_49 = vector.shape_cast %reduce_max3A_48 : vector<16x128xf32> to vector<16x1x128xf32>
    %eq3A_50 = vector.broadcast %broadcast_in_dim3A_49 : vector<16x1x128xf32> to vector<16x256x128xf32>
    %eq3A_51 = arith.cmpf oeq, %get3A_46, %eq3A_50 : vector<16x256x128xf32>
    %jit3A_52 = arith.constant 256 : i32
    %broadcast_in_dim3A_53 = vector.broadcast %jit3A_52 : i32 to vector<16x256x128xi32>
    %select_n3A_54 = arith.select %eq3A_51, %iota3A, %broadcast_in_dim3A_53 : vector<16x256x128xi1>, vector<16x256x128xi32>
    %reduce_min3A_55 = arith.constant dense<2147483647> : vector<16x128xi32>
    %reduce_min3A_56 = vector.multi_reduction <minsi>, %select_n3A_54, %reduce_min3A_55 [1] : vector<16x256x128xi32> to vector<16x128xi32>
    %broadcast_in_dim3A_57 = vector.shape_cast %reduce_min3A_56 : vector<16x128xi32> to vector<16x1x128xi32>
    %eq3A_58 = vector.broadcast %broadcast_in_dim3A_57 : vector<16x1x128xi32> to vector<16x256x128xi32>
    %eq3A_59 = arith.cmpi eq, %iota3A, %eq3A_58 : vector<16x256x128xi32>
    %jit3A_60 = arith.constant 0xFF800000 : f32
    %broadcast_in_dim3A_61 = vector.broadcast %jit3A_60 : f32 to vector<16x256x128xf32>
    %select_n3A_62 = arith.select %eq3A_59, %broadcast_in_dim3A_61, %get3A_46 : vector<16x256x128xi1>, vector<16x256x128xf32>
    %swap3A_63 = arith.constant 0 : index
    %swap3A_64 = arith.constant 0 : index
    %swap3A_65 = arith.constant 0 : index
    %swap3A_66 = vector.load %arg5[%swap3A_63, %swap3A_64, %swap3A_65] : memref<16x256x128xf32, #tpu.memory_space<vmem>>, vector<16x256x128xf32>
    tpu.vector_store %arg5[%swap3A_63, %swap3A_64, %swap3A_65], %select_n3A_62 {strides = array<i32>} : memref<16x256x128xf32, #tpu.memory_space<vmem>>, vector<16x256x128xf32>,
    %squeeze3A_67 = vector.shape_cast %broadcast_in_dim3A_49 : vector<16x1x128xf32> to vector<16x128xf32>
    %squeeze3A_68 = vector.shape_cast %broadcast_in_dim3A_57 : vector<16x1x128xi32> to vector<16x128xi32>
    %mul3A_69 = arith.constant 128 : i32
    %mul3A_70 = vector.broadcast %mul3A_69 : i32 to vector<16x128xi32>
    %mul3A_71 = arith.muli %squeeze3A_68, %mul3A_70 : vector<16x128xi32>
    %add3A_72 = arith.addi %mul3A_71, %iota3A_15 : vector<16x128xi32>
    %get3A_73 = arith.constant 0 : index
    %get3A_74 = arith.constant 0 : index
    %get3A_75 = arith.constant 0 : index
    %get3A_76 = vector.load %arg5[%get3A_73, %get3A_74, %get3A_75] : memref<16x256x128xf32, #tpu.memory_space<vmem>>, vector<16x256x128xf32>
    %reduce_max3A_77 = arith.constant dense<0xFF800000> : vector<16x128xf32>
    %reduce_max3A_78 = vector.multi_reduction <maximumf>, %get3A_76, %reduce_max3A_77 [1] : vector<16x256x128xf32> to vector<16x128xf32>
    %broadcast_in_dim3A_79 = vector.shape_cast %reduce_max3A_78 : vector<16x128xf32> to vector<16x1x128xf32>
    %eq3A_80 = vector.broadcast %broadcast_in_dim3A_79 : vector<16x1x128xf32> to vector<16x256x128xf32>
    %eq3A_81 = arith.cmpf oeq, %get3A_76, %eq3A_80 : vector<16x256x128xf32>
    %jit3A_82 = arith.constant 256 : i32
    %broadcast_in_dim3A_83 = vector.broadcast %jit3A_82 : i32 to vector<16x256x128xi32>
    %select_n3A_84 = arith.select %eq3A_81, %iota3A, %broadcast_in_dim3A_83 : vector<16x256x128xi1>, vector<16x256x128xi32>
    %reduce_min3A_85 = arith.constant dense<2147483647> : vector<16x128xi32>
    %reduce_min3A_86 = vector.multi_reduction <minsi>, %select_n3A_84, %reduce_min3A_85 [1] : vector<16x256x128xi32> to vector<16x128xi32>
    %broadcast_in_dim3A_87 = vector.shape_cast %reduce_min3A_86 : vector<16x128xi32> to vector<16x1x128xi32>
    %eq3A_88 = vector.broadcast %broadcast_in_dim3A_87 : vector<16x1x128xi32> to vector<16x256x128xi32>
    %eq3A_89 = arith.cmpi eq, %iota3A, %eq3A_88 : vector<16x256x128xi32>
    %jit3A_90 = arith.constant 0xFF800000 : f32
    %broadcast_in_dim3A_91 = vector.broadcast %jit3A_90 : f32 to vector<16x256x128xf32>
    %select_n3A_92 = arith.select %eq3A_89, %broadcast_in_dim3A_91, %get3A_76 : vector<16x256x128xi1>, vector<16x256x128xf32>
    %swap3A_93 = arith.constant 0 : index
    %swap3A_94 = arith.constant 0 : index
    %swap3A_95 = arith.constant 0 : index
    %swap3A_96 = vector.load %arg5[%swap3A_93, %swap3A_94, %swap3A_95] : memref<16x256x128xf32, #tpu.memory_space<vmem>>, vector<16x256x128xf32>
    tpu.vector_store %arg5[%swap3A_93, %swap3A_94, %swap3A_95], %select_n3A_92 {strides = array<i32>} : memref<16x256x128xf32, #tpu.memory_space<vmem>>, vector<16x256x128xf32>,
    %squeeze3A_97 = vector.shape_cast %broadcast_in_dim3A_79 : vector<16x1x128xf32> to vector<16x128xf32>
    %squeeze3A_98 = vector.shape_cast %broadcast_in_dim3A_87 : vector<16x1x128xi32> to vector<16x128xi32>
    %mul3A_99 = arith.constant 128 : i32
    %mul3A_100 = vector.broadcast %mul3A_99 : i32 to vector<16x128xi32>
    %mul3A_101 = arith.muli %squeeze3A_98, %mul3A_100 : vector<16x128xi32>
    %add3A_102 = arith.addi %mul3A_101, %iota3A_15 : vector<16x128xi32>
    %get3A_103 = arith.constant 0 : index
    %get3A_104 = arith.constant 0 : index
    %get3A_105 = arith.constant 0 : index
    %get3A_106 = vector.load %arg5[%get3A_103, %get3A_104, %get3A_105] : memref<16x256x128xf32, #tpu.memory_space<vmem>>, vector<16x256x128xf32>
    %reduce_max3A_107 = arith.constant dense<0xFF800000> : vector<16x128xf32>
    %reduce_max3A_108 = vector.multi_reduction <maximumf>, %get3A_106, %reduce_max3A_107 [1] : vector<16x256x128xf32> to vector<16x128xf32>
    %broadcast_in_dim3A_109 = vector.shape_cast %reduce_max3A_108 : vector<16x128xf32> to vector<16x1x128xf32>
    %eq3A_110 = vector.broadcast %broadcast_in_dim3A_109 : vector<16x1x128xf32> to vector<16x256x128xf32>
    %eq3A_111 = arith.cmpf oeq, %get3A_106, %eq3A_110 : vector<16x256x128xf32>
    %jit3A_112 = arith.constant 256 : i32
    %broadcast_in_dim3A_113 = vector.broadcast %jit3A_112 : i32 to vector<16x256x128xi32>
    %select_n3A_114 = arith.select %eq3A_111, %iota3A, %broadcast_in_dim3A_113 : vector<16x256x128xi1>, vector<16x256x128xi32>
    %reduce_min3A_115 = arith.constant dense<2147483647> : vector<16x128xi32>
    %reduce_min3A_116 = vector.multi_reduction <minsi>, %select_n3A_114, %reduce_min3A_115 [1] : vector<16x256x128xi32> to vector<16x128xi32>
    %broadcast_in_dim3A_117 = vector.shape_cast %reduce_min3A_116 : vector<16x128xi32> to vector<16x1x128xi32>
    %eq3A_118 = vector.broadcast %broadcast_in_dim3A_117 : vector<16x1x128xi32> to vector<16x256x128xi32>
    %eq3A_119 = arith.cmpi eq, %iota3A, %eq3A_118 : vector<16x256x128xi32>
    %jit3A_120 = arith.constant 0xFF800000 : f32
    %broadcast_in_dim3A_121 = vector.broadcast %jit3A_120 : f32 to vector<16x256x128xf32>
    %select_n3A_122 = arith.select %eq3A_119, %broadcast_in_dim3A_121, %get3A_106 : vector<16x256x128xi1>, vector<16x256x128xf32>
    %swap3A_123 = arith.constant 0 : index
    %swap3A_124 = arith.constant 0 : index
    %swap3A_125 = arith.constant 0 : index
    %swap3A_126 = vector.load %arg5[%swap3A_123, %swap3A_124, %swap3A_125] : memref<16x256x128xf32, #tpu.memory_space<vmem>>, vector<16x256x128xf32>
    tpu.vector_store %arg5[%swap3A_123, %swap3A_124, %swap3A_125], %select_n3A_122 {strides = array<i32>} : memref<16x256x128xf32, #tpu.memory_space<vmem>>, vector<16x256x128xf32>,
    %squeeze3A_127 = vector.shape_cast %broadcast_in_dim3A_109 : vector<16x1x128xf32> to vector<16x128xf32>
    %squeeze3A_128 = vector.shape_cast %broadcast_in_dim3A_117 : vector<16x1x128xi32> to vector<16x128xi32>
    %mul3A_129 = arith.constant 128 : i32
    %mul3A_130 = vector.broadcast %mul3A_129 : i32 to vector<16x128xi32>
    %mul3A_131 = arith.muli %squeeze3A_128, %mul3A_130 : vector<16x128xi32>
    %add3A_132 = arith.addi %mul3A_131, %iota3A_15 : vector<16x128xi32>
    %get3A_133 = arith.constant 0 : index
    %get3A_134 = arith.constant 0 : index
    %get3A_135 = arith.constant 0 : index
    %get3A_136 = vector.load %arg5[%get3A_133, %get3A_134, %get3A_135] : memref<16x256x128xf32, #tpu.memory_space<vmem>>, vector<16x256x128xf32>
    %reduce_max3A_137 = arith.constant dense<0xFF800000> : vector<16x128xf32>
    %reduce_max3A_138 = vector.multi_reduction <maximumf>, %get3A_136, %reduce_max3A_137 [1] : vector<16x256x128xf32> to vector<16x128xf32>
    %broadcast_in_dim3A_139 = vector.shape_cast %reduce_max3A_138 : vector<16x128xf32> to vector<16x1x128xf32>
    %eq3A_140 = vector.broadcast %broadcast_in_dim3A_139 : vector<16x1x128xf32> to vector<16x256x128xf32>
    %eq3A_141 = arith.cmpf oeq, %get3A_136, %eq3A_140 : vector<16x256x128xf32>
    %jit3A_142 = arith.constant 256 : i32
    %broadcast_in_dim3A_143 = vector.broadcast %jit3A_142 : i32 to vector<16x256x128xi32>
    %select_n3A_144 = arith.select %eq3A_141, %iota3A, %broadcast_in_dim3A_143 : vector<16x256x128xi1>, vector<16x256x128xi32>
    %reduce_min3A_145 = arith.constant dense<2147483647> : vector<16x128xi32>
    %reduce_min3A_146 = vector.multi_reduction <minsi>, %select_n3A_144, %reduce_min3A_145 [1] : vector<16x256x128xi32> to vector<16x128xi32>
    %broadcast_in_dim3A_147 = vector.shape_cast %reduce_min3A_146 : vector<16x128xi32> to vector<16x1x128xi32>
    %eq3A_148 = vector.broadcast %broadcast_in_dim3A_147 : vector<16x1x128xi32> to vector<16x256x128xi32>
    %eq3A_149 = arith.cmpi eq, %iota3A, %eq3A_148 : vector<16x256x128xi32>
    %jit3A_150 = arith.constant 0xFF800000 : f32
    %broadcast_in_dim3A_151 = vector.broadcast %jit3A_150 : f32 to vector<16x256x128xf32>
    %select_n3A_152 = arith.select %eq3A_149, %broadcast_in_dim3A_151, %get3A_136 : vector<16x256x128xi1>, vector<16x256x128xf32>
    %swap3A_153 = arith.constant 0 : index
    %swap3A_154 = arith.constant 0 : index
    %swap3A_155 = arith.constant 0 : index
    %swap3A_156 = vector.load %arg5[%swap3A_153, %swap3A_154, %swap3A_155] : memref<16x256x128xf32, #tpu.memory_space<vmem>>, vector<16x256x128xf32>
    tpu.vector_store %arg5[%swap3A_153, %swap3A_154, %swap3A_155], %select_n3A_152 {strides = array<i32>} : memref<16x256x128xf32, #tpu.memory_space<vmem>>, vector<16x256x128xf32>,
    %squeeze3A_157 = vector.shape_cast %broadcast_in_dim3A_139 : vector<16x1x128xf32> to vector<16x128xf32>
    %squeeze3A_158 = vector.shape_cast %broadcast_in_dim3A_147 : vector<16x1x128xi32> to vector<16x128xi32>
    %mul3A_159 = arith.constant 128 : i32
    %mul3A_160 = vector.broadcast %mul3A_159 : i32 to vector<16x128xi32>
    %mul3A_161 = arith.muli %squeeze3A_158, %mul3A_160 : vector<16x128xi32>
    %add3A_162 = arith.addi %mul3A_161, %iota3A_15 : vector<16x128xi32>
    %get3A_163 = arith.constant 0 : index
    %get3A_164 = arith.constant 0 : index
    %get3A_165 = arith.constant 0 : index
    %get3A_166 = vector.load %arg5[%get3A_163, %get3A_164, %get3A_165] : memref<16x256x128xf32, #tpu.memory_space<vmem>>, vector<16x256x128xf32>
    %reduce_max3A_167 = arith.constant dense<0xFF800000> : vector<16x128xf32>
    %reduce_max3A_168 = vector.multi_reduction <maximumf>, %get3A_166, %reduce_max3A_167 [1] : vector<16x256x128xf32> to vector<16x128xf32>
    %broadcast_in_dim3A_169 = vector.shape_cast %reduce_max3A_168 : vector<16x128xf32> to vector<16x1x128xf32>
    %eq3A_170 = vector.broadcast %broadcast_in_dim3A_169 : vector<16x1x128xf32> to vector<16x256x128xf32>
    %eq3A_171 = arith.cmpf oeq, %get3A_166, %eq3A_170 : vector<16x256x128xf32>
    %jit3A_172 = arith.constant 256 : i32
    %broadcast_in_dim3A_173 = vector.broadcast %jit3A_172 : i32 to vector<16x256x128xi32>
    %select_n3A_174 = arith.select %eq3A_171, %iota3A, %broadcast_in_dim3A_173 : vector<16x256x128xi1>, vector<16x256x128xi32>
    %reduce_min3A_175 = arith.constant dense<2147483647> : vector<16x128xi32>
    %reduce_min3A_176 = vector.multi_reduction <minsi>, %select_n3A_174, %reduce_min3A_175 [1] : vector<16x256x128xi32> to vector<16x128xi32>
    %broadcast_in_dim3A_177 = vector.shape_cast %reduce_min3A_176 : vector<16x128xi32> to vector<16x1x128xi32>
    %eq3A_178 = vector.broadcast %broadcast_in_dim3A_177 : vector<16x1x128xi32> to vector<16x256x128xi32>
    %eq3A_179 = arith.cmpi eq, %iota3A, %eq3A_178 : vector<16x256x128xi32>
    %jit3A_180 = arith.constant 0xFF800000 : f32
    %broadcast_in_dim3A_181 = vector.broadcast %jit3A_180 : f32 to vector<16x256x128xf32>
    %select_n3A_182 = arith.select %eq3A_179, %broadcast_in_dim3A_181, %get3A_166 : vector<16x256x128xi1>, vector<16x256x128xf32>
    %swap3A_183 = arith.constant 0 : index
    %swap3A_184 = arith.constant 0 : index
    %swap3A_185 = arith.constant 0 : index
    %swap3A_186 = vector.load %arg5[%swap3A_183, %swap3A_184, %swap3A_185] : memref<16x256x128xf32, #tpu.memory_space<vmem>>, vector<16x256x128xf32>
    tpu.vector_store %arg5[%swap3A_183, %swap3A_184, %swap3A_185], %select_n3A_182 {strides = array<i32>} : memref<16x256x128xf32, #tpu.memory_space<vmem>>, vector<16x256x128xf32>,
    %squeeze3A_187 = vector.shape_cast %broadcast_in_dim3A_169 : vector<16x1x128xf32> to vector<16x128xf32>
    %squeeze3A_188 = vector.shape_cast %broadcast_in_dim3A_177 : vector<16x1x128xi32> to vector<16x128xi32>
    %mul3A_189 = arith.constant 128 : i32
    %mul3A_190 = vector.broadcast %mul3A_189 : i32 to vector<16x128xi32>
    %mul3A_191 = arith.muli %squeeze3A_188, %mul3A_190 : vector<16x128xi32>
    %add3A_192 = arith.addi %mul3A_191, %iota3A_15 : vector<16x128xi32>
    %get3A_193 = arith.constant 0 : index
    %get3A_194 = arith.constant 0 : index
    %get3A_195 = arith.constant 0 : index
    %get3A_196 = vector.load %arg5[%get3A_193, %get3A_194, %get3A_195] : memref<16x256x128xf32, #tpu.memory_space<vmem>>, vector<16x256x128xf32>
    %reduce_max3A_197 = arith.constant dense<0xFF800000> : vector<16x128xf32>
    %reduce_max3A_198 = vector.multi_reduction <maximumf>, %get3A_196, %reduce_max3A_197 [1] : vector<16x256x128xf32> to vector<16x128xf32>
    %broadcast_in_dim3A_199 = vector.shape_cast %reduce_max3A_198 : vector<16x128xf32> to vector<16x1x128xf32>
    %eq3A_200 = vector.broadcast %broadcast_in_dim3A_199 : vector<16x1x128xf32> to vector<16x256x128xf32>
    %eq3A_201 = arith.cmpf oeq, %get3A_196, %eq3A_200 : vector<16x256x128xf32>
    %jit3A_202 = arith.constant 256 : i32
    %broadcast_in_dim3A_203 = vector.broadcast %jit3A_202 : i32 to vector<16x256x128xi32>
    %select_n3A_204 = arith.select %eq3A_201, %iota3A, %broadcast_in_dim3A_203 : vector<16x256x128xi1>, vector<16x256x128xi32>
    %reduce_min3A_205 = arith.constant dense<2147483647> : vector<16x128xi32>
    %reduce_min3A_206 = vector.multi_reduction <minsi>, %select_n3A_204, %reduce_min3A_205 [1] : vector<16x256x128xi32> to vector<16x128xi32>
    %broadcast_in_dim3A_207 = vector.shape_cast %reduce_min3A_206 : vector<16x128xi32> to vector<16x1x128xi32>
    %eq3A_208 = vector.broadcast %broadcast_in_dim3A_207 : vector<16x1x128xi32> to vector<16x256x128xi32>
    %eq3A_209 = arith.cmpi eq, %iota3A, %eq3A_208 : vector<16x256x128xi32>
    %jit3A_210 = arith.constant 0xFF800000 : f32
    %broadcast_in_dim3A_211 = vector.broadcast %jit3A_210 : f32 to vector<16x256x128xf32>
    %select_n3A_212 = arith.select %eq3A_209, %broadcast_in_dim3A_211, %get3A_196 : vector<16x256x128xi1>, vector<16x256x128xf32>
    %swap3A_213 = arith.constant 0 : index
    %swap3A_214 = arith.constant 0 : index
    %swap3A_215 = arith.constant 0 : index
    %swap3A_216 = vector.load %arg5[%swap3A_213, %swap3A_214, %swap3A_215] : memref<16x256x128xf32, #tpu.memory_space<vmem>>, vector<16x256x128xf32>
    tpu.vector_store %arg5[%swap3A_213, %swap3A_214, %swap3A_215], %select_n3A_212 {strides = array<i32>} : memref<16x256x128xf32, #tpu.memory_space<vmem>>, vector<16x256x128xf32>,
    %squeeze3A_217 = vector.shape_cast %broadcast_in_dim3A_199 : vector<16x1x128xf32> to vector<16x128xf32>
    %squeeze3A_218 = vector.shape_cast %broadcast_in_dim3A_207 : vector<16x1x128xi32> to vector<16x128xi32>
    %mul3A_219 = arith.constant 128 : i32
    %mul3A_220 = vector.broadcast %mul3A_219 : i32 to vector<16x128xi32>
    %mul3A_221 = arith.muli %squeeze3A_218, %mul3A_220 : vector<16x128xi32>
    %add3A_222 = arith.addi %mul3A_221, %iota3A_15 : vector<16x128xi32>
    %get3A_223 = arith.constant 0 : index
    %get3A_224 = arith.constant 0 : index
    %get3A_225 = arith.constant 0 : index
    %get3A_226 = vector.load %arg5[%get3A_223, %get3A_224, %get3A_225] : memref<16x256x128xf32, #tpu.memory_space<vmem>>, vector<16x256x128xf32>
    %reduce_max3A_227 = arith.constant dense<0xFF800000> : vector<16x128xf32>
    %reduce_max3A_228 = vector.multi_reduction <maximumf>, %get3A_226, %reduce_max3A_227 [1] : vector<16x256x128xf32> to vector<16x128xf32>
    %broadcast_in_dim3A_229 = vector.shape_cast %reduce_max3A_228 : vector<16x128xf32> to vector<16x1x128xf32>
    %eq3A_230 = vector.broadcast %broadcast_in_dim3A_229 : vector<16x1x128xf32> to vector<16x256x128xf32>
    %eq3A_231 = arith.cmpf oeq, %get3A_226, %eq3A_230 : vector<16x256x128xf32>
    %jit3A_232 = arith.constant 256 : i32
    %broadcast_in_dim3A_233 = vector.broadcast %jit3A_232 : i32 to vector<16x256x128xi32>
    %select_n3A_234 = arith.select %eq3A_231, %iota3A, %broadcast_in_dim3A_233 : vector<16x256x128xi1>, vector<16x256x128xi32>
    %reduce_min3A_235 = arith.constant dense<2147483647> : vector<16x128xi32>
    %reduce_min3A_236 = vector.multi_reduction <minsi>, %select_n3A_234, %reduce_min3A_235 [1] : vector<16x256x128xi32> to vector<16x128xi32>
    %broadcast_in_dim3A_237 = vector.shape_cast %reduce_min3A_236 : vector<16x128xi32> to vector<16x1x128xi32>
    %eq3A_238 = vector.broadcast %broadcast_in_dim3A_237 : vector<16x1x128xi32> to vector<16x256x128xi32>
    %eq3A_239 = arith.cmpi eq, %iota3A, %eq3A_238 : vector<16x256x128xi32>
    %jit3A_240 = arith.constant 0xFF800000 : f32
    %broadcast_in_dim3A_241 = vector.broadcast %jit3A_240 : f32 to vector<16x256x128xf32>
    %select_n3A_242 = arith.select %eq3A_239, %broadcast_in_dim3A_241, %get3A_226 : vector<16x256x128xi1>, vector<16x256x128xf32>
    %swap3A_243 = arith.constant 0 : index
    %swap3A_244 = arith.constant 0 : index
    %swap3A_245 = arith.constant 0 : index
    %swap3A_246 = vector.load %arg5[%swap3A_243, %swap3A_244, %swap3A_245] : memref<16x256x128xf32, #tpu.memory_space<vmem>>, vector<16x256x128xf32>
    tpu.vector_store %arg5[%swap3A_243, %swap3A_244, %swap3A_245], %select_n3A_242 {strides = array<i32>} : memref<16x256x128xf32, #tpu.memory_space<vmem>>, vector<16x256x128xf32>,
    %squeeze3A_247 = vector.shape_cast %broadcast_in_dim3A_229 : vector<16x1x128xf32> to vector<16x128xf32>
    %squeeze3A_248 = vector.shape_cast %broadcast_in_dim3A_237 : vector<16x1x128xi32> to vector<16x128xi32>
    %mul3A_249 = arith.constant 128 : i32
    %mul3A_250 = vector.broadcast %mul3A_249 : i32 to vector<16x128xi32>
    %mul3A_251 = arith.muli %squeeze3A_248, %mul3A_250 : vector<16x128xi32>
    %add3A_252 = arith.addi %mul3A_251, %iota3A_15 : vector<16x128xi32>
    %broadcast_in_dim3A_253 = arith.constant 0 : i32
    %broadcast_in_dim3A_254 = vector.broadcast %broadcast_in_dim3A_253 : i32 to vector<16x128xi32>
    %broadcast_in_dim3A_255 = arith.constant 0.000000e+00 : f32
    %broadcast_in_dim3A_256 = vector.broadcast %broadcast_in_dim3A_255 : f32 to vector<16x64xf32>
    %broadcast_in_dim3A_257 = arith.constant 0 : i32
    %broadcast_in_dim3A_258 = vector.broadcast %broadcast_in_dim3A_257 : i32 to vector<16x64xi32>
    %scan3A = arith.constant 0 : i32
    %scan3A_259 = arith.constant 64 : i32
    %scan3A_260 = arith.addi %scan3A, %scan3A_259 : i32
    %scan3A_261 = arith.constant 16 : i32
    %scan3A_262:11 = scf.for %scan3A_278 = %scan3A to %scan3A_260 step %scan3A_261 iter_args(%scan3A_279 = %squeeze3A, %scan3A_280 = %squeeze3A_67, %scan3A_281 = %squeeze3A_97, %scan3A_282 = %squeeze3A_127, %scan3A_283 = %squeeze3A_157, %scan3A_284 = %squeeze3A_187, %scan3A_285 = %squeeze3A_217, %scan3A_286 = %squeeze3A_247, %scan3A_287 = %broadcast_in_dim3A_254, %scan3A_288 = %broadcast_in_dim3A_256, %scan3A_289 = %broadcast_in_dim3A_258) -> (vector<16x128xf32>, vector<16x128xf32>, vector<16x128xf32>, vector<16x128xf32>, vector<16x128xf32>, vector<16x128xf32>, vector<16x128xf32>, vector<16x128xf32>, vector<16x128xi32>, vector<16x64xf32>, vector<16x64xi32>)  : i32 {
      %max3A = arith.maximumf %scan3A_279, %scan3A_280 : vector<16x128xf32>
      %max3A_290 = arith.maximumf %max3A, %scan3A_281 : vector<16x128xf32>
      %max3A_291 = arith.maximumf %max3A_290, %scan3A_282 : vector<16x128xf32>
      %max3A_292 = arith.maximumf %max3A_291, %scan3A_283 : vector<16x128xf32>
      %max3A_293 = arith.maximumf %max3A_292, %scan3A_284 : vector<16x128xf32>
      %max3A_294 = arith.maximumf %max3A_293, %scan3A_285 : vector<16x128xf32>
      %max3A_295 = arith.maximumf %max3A_294, %scan3A_286 : vector<16x128xf32>
      %reduce_max3A_296 = arith.constant dense<0xFF800000> : vector<16xf32>
      %reduce_max3A_297 = vector.multi_reduction <maximumf>, %max3A_295, %reduce_max3A_296 [1] : vector<16x128xf32> to vector<16xf32>
      %broadcast_in_dim3A_298 = vector.shape_cast %reduce_max3A_297 : vector<16xf32> to vector<16x1xf32>
      %broadcast_in_dim3A_299 = arith.constant 16777216 : i32
      %broadcast_in_dim3A_300 = vector.broadcast %broadcast_in_dim3A_299 : i32 to vector<16x128xi32>
      %eq3A_301 = vector.broadcast %broadcast_in_dim3A_298 : vector<16x1xf32> to vector<16x128xf32>
      %eq3A_302 = arith.cmpf oeq, %scan3A_279, %eq3A_301 : vector<16x128xf32>
      %jit3A_303 = arith.constant 16777216 : i32
      %broadcast_in_dim3A_304 = vector.broadcast %jit3A_303 : i32 to vector<16x128xi32>
      %select_n3A_305 = arith.select %eq3A_302, %add3A_42, %broadcast_in_dim3A_304 : vector<16x128xi1>, vector<16x128xi32>
      %min3A = arith.minsi %broadcast_in_dim3A_300, %select_n3A_305 : vector<16x128xi32>
      %eq3A_306 = vector.broadcast %broadcast_in_dim3A_298 : vector<16x1xf32> to vector<16x128xf32>
      %eq3A_307 = arith.cmpf oeq, %scan3A_280, %eq3A_306 : vector<16x128xf32>
      %jit3A_308 = arith.constant 16777216 : i32
      %broadcast_in_dim3A_309 = vector.broadcast %jit3A_308 : i32 to vector<16x128xi32>
      %select_n3A_310 = arith.select %eq3A_307, %add3A_72, %broadcast_in_dim3A_309 : vector<16x128xi1>, vector<16x128xi32>
      %min3A_311 = arith.minsi %min3A, %select_n3A_310 : vector<16x128xi32>
      %eq3A_312 = vector.broadcast %broadcast_in_dim3A_298 : vector<16x1xf32> to vector<16x128xf32>
      %eq3A_313 = arith.cmpf oeq, %scan3A_281, %eq3A_312 : vector<16x128xf32>
      %jit3A_314 = arith.constant 16777216 : i32
      %broadcast_in_dim3A_315 = vector.broadcast %jit3A_314 : i32 to vector<16x128xi32>
      %select_n3A_316 = arith.select %eq3A_313, %add3A_102, %broadcast_in_dim3A_315 : vector<16x128xi1>, vector<16x128xi32>
      %min3A_317 = arith.minsi %min3A_311, %select_n3A_316 : vector<16x128xi32>
      %eq3A_318 = vector.broadcast %broadcast_in_dim3A_298 : vector<16x1xf32> to vector<16x128xf32>
      %eq3A_319 = arith.cmpf oeq, %scan3A_282, %eq3A_318 : vector<16x128xf32>
      %jit3A_320 = arith.constant 16777216 : i32
      %broadcast_in_dim3A_321 = vector.broadcast %jit3A_320 : i32 to vector<16x128xi32>
      %select_n3A_322 = arith.select %eq3A_319, %add3A_132, %broadcast_in_dim3A_321 : vector<16x128xi1>, vector<16x128xi32>
      %min3A_323 = arith.minsi %min3A_317, %select_n3A_322 : vector<16x128xi32>
      %eq3A_324 = vector.broadcast %broadcast_in_dim3A_298 : vector<16x1xf32> to vector<16x128xf32>
      %eq3A_325 = arith.cmpf oeq, %scan3A_283, %eq3A_324 : vector<16x128xf32>
      %jit3A_326 = arith.constant 16777216 : i32
      %broadcast_in_dim3A_327 = vector.broadcast %jit3A_326 : i32 to vector<16x128xi32>
      %select_n3A_328 = arith.select %eq3A_325, %add3A_162, %broadcast_in_dim3A_327 : vector<16x128xi1>, vector<16x128xi32>
      %min3A_329 = arith.minsi %min3A_323, %select_n3A_328 : vector<16x128xi32>
      %eq3A_330 = vector.broadcast %broadcast_in_dim3A_298 : vector<16x1xf32> to vector<16x128xf32>
      %eq3A_331 = arith.cmpf oeq, %scan3A_284, %eq3A_330 : vector<16x128xf32>
      %jit3A_332 = arith.constant 16777216 : i32
      %broadcast_in_dim3A_333 = vector.broadcast %jit3A_332 : i32 to vector<16x128xi32>
      %select_n3A_334 = arith.select %eq3A_331, %add3A_192, %broadcast_in_dim3A_333 : vector<16x128xi1>, vector<16x128xi32>
      %min3A_335 = arith.minsi %min3A_329, %select_n3A_334 : vector<16x128xi32>
      %eq3A_336 = vector.broadcast %broadcast_in_dim3A_298 : vector<16x1xf32> to vector<16x128xf32>
      %eq3A_337 = arith.cmpf oeq, %scan3A_285, %eq3A_336 : vector<16x128xf32>
      %jit3A_338 = arith.constant 16777216 : i32
      %broadcast_in_dim3A_339 = vector.broadcast %jit3A_338 : i32 to vector<16x128xi32>
      %select_n3A_340 = arith.select %eq3A_337, %add3A_222, %broadcast_in_dim3A_339 : vector<16x128xi1>, vector<16x128xi32>
      %min3A_341 = arith.minsi %min3A_335, %select_n3A_340 : vector<16x128xi32>
      %eq3A_342 = vector.broadcast %broadcast_in_dim3A_298 : vector<16x1xf32> to vector<16x128xf32>
      %eq3A_343 = arith.cmpf oeq, %scan3A_286, %eq3A_342 : vector<16x128xf32>
      %jit3A_344 = arith.constant 16777216 : i32
      %broadcast_in_dim3A_345 = vector.broadcast %jit3A_344 : i32 to vector<16x128xi32>
      %select_n3A_346 = arith.select %eq3A_343, %add3A_252, %broadcast_in_dim3A_345 : vector<16x128xi1>, vector<16x128xi32>
      %min3A_347 = arith.minsi %min3A_341, %select_n3A_346 : vector<16x128xi32>
      %reduce_min3A_348 = arith.constant dense<2147483647> : vector<16xi32>
      %reduce_min3A_349 = vector.multi_reduction <minsi>, %min3A_347, %reduce_min3A_348 [1] : vector<16x128xi32> to vector<16xi32>
      %broadcast_in_dim3A_350 = vector.shape_cast %reduce_min3A_349 : vector<16xi32> to vector<16x1xi32>
      %eq3A_351 = vector.broadcast %broadcast_in_dim3A_350 : vector<16x1xi32> to vector<16x128xi32>
      %eq3A_352 = arith.cmpi eq, %add3A_42, %eq3A_351 : vector<16x128xi32>
      %jit3A_353 = arith.constant 0xFF800000 : f32
      %broadcast_in_dim3A_354 = vector.broadcast %jit3A_353 : f32 to vector<16x128xf32>
      %select_n3A_355 = arith.select %eq3A_352, %broadcast_in_dim3A_354, %scan3A_279 : vector<16x128xi1>, vector<16x128xf32>
      %eq3A_356 = vector.broadcast %broadcast_in_dim3A_350 : vector<16x1xi32> to vector<16x128xi32>
      %eq3A_357 = arith.cmpi eq, %add3A_72, %eq3A_356 : vector<16x128xi32>
      %jit3A_358 = arith.constant 0xFF800000 : f32
      %broadcast_in_dim3A_359 = vector.broadcast %jit3A_358 : f32 to vector<16x128xf32>
      %select_n3A_360 = arith.select %eq3A_357, %broadcast_in_dim3A_359, %scan3A_280 : vector<16x128xi1>, vector<16x128xf32>
      %eq3A_361 = vector.broadcast %broadcast_in_dim3A_350 : vector<16x1xi32> to vector<16x128xi32>
      %eq3A_362 = arith.cmpi eq, %add3A_102, %eq3A_361 : vector<16x128xi32>
      %jit3A_363 = arith.constant 0xFF800000 : f32
      %broadcast_in_dim3A_364 = vector.broadcast %jit3A_363 : f32 to vector<16x128xf32>
      %select_n3A_365 = arith.select %eq3A_362, %broadcast_in_dim3A_364, %scan3A_281 : vector<16x128xi1>, vector<16x128xf32>
      %eq3A_366 = vector.broadcast %broadcast_in_dim3A_350 : vector<16x1xi32> to vector<16x128xi32>
      %eq3A_367 = arith.cmpi eq, %add3A_132, %eq3A_366 : vector<16x128xi32>
      %jit3A_368 = arith.constant 0xFF800000 : f32
      %broadcast_in_dim3A_369 = vector.broadcast %jit3A_368 : f32 to vector<16x128xf32>
      %select_n3A_370 = arith.select %eq3A_367, %broadcast_in_dim3A_369, %scan3A_282 : vector<16x128xi1>, vector<16x128xf32>
      %eq3A_371 = vector.broadcast %broadcast_in_dim3A_350 : vector<16x1xi32> to vector<16x128xi32>
      %eq3A_372 = arith.cmpi eq, %add3A_162, %eq3A_371 : vector<16x128xi32>
      %jit3A_373 = arith.constant 0xFF800000 : f32
      %broadcast_in_dim3A_374 = vector.broadcast %jit3A_373 : f32 to vector<16x128xf32>
      %select_n3A_375 = arith.select %eq3A_372, %broadcast_in_dim3A_374, %scan3A_283 : vector<16x128xi1>, vector<16x128xf32>
      %eq3A_376 = vector.broadcast %broadcast_in_dim3A_350 : vector<16x1xi32> to vector<16x128xi32>
      %eq3A_377 = arith.cmpi eq, %add3A_192, %eq3A_376 : vector<16x128xi32>
      %jit3A_378 = arith.constant 0xFF800000 : f32
      %broadcast_in_dim3A_379 = vector.broadcast %jit3A_378 : f32 to vector<16x128xf32>
      %select_n3A_380 = arith.select %eq3A_377, %broadcast_in_dim3A_379, %scan3A_284 : vector<16x128xi1>, vector<16x128xf32>
      %eq3A_381 = vector.broadcast %broadcast_in_dim3A_350 : vector<16x1xi32> to vector<16x128xi32>
      %eq3A_382 = arith.cmpi eq, %add3A_222, %eq3A_381 : vector<16x128xi32>
      %jit3A_383 = arith.constant 0xFF800000 : f32
      %broadcast_in_dim3A_384 = vector.broadcast %jit3A_383 : f32 to vector<16x128xf32>
      %select_n3A_385 = arith.select %eq3A_382, %broadcast_in_dim3A_384, %scan3A_285 : vector<16x128xi1>, vector<16x128xf32>
      %eq3A_386 = vector.broadcast %broadcast_in_dim3A_350 : vector<16x1xi32> to vector<16x128xi32>
      %eq3A_387 = arith.cmpi eq, %add3A_252, %eq3A_386 : vector<16x128xi32>
      %jit3A_388 = arith.constant 0xFF800000 : f32
      %broadcast_in_dim3A_389 = vector.broadcast %jit3A_388 : f32 to vector<16x128xf32>
      %select_n3A_390 = arith.select %eq3A_387, %broadcast_in_dim3A_389, %scan3A_286 : vector<16x128xi1>, vector<16x128xf32>
      %jit3A_391 = arith.constant 128 : i32
      %div3A_392 = vector.broadcast %jit3A_391 : i32 to vector<16x1xi32>
      %div3A_393 = arith.divsi %broadcast_in_dim3A_350, %div3A_392 : vector<16x1xi32>
      %sign3A = arith.constant 0 : i32
      %sign3A_394 = vector.broadcast %sign3A : i32 to vector<16x1xi32>
      %sign3A_395 = arith.cmpi sgt, %broadcast_in_dim3A_350, %sign3A_394 : vector<16x1xi32>
      %sign3A_396 = arith.extui %sign3A_395 : vector<16x1xi1> to vector<16x1xi32>
      %sign3A_397 = arith.constant 0 : i32
      %sign3A_398 = vector.broadcast %sign3A_397 : i32 to vector<16x1xi32>
      %sign3A_399 = arith.cmpi slt, %broadcast_in_dim3A_350, %sign3A_398 : vector<16x1xi32>
      %sign3A_400 = arith.extui %sign3A_399 : vector<16x1xi1> to vector<16x1xi32>
      %sign3A_401 = arith.subi %sign3A_396, %sign3A_400 : vector<16x1xi32>
      %sign3A_402 = arith.constant 0 : i32
      %sign3A_403 = arith.cmpi sgt, %jit3A_391, %sign3A_402 : i32
      %sign3A_404 = arith.extui %sign3A_403 : i1 to i32
      %sign3A_405 = arith.constant 0 : i32
      %sign3A_406 = arith.cmpi slt, %jit3A_391, %sign3A_405 : i32
      %sign3A_407 = arith.extui %sign3A_406 : i1 to i32
      %sign3A_408 = arith.subi %sign3A_404, %sign3A_407 : i32
      %ne3A = vector.broadcast %sign3A_408 : i32 to vector<16x1xi32>
      %ne3A_409 = arith.cmpi ne, %sign3A_401, %ne3A : vector<16x1xi32>
      %rem3A = vector.broadcast %jit3A_391 : i32 to vector<16x1xi32>
      %rem3A_410 = arith.remsi %broadcast_in_dim3A_350, %rem3A : vector<16x1xi32>
      %ne3A_411 = arith.constant 0 : i32
      %ne3A_412 = vector.broadcast %ne3A_411 : i32 to vector<16x1xi32>
      %ne3A_413 = arith.cmpi ne, %rem3A_410, %ne3A_412 : vector<16x1xi32>
      %and3A = arith.andi %ne3A_409, %ne3A_413 : vector<16x1xi1>
      %sub3A = arith.constant 1 : i32
      %sub3A_414 = vector.broadcast %sub3A : i32 to vector<16x1xi32>
      %sub3A_415 = arith.subi %div3A_393, %sub3A_414 : vector<16x1xi32>
      %select_n3A_416 = arith.select %and3A, %sub3A_415, %div3A_393 : vector<16x1xi1>, vector<16x1xi32>
      %mul3A_417 = arith.constant 128 : i32
      %mul3A_418 = vector.broadcast %mul3A_417 : i32 to vector<16x1xi32>
      %mul3A_419 = arith.muli %select_n3A_416, %mul3A_418 : vector<16x1xi32>
      %sub3A_420 = arith.subi %broadcast_in_dim3A_350, %mul3A_419 : vector<16x1xi32>
      %eq3A_421 = vector.broadcast %sub3A_420 : vector<16x1xi32> to vector<16x128xi32>
      %eq3A_422 = arith.cmpi eq, %iota3A_15, %eq3A_421 : vector<16x128xi32>
      %jit3A_423 = arith.constant 1 : i32
      %jit3A_424 = arith.constant 0 : i32
      %broadcast_in_dim3A_425 = vector.broadcast %jit3A_423 : i32 to vector<16x128xi32>
      %broadcast_in_dim3A_426 = vector.broadcast %jit3A_424 : i32 to vector<16x128xi32>
      %select_n3A_427 = arith.select %eq3A_422, %broadcast_in_dim3A_425, %broadcast_in_dim3A_426 : vector<16x128xi1>, vector<16x128xi32>
      %add3A_428 = arith.addi %scan3A_287, %select_n3A_427 : vector<16x128xi32>
      %eq3A_429 = vector.broadcast %scan3A_278 : i32 to vector<16x64xi32>
      %eq3A_430 = arith.cmpi eq, %iota3A_19, %eq3A_429 : vector<16x64xi32>
      %broadcast_in_dim3A_431 = vector.shape_cast %broadcast_in_dim3A_298 : vector<16x1xf32> to vector<16x1xf32>
      %broadcast_in_dim3A_432 = vector.broadcast %broadcast_in_dim3A_431 : vector<16x1xf32> to vector<16x64xf32>
      %select_n3A_433 = arith.select %eq3A_430, %broadcast_in_dim3A_432, %scan3A_288 : vector<16x64xi1>, vector<16x64xf32>
      %broadcast_in_dim3A_434 = vector.shape_cast %broadcast_in_dim3A_350 : vector<16x1xi32> to vector<16x1xi32>
      %broadcast_in_dim3A_435 = vector.broadcast %broadcast_in_dim3A_434 : vector<16x1xi32> to vector<16x64xi32>
      %select_n3A_436 = arith.select %eq3A_430, %broadcast_in_dim3A_435, %scan3A_289 : vector<16x64xi1>, vector<16x64xi32>
      %scan3A_437 = arith.constant 1 : i32
      %scan3A_438 = arith.addi %scan3A_278, %scan3A_437 : i32
      %max3A_439 = arith.maximumf %select_n3A_355, %select_n3A_360 : vector<16x128xf32>
      %max3A_440 = arith.maximumf %max3A_439, %select_n3A_365 : vector<16x128xf32>
      %max3A_441 = arith.maximumf %max3A_440, %select_n3A_370 : vector<16x128xf32>
      %max3A_442 = arith.maximumf %max3A_441, %select_n3A_375 : vector<16x128xf32>
      %max3A_443 = arith.maximumf %max3A_442, %select_n3A_380 : vector<16x128xf32>
      %max3A_444 = arith.maximumf %max3A_443, %select_n3A_385 : vector<16x128xf32>
      %max3A_445 = arith.maximumf %max3A_444, %select_n3A_390 : vector<16x128xf32>
      %reduce_max3A_446 = arith.constant dense<0xFF800000> : vector<16xf32>
      %reduce_max3A_447 = vector.multi_reduction <maximumf>, %max3A_445, %reduce_max3A_446 [1] : vector<16x128xf32> to vector<16xf32>
      %broadcast_in_dim3A_448 = vector.shape_cast %reduce_max3A_447 : vector<16xf32> to vector<16x1xf32>
      %broadcast_in_dim3A_449 = arith.constant 16777216 : i32
      %broadcast_in_dim3A_450 = vector.broadcast %broadcast_in_dim3A_449 : i32 to vector<16x128xi32>
      %eq3A_451 = vector.broadcast %broadcast_in_dim3A_448 : vector<16x1xf32> to vector<16x128xf32>
      %eq3A_452 = arith.cmpf oeq, %select_n3A_355, %eq3A_451 : vector<16x128xf32>
      %jit3A_453 = arith.constant 16777216 : i32
      %broadcast_in_dim3A_454 = vector.broadcast %jit3A_453 : i32 to vector<16x128xi32>
      %select_n3A_455 = arith.select %eq3A_452, %add3A_42, %broadcast_in_dim3A_454 : vector<16x128xi1>, vector<16x128xi32>
      %min3A_456 = arith.minsi %broadcast_in_dim3A_450, %select_n3A_455 : vector<16x128xi32>
      %eq3A_457 = vector.broadcast %broadcast_in_dim3A_448 : vector<16x1xf32> to vector<16x128xf32>
      %eq3A_458 = arith.cmpf oeq, %select_n3A_360, %eq3A_457 : vector<16x128xf32>
      %jit3A_459 = arith.constant 16777216 : i32
      %broadcast_in_dim3A_460 = vector.broadcast %jit3A_459 : i32 to vector<16x128xi32>
      %select_n3A_461 = arith.select %eq3A_458, %add3A_72, %broadcast_in_dim3A_460 : vector<16x128xi1>, vector<16x128xi32>
      %min3A_462 = arith.minsi %min3A_456, %select_n3A_461 : vector<16x128xi32>
      %eq3A_463 = vector.broadcast %broadcast_in_dim3A_448 : vector<16x1xf32> to vector<16x128xf32>
      %eq3A_464 = arith.cmpf oeq, %select_n3A_365, %eq3A_463 : vector<16x128xf32>
      %jit3A_465 = arith.constant 16777216 : i32
      %broadcast_in_dim3A_466 = vector.broadcast %jit3A_465 : i32 to vector<16x128xi32>
      %select_n3A_467 = arith.select %eq3A_464, %add3A_102, %broadcast_in_dim3A_466 : vector<16x128xi1>, vector<16x128xi32>
      %min3A_468 = arith.minsi %min3A_462, %select_n3A_467 : vector<16x128xi32>
      %eq3A_469 = vector.broadcast %broadcast_in_dim3A_448 : vector<16x1xf32> to vector<16x128xf32>
      %eq3A_470 = arith.cmpf oeq, %select_n3A_370, %eq3A_469 : vector<16x128xf32>
      %jit3A_471 = arith.constant 16777216 : i32
      %broadcast_in_dim3A_472 = vector.broadcast %jit3A_471 : i32 to vector<16x128xi32>
      %select_n3A_473 = arith.select %eq3A_470, %add3A_132, %broadcast_in_dim3A_472 : vector<16x128xi1>, vector<16x128xi32>
      %min3A_474 = arith.minsi %min3A_468, %select_n3A_473 : vector<16x128xi32>
      %eq3A_475 = vector.broadcast %broadcast_in_dim3A_448 : vector<16x1xf32> to vector<16x128xf32>
      %eq3A_476 = arith.cmpf oeq, %select_n3A_375, %eq3A_475 : vector<16x128xf32>
      %jit3A_477 = arith.constant 16777216 : i32
      %broadcast_in_dim3A_478 = vector.broadcast %jit3A_477 : i32 to vector<16x128xi32>
      %select_n3A_479 = arith.select %eq3A_476, %add3A_162, %broadcast_in_dim3A_478 : vector<16x128xi1>, vector<16x128xi32>
      %min3A_480 = arith.minsi %min3A_474, %select_n3A_479 : vector<16x128xi32>
      %eq3A_481 = vector.broadcast %broadcast_in_dim3A_448 : vector<16x1xf32> to vector<16x128xf32>
      %eq3A_482 = arith.cmpf oeq, %select_n3A_380, %eq3A_481 : vector<16x128xf32>
      %jit3A_483 = arith.constant 16777216 : i32
      %broadcast_in_dim3A_484 = vector.broadcast %jit3A_483 : i32 to vector<16x128xi32>
      %select_n3A_485 = arith.select %eq3A_482, %add3A_192, %broadcast_in_dim3A_484 : vector<16x128xi1>, vector<16x128xi32>
      %min3A_486 = arith.minsi %min3A_480, %select_n3A_485 : vector<16x128xi32>
      %eq3A_487 = vector.broadcast %broadcast_in_dim3A_448 : vector<16x1xf32> to vector<16x128xf32>
      %eq3A_488 = arith.cmpf oeq, %select_n3A_385, %eq3A_487 : vector<16x128xf32>
      %jit3A_489 = arith.constant 16777216 : i32
      %broadcast_in_dim3A_490 = vector.broadcast %jit3A_489 : i32 to vector<16x128xi32>
      %select_n3A_491 = arith.select %eq3A_488, %add3A_222, %broadcast_in_dim3A_490 : vector<16x128xi1>, vector<16x128xi32>
      %min3A_492 = arith.minsi %min3A_486, %select_n3A_491 : vector<16x128xi32>
      %eq3A_493 = vector.broadcast %broadcast_in_dim3A_448 : vector<16x1xf32> to vector<16x128xf32>
      %eq3A_494 = arith.cmpf oeq, %select_n3A_390, %eq3A_493 : vector<16x128xf32>
      %jit3A_495 = arith.constant 16777216 : i32
      %broadcast_in_dim3A_496 = vector.broadcast %jit3A_495 : i32 to vector<16x128xi32>
      %select_n3A_497 = arith.select %eq3A_494, %add3A_252, %broadcast_in_dim3A_496 : vector<16x128xi1>, vector<16x128xi32>
      %min3A_498 = arith.minsi %min3A_492, %select_n3A_497 : vector<16x128xi32>
      %reduce_min3A_499 = arith.constant dense<2147483647> : vector<16xi32>
      %reduce_min3A_500 = vector.multi_reduction <minsi>, %min3A_498, %reduce_min3A_499 [1] : vector<16x128xi32> to vector<16xi32>
      %broadcast_in_dim3A_501 = vector.shape_cast %reduce_min3A_500 : vector<16xi32> to vector<16x1xi32>
      %eq3A_502 = vector.broadcast %broadcast_in_dim3A_501 : vector<16x1xi32> to vector<16x128xi32>
      %eq3A_503 = arith.cmpi eq, %add3A_42, %eq3A_502 : vector<16x128xi32>
      %jit3A_504 = arith.constant 0xFF800000 : f32
      %broadcast_in_dim3A_505 = vector.broadcast %jit3A_504 : f32 to vector<16x128xf32>
      %select_n3A_506 = arith.select %eq3A_503, %broadcast_in_dim3A_505, %select_n3A_355 : vector<16x128xi1>, vector<16x128xf32>
      %eq3A_507 = vector.broadcast %broadcast_in_dim3A_501 : vector<16x1xi32> to vector<16x128xi32>
      %eq3A_508 = arith.cmpi eq, %add3A_72, %eq3A_507 : vector<16x128xi32>
      %jit3A_509 = arith.constant 0xFF800000 : f32
      %broadcast_in_dim3A_510 = vector.broadcast %jit3A_509 : f32 to vector<16x128xf32>
      %select_n3A_511 = arith.select %eq3A_508, %broadcast_in_dim3A_510, %select_n3A_360 : vector<16x128xi1>, vector<16x128xf32>
      %eq3A_512 = vector.broadcast %broadcast_in_dim3A_501 : vector<16x1xi32> to vector<16x128xi32>
      %eq3A_513 = arith.cmpi eq, %add3A_102, %eq3A_512 : vector<16x128xi32>
      %jit3A_514 = arith.constant 0xFF800000 : f32
      %broadcast_in_dim3A_515 = vector.broadcast %jit3A_514 : f32 to vector<16x128xf32>
      %select_n3A_516 = arith.select %eq3A_513, %broadcast_in_dim3A_515, %select_n3A_365 : vector<16x128xi1>, vector<16x128xf32>
      %eq3A_517 = vector.broadcast %broadcast_in_dim3A_501 : vector<16x1xi32> to vector<16x128xi32>
      %eq3A_518 = arith.cmpi eq, %add3A_132, %eq3A_517 : vector<16x128xi32>
      %jit3A_519 = arith.constant 0xFF800000 : f32
      %broadcast_in_dim3A_520 = vector.broadcast %jit3A_519 : f32 to vector<16x128xf32>
      %select_n3A_521 = arith.select %eq3A_518, %broadcast_in_dim3A_520, %select_n3A_370 : vector<16x128xi1>, vector<16x128xf32>
      %eq3A_522 = vector.broadcast %broadcast_in_dim3A_501 : vector<16x1xi32> to vector<16x128xi32>
      %eq3A_523 = arith.cmpi eq, %add3A_162, %eq3A_522 : vector<16x128xi32>
      %jit3A_524 = arith.constant 0xFF800000 : f32
      %broadcast_in_dim3A_525 = vector.broadcast %jit3A_524 : f32 to vector<16x128xf32>
      %select_n3A_526 = arith.select %eq3A_523, %broadcast_in_dim3A_525, %select_n3A_375 : vector<16x128xi1>, vector<16x128xf32>
      %eq3A_527 = vector.broadcast %broadcast_in_dim3A_501 : vector<16x1xi32> to vector<16x128xi32>
      %eq3A_528 = arith.cmpi eq, %add3A_192, %eq3A_527 : vector<16x128xi32>
      %jit3A_529 = arith.constant 0xFF800000 : f32
      %broadcast_in_dim3A_530 = vector.broadcast %jit3A_529 : f32 to vector<16x128xf32>
      %select_n3A_531 = arith.select %eq3A_528, %broadcast_in_dim3A_530, %select_n3A_380 : vector<16x128xi1>, vector<16x128xf32>
      %eq3A_532 = vector.broadcast %broadcast_in_dim3A_501 : vector<16x1xi32> to vector<16x128xi32>
      %eq3A_533 = arith.cmpi eq, %add3A_222, %eq3A_532 : vector<16x128xi32>
      %jit3A_534 = arith.constant 0xFF800000 : f32
      %broadcast_in_dim3A_535 = vector.broadcast %jit3A_534 : f32 to vector<16x128xf32>
      %select_n3A_536 = arith.select %eq3A_533, %broadcast_in_dim3A_535, %select_n3A_385 : vector<16x128xi1>, vector<16x128xf32>
      %eq3A_537 = vector.broadcast %broadcast_in_dim3A_501 : vector<16x1xi32> to vector<16x128xi32>
      %eq3A_538 = arith.cmpi eq, %add3A_252, %eq3A_537 : vector<16x128xi32>
      %jit3A_539 = arith.constant 0xFF800000 : f32
      %broadcast_in_dim3A_540 = vector.broadcast %jit3A_539 : f32 to vector<16x128xf32>
      %select_n3A_541 = arith.select %eq3A_538, %broadcast_in_dim3A_540, %select_n3A_390 : vector<16x128xi1>, vector<16x128xf32>
      %jit3A_542 = arith.constant 128 : i32
      %div3A_543 = vector.broadcast %jit3A_542 : i32 to vector<16x1xi32>
      %div3A_544 = arith.divsi %broadcast_in_dim3A_501, %div3A_543 : vector<16x1xi32>
      %sign3A_545 = arith.constant 0 : i32
      %sign3A_546 = vector.broadcast %sign3A_545 : i32 to vector<16x1xi32>
      %sign3A_547 = arith.cmpi sgt, %broadcast_in_dim3A_501, %sign3A_546 : vector<16x1xi32>
      %sign3A_548 = arith.extui %sign3A_547 : vector<16x1xi1> to vector<16x1xi32>
      %sign3A_549 = arith.constant 0 : i32
      %sign3A_550 = vector.broadcast %sign3A_549 : i32 to vector<16x1xi32>
      %sign3A_551 = arith.cmpi slt, %broadcast_in_dim3A_501, %sign3A_550 : vector<16x1xi32>
      %sign3A_552 = arith.extui %sign3A_551 : vector<16x1xi1> to vector<16x1xi32>
      %sign3A_553 = arith.subi %sign3A_548, %sign3A_552 : vector<16x1xi32>
      %sign3A_554 = arith.constant 0 : i32
      %sign3A_555 = arith.cmpi sgt, %jit3A_542, %sign3A_554 : i32
      %sign3A_556 = arith.extui %sign3A_555 : i1 to i32
      %sign3A_557 = arith.constant 0 : i32
      %sign3A_558 = arith.cmpi slt, %jit3A_542, %sign3A_557 : i32
      %sign3A_559 = arith.extui %sign3A_558 : i1 to i32
      %sign3A_560 = arith.subi %sign3A_556, %sign3A_559 : i32
      %ne3A_561 = vector.broadcast %sign3A_560 : i32 to vector<16x1xi32>
      %ne3A_562 = arith.cmpi ne, %sign3A_553, %ne3A_561 : vector<16x1xi32>
      %rem3A_563 = vector.broadcast %jit3A_542 : i32 to vector<16x1xi32>
      %rem3A_564 = arith.remsi %broadcast_in_dim3A_501, %rem3A_563 : vector<16x1xi32>
      %ne3A_565 = arith.constant 0 : i32
      %ne3A_566 = vector.broadcast %ne3A_565 : i32 to vector<16x1xi32>
      %ne3A_567 = arith.cmpi ne, %rem3A_564, %ne3A_566 : vector<16x1xi32>
      %and3A_568 = arith.andi %ne3A_562, %ne3A_567 : vector<16x1xi1>
      %sub3A_569 = arith.constant 1 : i32
      %sub3A_570 = vector.broadcast %sub3A_569 : i32 to vector<16x1xi32>
      %sub3A_571 = arith.subi %div3A_544, %sub3A_570 : vector<16x1xi32>
      %select_n3A_572 = arith.select %and3A_568, %sub3A_571, %div3A_544 : vector<16x1xi1>, vector<16x1xi32>
      %mul3A_573 = arith.constant 128 : i32
      %mul3A_574 = vector.broadcast %mul3A_573 : i32 to vector<16x1xi32>
      %mul3A_575 = arith.muli %select_n3A_572, %mul3A_574 : vector<16x1xi32>
      %sub3A_576 = arith.subi %broadcast_in_dim3A_501, %mul3A_575 : vector<16x1xi32>
      %eq3A_577 = vector.broadcast %sub3A_576 : vector<16x1xi32> to vector<16x128xi32>
      %eq3A_578 = arith.cmpi eq, %iota3A_15, %eq3A_577 : vector<16x128xi32>
      %jit3A_579 = arith.constant 1 : i32
      %jit3A_580 = arith.constant 0 : i32
      %broadcast_in_dim3A_581 = vector.broadcast %jit3A_579 : i32 to vector<16x128xi32>
      %broadcast_in_dim3A_582 = vector.broadcast %jit3A_580 : i32 to vector<16x128xi32>
      %select_n3A_583 = arith.select %eq3A_578, %broadcast_in_dim3A_581, %broadcast_in_dim3A_582 : vector<16x128xi1>, vector<16x128xi32>
      %add3A_584 = arith.addi %add3A_428, %select_n3A_583 : vector<16x128xi32>
      %eq3A_585 = vector.broadcast %scan3A_438 : i32 to vector<16x64xi32>
      %eq3A_586 = arith.cmpi eq, %iota3A_19, %eq3A_585 : vector<16x64xi32>
      %broadcast_in_dim3A_587 = vector.shape_cast %broadcast_in_dim3A_448 : vector<16x1xf32> to vector<16x1xf32>
      %broadcast_in_dim3A_588 = vector.broadcast %broadcast_in_dim3A_587 : vector<16x1xf32> to vector<16x64xf32>
      %select_n3A_589 = arith.select %eq3A_586, %broadcast_in_dim3A_588, %select_n3A_433 : vector<16x64xi1>, vector<16x64xf32>
      %broadcast_in_dim3A_590 = vector.shape_cast %broadcast_in_dim3A_501 : vector<16x1xi32> to vector<16x1xi32>
      %broadcast_in_dim3A_591 = vector.broadcast %broadcast_in_dim3A_590 : vector<16x1xi32> to vector<16x64xi32>
      %select_n3A_592 = arith.select %eq3A_586, %broadcast_in_dim3A_591, %select_n3A_436 : vector<16x64xi1>, vector<16x64xi32>
      %scan3A_593 = arith.constant 2 : i32
      %scan3A_594 = arith.addi %scan3A_278, %scan3A_593 : i32
      %max3A_595 = arith.maximumf %select_n3A_506, %select_n3A_511 : vector<16x128xf32>
      %max3A_596 = arith.maximumf %max3A_595, %select_n3A_516 : vector<16x128xf32>
      %max3A_597 = arith.maximumf %max3A_596, %select_n3A_521 : vector<16x128xf32>
      %max3A_598 = arith.maximumf %max3A_597, %select_n3A_526 : vector<16x128xf32>
      %max3A_599 = arith.maximumf %max3A_598, %select_n3A_531 : vector<16x128xf32>
      %max3A_600 = arith.maximumf %max3A_599, %select_n3A_536 : vector<16x128xf32>
      %max3A_601 = arith.maximumf %max3A_600, %select_n3A_541 : vector<16x128xf32>
      %reduce_max3A_602 = arith.constant dense<0xFF800000> : vector<16xf32>
      %reduce_max3A_603 = vector.multi_reduction <maximumf>, %max3A_601, %reduce_max3A_602 [1] : vector<16x128xf32> to vector<16xf32>
      %broadcast_in_dim3A_604 = vector.shape_cast %reduce_max3A_603 : vector<16xf32> to vector<16x1xf32>
      %broadcast_in_dim3A_605 = arith.constant 16777216 : i32
      %broadcast_in_dim3A_606 = vector.broadcast %broadcast_in_dim3A_605 : i32 to vector<16x128xi32>
      %eq3A_607 = vector.broadcast %broadcast_in_dim3A_604 : vector<16x1xf32> to vector<16x128xf32>
      %eq3A_608 = arith.cmpf oeq, %select_n3A_506, %eq3A_607 : vector<16x128xf32>
      %jit3A_609 = arith.constant 16777216 : i32
      %broadcast_in_dim3A_610 = vector.broadcast %jit3A_609 : i32 to vector<16x128xi32>
      %select_n3A_611 = arith.select %eq3A_608, %add3A_42, %broadcast_in_dim3A_610 : vector<16x128xi1>, vector<16x128xi32>
      %min3A_612 = arith.minsi %broadcast_in_dim3A_606, %select_n3A_611 : vector<16x128xi32>
      %eq3A_613 = vector.broadcast %broadcast_in_dim3A_604 : vector<16x1xf32> to vector<16x128xf32>
      %eq3A_614 = arith.cmpf oeq, %select_n3A_511, %eq3A_613 : vector<16x128xf32>
      %jit3A_615 = arith.constant 16777216 : i32
      %broadcast_in_dim3A_616 = vector.broadcast %jit3A_615 : i32 to vector<16x128xi32>
      %select_n3A_617 = arith.select %eq3A_614, %add3A_72, %broadcast_in_dim3A_616 : vector<16x128xi1>, vector<16x128xi32>
      %min3A_618 = arith.minsi %min3A_612, %select_n3A_617 : vector<16x128xi32>
      %eq3A_619 = vector.broadcast %broadcast_in_dim3A_604 : vector<16x1xf32> to vector<16x128xf32>
      %eq3A_620 = arith.cmpf oeq, %select_n3A_516, %eq3A_619 : vector<16x128xf32>
      %jit3A_621 = arith.constant 16777216 : i32
      %broadcast_in_dim3A_622 = vector.broadcast %jit3A_621 : i32 to vector<16x128xi32>
      %select_n3A_623 = arith.select %eq3A_620, %add3A_102, %broadcast_in_dim3A_622 : vector<16x128xi1>, vector<16x128xi32>
      %min3A_624 = arith.minsi %min3A_618, %select_n3A_623 : vector<16x128xi32>
      %eq3A_625 = vector.broadcast %broadcast_in_dim3A_604 : vector<16x1xf32> to vector<16x128xf32>
      %eq3A_626 = arith.cmpf oeq, %select_n3A_521, %eq3A_625 : vector<16x128xf32>
      %jit3A_627 = arith.constant 16777216 : i32
      %broadcast_in_dim3A_628 = vector.broadcast %jit3A_627 : i32 to vector<16x128xi32>
      %select_n3A_629 = arith.select %eq3A_626, %add3A_132, %broadcast_in_dim3A_628 : vector<16x128xi1>, vector<16x128xi32>
      %min3A_630 = arith.minsi %min3A_624, %select_n3A_629 : vector<16x128xi32>
      %eq3A_631 = vector.broadcast %broadcast_in_dim3A_604 : vector<16x1xf32> to vector<16x128xf32>
      %eq3A_632 = arith.cmpf oeq, %select_n3A_526, %eq3A_631 : vector<16x128xf32>
      %jit3A_633 = arith.constant 16777216 : i32
      %broadcast_in_dim3A_634 = vector.broadcast %jit3A_633 : i32 to vector<16x128xi32>
      %select_n3A_635 = arith.select %eq3A_632, %add3A_162, %broadcast_in_dim3A_634 : vector<16x128xi1>, vector<16x128xi32>
      %min3A_636 = arith.minsi %min3A_630, %select_n3A_635 : vector<16x128xi32>
      %eq3A_637 = vector.broadcast %broadcast_in_dim3A_604 : vector<16x1xf32> to vector<16x128xf32>
      %eq3A_638 = arith.cmpf oeq, %select_n3A_531, %eq3A_637 : vector<16x128xf32>
      %jit3A_639 = arith.constant 16777216 : i32
      %broadcast_in_dim3A_640 = vector.broadcast %jit3A_639 : i32 to vector<16x128xi32>
      %select_n3A_641 = arith.select %eq3A_638, %add3A_192, %broadcast_in_dim3A_640 : vector<16x128xi1>, vector<16x128xi32>
      %min3A_642 = arith.minsi %min3A_636, %select_n3A_641 : vector<16x128xi32>
      %eq3A_643 = vector.broadcast %broadcast_in_dim3A_604 : vector<16x1xf32> to vector<16x128xf32>
      %eq3A_644 = arith.cmpf oeq, %select_n3A_536, %eq3A_643 : vector<16x128xf32>
      %jit3A_645 = arith.constant 16777216 : i32
      %broadcast_in_dim3A_646 = vector.broadcast %jit3A_645 : i32 to vector<16x128xi32>
      %select_n3A_647 = arith.select %eq3A_644, %add3A_222, %broadcast_in_dim3A_646 : vector<16x128xi1>, vector<16x128xi32>
      %min3A_648 = arith.minsi %min3A_642, %select_n3A_647 : vector<16x128xi32>
      %eq3A_649 = vector.broadcast %broadcast_in_dim3A_604 : vector<16x1xf32> to vector<16x128xf32>
      %eq3A_650 = arith.cmpf oeq, %select_n3A_541, %eq3A_649 : vector<16x128xf32>
      %jit3A_651 = arith.constant 16777216 : i32
      %broadcast_in_dim3A_652 = vector.broadcast %jit3A_651 : i32 to vector<16x128xi32>
      %select_n3A_653 = arith.select %eq3A_650, %add3A_252, %broadcast_in_dim3A_652 : vector<16x128xi1>, vector<16x128xi32>
      %min3A_654 = arith.minsi %min3A_648, %select_n3A_653 : vector<16x128xi32>
      %reduce_min3A_655 = arith.constant dense<2147483647> : vector<16xi32>
      %reduce_min3A_656 = vector.multi_reduction <minsi>, %min3A_654, %reduce_min3A_655 [1] : vector<16x128xi32> to vector<16xi32>
      %broadcast_in_dim3A_657 = vector.shape_cast %reduce_min3A_656 : vector<16xi32> to vector<16x1xi32>
      %eq3A_658 = vector.broadcast %broadcast_in_dim3A_657 : vector<16x1xi32> to vector<16x128xi32>
      %eq3A_659 = arith.cmpi eq, %add3A_42, %eq3A_658 : vector<16x128xi32>
      %jit3A_660 = arith.constant 0xFF800000 : f32
      %broadcast_in_dim3A_661 = vector.broadcast %jit3A_660 : f32 to vector<16x128xf32>
      %select_n3A_662 = arith.select %eq3A_659, %broadcast_in_dim3A_661, %select_n3A_506 : vector<16x128xi1>, vector<16x128xf32>
      %eq3A_663 = vector.broadcast %broadcast_in_dim3A_657 : vector<16x1xi32> to vector<16x128xi32>
      %eq3A_664 = arith.cmpi eq, %add3A_72, %eq3A_663 : vector<16x128xi32>
      %jit3A_665 = arith.constant 0xFF800000 : f32
      %broadcast_in_dim3A_666 = vector.broadcast %jit3A_665 : f32 to vector<16x128xf32>
      %select_n3A_667 = arith.select %eq3A_664, %broadcast_in_dim3A_666, %select_n3A_511 : vector<16x128xi1>, vector<16x128xf32>
      %eq3A_668 = vector.broadcast %broadcast_in_dim3A_657 : vector<16x1xi32> to vector<16x128xi32>
      %eq3A_669 = arith.cmpi eq, %add3A_102, %eq3A_668 : vector<16x128xi32>
      %jit3A_670 = arith.constant 0xFF800000 : f32
      %broadcast_in_dim3A_671 = vector.broadcast %jit3A_670 : f32 to vector<16x128xf32>
      %select_n3A_672 = arith.select %eq3A_669, %broadcast_in_dim3A_671, %select_n3A_516 : vector<16x128xi1>, vector<16x128xf32>
      %eq3A_673 = vector.broadcast %broadcast_in_dim3A_657 : vector<16x1xi32> to vector<16x128xi32>
      %eq3A_674 = arith.cmpi eq, %add3A_132, %eq3A_673 : vector<16x128xi32>
      %jit3A_675 = arith.constant 0xFF800000 : f32
      %broadcast_in_dim3A_676 = vector.broadcast %jit3A_675 : f32 to vector<16x128xf32>
      %select_n3A_677 = arith.select %eq3A_674, %broadcast_in_dim3A_676, %select_n3A_521 : vector<16x128xi1>, vector<16x128xf32>
      %eq3A_678 = vector.broadcast %broadcast_in_dim3A_657 : vector<16x1xi32> to vector<16x128xi32>
      %eq3A_679 = arith.cmpi eq, %add3A_162, %eq3A_678 : vector<16x128xi32>
      %jit3A_680 = arith.constant 0xFF800000 : f32
      %broadcast_in_dim3A_681 = vector.broadcast %jit3A_680 : f32 to vector<16x128xf32>
      %select_n3A_682 = arith.select %eq3A_679, %broadcast_in_dim3A_681, %select_n3A_526 : vector<16x128xi1>, vector<16x128xf32>
      %eq3A_683 = vector.broadcast %broadcast_in_dim3A_657 : vector<16x1xi32> to vector<16x128xi32>
      %eq3A_684 = arith.cmpi eq, %add3A_192, %eq3A_683 : vector<16x128xi32>
      %jit3A_685 = arith.constant 0xFF800000 : f32
      %broadcast_in_dim3A_686 = vector.broadcast %jit3A_685 : f32 to vector<16x128xf32>
      %select_n3A_687 = arith.select %eq3A_684, %broadcast_in_dim3A_686, %select_n3A_531 : vector<16x128xi1>, vector<16x128xf32>
      %eq3A_688 = vector.broadcast %broadcast_in_dim3A_657 : vector<16x1xi32> to vector<16x128xi32>
      %eq3A_689 = arith.cmpi eq, %add3A_222, %eq3A_688 : vector<16x128xi32>
      %jit3A_690 = arith.constant 0xFF800000 : f32
      %broadcast_in_dim3A_691 = vector.broadcast %jit3A_690 : f32 to vector<16x128xf32>
      %select_n3A_692 = arith.select %eq3A_689, %broadcast_in_dim3A_691, %select_n3A_536 : vector<16x128xi1>, vector<16x128xf32>
      %eq3A_693 = vector.broadcast %broadcast_in_dim3A_657 : vector<16x1xi32> to vector<16x128xi32>
      %eq3A_694 = arith.cmpi eq, %add3A_252, %eq3A_693 : vector<16x128xi32>
      %jit3A_695 = arith.constant 0xFF800000 : f32
      %broadcast_in_dim3A_696 = vector.broadcast %jit3A_695 : f32 to vector<16x128xf32>
      %select_n3A_697 = arith.select %eq3A_694, %broadcast_in_dim3A_696, %select_n3A_541 : vector<16x128xi1>, vector<16x128xf32>
      %jit3A_698 = arith.constant 128 : i32
      %div3A_699 = vector.broadcast %jit3A_698 : i32 to vector<16x1xi32>
      %div3A_700 = arith.divsi %broadcast_in_dim3A_657, %div3A_699 : vector<16x1xi32>
      %sign3A_701 = arith.constant 0 : i32
      %sign3A_702 = vector.broadcast %sign3A_701 : i32 to vector<16x1xi32>
      %sign3A_703 = arith.cmpi sgt, %broadcast_in_dim3A_657, %sign3A_702 : vector<16x1xi32>
      %sign3A_704 = arith.extui %sign3A_703 : vector<16x1xi1> to vector<16x1xi32>
      %sign3A_705 = arith.constant 0 : i32
      %sign3A_706 = vector.broadcast %sign3A_705 : i32 to vector<16x1xi32>
      %sign3A_707 = arith.cmpi slt, %broadcast_in_dim3A_657, %sign3A_706 : vector<16x1xi32>
      %sign3A_708 = arith.extui %sign3A_707 : vector<16x1xi1> to vector<16x1xi32>
      %sign3A_709 = arith.subi %sign3A_704, %sign3A_708 : vector<16x1xi32>
      %sign3A_710 = arith.constant 0 : i32
      %sign3A_711 = arith.cmpi sgt, %jit3A_698, %sign3A_710 : i32
      %sign3A_712 = arith.extui %sign3A_711 : i1 to i32
      %sign3A_713 = arith.constant 0 : i32
      %sign3A_714 = arith.cmpi slt, %jit3A_698, %sign3A_713 : i32
      %sign3A_715 = arith.extui %sign3A_714 : i1 to i32
      %sign3A_716 = arith.subi %sign3A_712, %sign3A_715 : i32
      %ne3A_717 = vector.broadcast %sign3A_716 : i32 to vector<16x1xi32>
      %ne3A_718 = arith.cmpi ne, %sign3A_709, %ne3A_717 : vector<16x1xi32>
      %rem3A_719 = vector.broadcast %jit3A_698 : i32 to vector<16x1xi32>
      %rem3A_720 = arith.remsi %broadcast_in_dim3A_657, %rem3A_719 : vector<16x1xi32>
      %ne3A_721 = arith.constant 0 : i32
      %ne3A_722 = vector.broadcast %ne3A_721 : i32 to vector<16x1xi32>
      %ne3A_723 = arith.cmpi ne, %rem3A_720, %ne3A_722 : vector<16x1xi32>
      %and3A_724 = arith.andi %ne3A_718, %ne3A_723 : vector<16x1xi1>
      %sub3A_725 = arith.constant 1 : i32
      %sub3A_726 = vector.broadcast %sub3A_725 : i32 to vector<16x1xi32>
      %sub3A_727 = arith.subi %div3A_700, %sub3A_726 : vector<16x1xi32>
      %select_n3A_728 = arith.select %and3A_724, %sub3A_727, %div3A_700 : vector<16x1xi1>, vector<16x1xi32>
      %mul3A_729 = arith.constant 128 : i32
      %mul3A_730 = vector.broadcast %mul3A_729 : i32 to vector<16x1xi32>
      %mul3A_731 = arith.muli %select_n3A_728, %mul3A_730 : vector<16x1xi32>
      %sub3A_732 = arith.subi %broadcast_in_dim3A_657, %mul3A_731 : vector<16x1xi32>
      %eq3A_733 = vector.broadcast %sub3A_732 : vector<16x1xi32> to vector<16x128xi32>
      %eq3A_734 = arith.cmpi eq, %iota3A_15, %eq3A_733 : vector<16x128xi32>
      %jit3A_735 = arith.constant 1 : i32
      %jit3A_736 = arith.constant 0 : i32
      %broadcast_in_dim3A_737 = vector.broadcast %jit3A_735 : i32 to vector<16x128xi32>
      %broadcast_in_dim3A_738 = vector.broadcast %jit3A_736 : i32 to vector<16x128xi32>
      %select_n3A_739 = arith.select %eq3A_734, %broadcast_in_dim3A_737, %broadcast_in_dim3A_738 : vector<16x128xi1>, vector<16x128xi32>
      %add3A_740 = arith.addi %add3A_584, %select_n3A_739 : vector<16x128xi32>
      %eq3A_741 = vector.broadcast %scan3A_594 : i32 to vector<16x64xi32>
      %eq3A_742 = arith.cmpi eq, %iota3A_19, %eq3A_741 : vector<16x64xi32>
      %broadcast_in_dim3A_743 = vector.shape_cast %broadcast_in_dim3A_604 : vector<16x1xf32> to vector<16x1xf32>
      %broadcast_in_dim3A_744 = vector.broadcast %broadcast_in_dim3A_743 : vector<16x1xf32> to vector<16x64xf32>
      %select_n3A_745 = arith.select %eq3A_742, %broadcast_in_dim3A_744, %select_n3A_589 : vector<16x64xi1>, vector<16x64xf32>
      %broadcast_in_dim3A_746 = vector.shape_cast %broadcast_in_dim3A_657 : vector<16x1xi32> to vector<16x1xi32>
      %broadcast_in_dim3A_747 = vector.broadcast %broadcast_in_dim3A_746 : vector<16x1xi32> to vector<16x64xi32>
      %select_n3A_748 = arith.select %eq3A_742, %broadcast_in_dim3A_747, %select_n3A_592 : vector<16x64xi1>, vector<16x64xi32>
      %scan3A_749 = arith.constant 3 : i32
      %scan3A_750 = arith.addi %scan3A_278, %scan3A_749 : i32
      %max3A_751 = arith.maximumf %select_n3A_662, %select_n3A_667 : vector<16x128xf32>
      %max3A_752 = arith.maximumf %max3A_751, %select_n3A_672 : vector<16x128xf32>
      %max3A_753 = arith.maximumf %max3A_752, %select_n3A_677 : vector<16x128xf32>
      %max3A_754 = arith.maximumf %max3A_753, %select_n3A_682 : vector<16x128xf32>
      %max3A_755 = arith.maximumf %max3A_754, %select_n3A_687 : vector<16x128xf32>
      %max3A_756 = arith.maximumf %max3A_755, %select_n3A_692 : vector<16x128xf32>
      %max3A_757 = arith.maximumf %max3A_756, %select_n3A_697 : vector<16x128xf32>
      %reduce_max3A_758 = arith.constant dense<0xFF800000> : vector<16xf32>
      %reduce_max3A_759 = vector.multi_reduction <maximumf>, %max3A_757, %reduce_max3A_758 [1] : vector<16x128xf32> to vector<16xf32>
      %broadcast_in_dim3A_760 = vector.shape_cast %reduce_max3A_759 : vector<16xf32> to vector<16x1xf32>
      %broadcast_in_dim3A_761 = arith.constant 16777216 : i32
      %broadcast_in_dim3A_762 = vector.broadcast %broadcast_in_dim3A_761 : i32 to vector<16x128xi32>
      %eq3A_763 = vector.broadcast %broadcast_in_dim3A_760 : vector<16x1xf32> to vector<16x128xf32>
      %eq3A_764 = arith.cmpf oeq, %select_n3A_662, %eq3A_763 : vector<16x128xf32>
      %jit3A_765 = arith.constant 16777216 : i32
      %broadcast_in_dim3A_766 = vector.broadcast %jit3A_765 : i32 to vector<16x128xi32>
      %select_n3A_767 = arith.select %eq3A_764, %add3A_42, %broadcast_in_dim3A_766 : vector<16x128xi1>, vector<16x128xi32>
      %min3A_768 = arith.minsi %broadcast_in_dim3A_762, %select_n3A_767 : vector<16x128xi32>
      %eq3A_769 = vector.broadcast %broadcast_in_dim3A_760 : vector<16x1xf32> to vector<16x128xf32>
      %eq3A_770 = arith.cmpf oeq, %select_n3A_667, %eq3A_769 : vector<16x128xf32>
      %jit3A_771 = arith.constant 16777216 : i32
      %broadcast_in_dim3A_772 = vector.broadcast %jit3A_771 : i32 to vector<16x128xi32>
      %select_n3A_773 = arith.select %eq3A_770, %add3A_72, %broadcast_in_dim3A_772 : vector<16x128xi1>, vector<16x128xi32>
      %min3A_774 = arith.minsi %min3A_768, %select_n3A_773 : vector<16x128xi32>
      %eq3A_775 = vector.broadcast %broadcast_in_dim3A_760 : vector<16x1xf32> to vector<16x128xf32>
      %eq3A_776 = arith.cmpf oeq, %select_n3A_672, %eq3A_775 : vector<16x128xf32>
      %jit3A_777 = arith.constant 16777216 : i32
      %broadcast_in_dim3A_778 = vector.broadcast %jit3A_777 : i32 to vector<16x128xi32>
      %select_n3A_779 = arith.select %eq3A_776, %add3A_102, %broadcast_in_dim3A_778 : vector<16x128xi1>, vector<16x128xi32>
      %min3A_780 = arith.minsi %min3A_774, %select_n3A_779 : vector<16x128xi32>
      %eq3A_781 = vector.broadcast %broadcast_in_dim3A_760 : vector<16x1xf32> to vector<16x128xf32>
      %eq3A_782 = arith.cmpf oeq, %select_n3A_677, %eq3A_781 : vector<16x128xf32>
      %jit3A_783 = arith.constant 16777216 : i32
      %broadcast_in_dim3A_784 = vector.broadcast %jit3A_783 : i32 to vector<16x128xi32>
      %select_n3A_785 = arith.select %eq3A_782, %add3A_132, %broadcast_in_dim3A_784 : vector<16x128xi1>, vector<16x128xi32>
      %min3A_786 = arith.minsi %min3A_780, %select_n3A_785 : vector<16x128xi32>
      %eq3A_787 = vector.broadcast %broadcast_in_dim3A_760 : vector<16x1xf32> to vector<16x128xf32>
      %eq3A_788 = arith.cmpf oeq, %select_n3A_682, %eq3A_787 : vector<16x128xf32>
      %jit3A_789 = arith.constant 16777216 : i32
      %broadcast_in_dim3A_790 = vector.broadcast %jit3A_789 : i32 to vector<16x128xi32>
      %select_n3A_791 = arith.select %eq3A_788, %add3A_162, %broadcast_in_dim3A_790 : vector<16x128xi1>, vector<16x128xi32>
      %min3A_792 = arith.minsi %min3A_786, %select_n3A_791 : vector<16x128xi32>
      %eq3A_793 = vector.broadcast %broadcast_in_dim3A_760 : vector<16x1xf32> to vector<16x128xf32>
      %eq3A_794 = arith.cmpf oeq, %select_n3A_687, %eq3A_793 : vector<16x128xf32>
      %jit3A_795 = arith.constant 16777216 : i32
      %broadcast_in_dim3A_796 = vector.broadcast %jit3A_795 : i32 to vector<16x128xi32>
      %select_n3A_797 = arith.select %eq3A_794, %add3A_192, %broadcast_in_dim3A_796 : vector<16x128xi1>, vector<16x128xi32>
      %min3A_798 = arith.minsi %min3A_792, %select_n3A_797 : vector<16x128xi32>
      %eq3A_799 = vector.broadcast %broadcast_in_dim3A_760 : vector<16x1xf32> to vector<16x128xf32>
      %eq3A_800 = arith.cmpf oeq, %select_n3A_692, %eq3A_799 : vector<16x128xf32>
      %jit3A_801 = arith.constant 16777216 : i32
      %broadcast_in_dim3A_802 = vector.broadcast %jit3A_801 : i32 to vector<16x128xi32>
      %select_n3A_803 = arith.select %eq3A_800, %add3A_222, %broadcast_in_dim3A_802 : vector<16x128xi1>, vector<16x128xi32>
      %min3A_804 = arith.minsi %min3A_798, %select_n3A_803 : vector<16x128xi32>
      %eq3A_805 = vector.broadcast %broadcast_in_dim3A_760 : vector<16x1xf32> to vector<16x128xf32>
      %eq3A_806 = arith.cmpf oeq, %select_n3A_697, %eq3A_805 : vector<16x128xf32>
      %jit3A_807 = arith.constant 16777216 : i32
      %broadcast_in_dim3A_808 = vector.broadcast %jit3A_807 : i32 to vector<16x128xi32>
      %select_n3A_809 = arith.select %eq3A_806, %add3A_252, %broadcast_in_dim3A_808 : vector<16x128xi1>, vector<16x128xi32>
      %min3A_810 = arith.minsi %min3A_804, %select_n3A_809 : vector<16x128xi32>
      %reduce_min3A_811 = arith.constant dense<2147483647> : vector<16xi32>
      %reduce_min3A_812 = vector.multi_reduction <minsi>, %min3A_810, %reduce_min3A_811 [1] : vector<16x128xi32> to vector<16xi32>
      %broadcast_in_dim3A_813 = vector.shape_cast %reduce_min3A_812 : vector<16xi32> to vector<16x1xi32>
      %eq3A_814 = vector.broadcast %broadcast_in_dim3A_813 : vector<16x1xi32> to vector<16x128xi32>
      %eq3A_815 = arith.cmpi eq, %add3A_42, %eq3A_814 : vector<16x128xi32>
      %jit3A_816 = arith.constant 0xFF800000 : f32
      %broadcast_in_dim3A_817 = vector.broadcast %jit3A_816 : f32 to vector<16x128xf32>
      %select_n3A_818 = arith.select %eq3A_815, %broadcast_in_dim3A_817, %select_n3A_662 : vector<16x128xi1>, vector<16x128xf32>
      %eq3A_819 = vector.broadcast %broadcast_in_dim3A_813 : vector<16x1xi32> to vector<16x128xi32>
      %eq3A_820 = arith.cmpi eq, %add3A_72, %eq3A_819 : vector<16x128xi32>
      %jit3A_821 = arith.constant 0xFF800000 : f32
      %broadcast_in_dim3A_822 = vector.broadcast %jit3A_821 : f32 to vector<16x128xf32>
      %select_n3A_823 = arith.select %eq3A_820, %broadcast_in_dim3A_822, %select_n3A_667 : vector<16x128xi1>, vector<16x128xf32>
      %eq3A_824 = vector.broadcast %broadcast_in_dim3A_813 : vector<16x1xi32> to vector<16x128xi32>
      %eq3A_825 = arith.cmpi eq, %add3A_102, %eq3A_824 : vector<16x128xi32>
      %jit3A_826 = arith.constant 0xFF800000 : f32
      %broadcast_in_dim3A_827 = vector.broadcast %jit3A_826 : f32 to vector<16x128xf32>
      %select_n3A_828 = arith.select %eq3A_825, %broadcast_in_dim3A_827, %select_n3A_672 : vector<16x128xi1>, vector<16x128xf32>
      %eq3A_829 = vector.broadcast %broadcast_in_dim3A_813 : vector<16x1xi32> to vector<16x128xi32>
      %eq3A_830 = arith.cmpi eq, %add3A_132, %eq3A_829 : vector<16x128xi32>
      %jit3A_831 = arith.constant 0xFF800000 : f32
      %broadcast_in_dim3A_832 = vector.broadcast %jit3A_831 : f32 to vector<16x128xf32>
      %select_n3A_833 = arith.select %eq3A_830, %broadcast_in_dim3A_832, %select_n3A_677 : vector<16x128xi1>, vector<16x128xf32>
      %eq3A_834 = vector.broadcast %broadcast_in_dim3A_813 : vector<16x1xi32> to vector<16x128xi32>
      %eq3A_835 = arith.cmpi eq, %add3A_162, %eq3A_834 : vector<16x128xi32>
      %jit3A_836 = arith.constant 0xFF800000 : f32
      %broadcast_in_dim3A_837 = vector.broadcast %jit3A_836 : f32 to vector<16x128xf32>
      %select_n3A_838 = arith.select %eq3A_835, %broadcast_in_dim3A_837, %select_n3A_682 : vector<16x128xi1>, vector<16x128xf32>
      %eq3A_839 = vector.broadcast %broadcast_in_dim3A_813 : vector<16x1xi32> to vector<16x128xi32>
      %eq3A_840 = arith.cmpi eq, %add3A_192, %eq3A_839 : vector<16x128xi32>
      %jit3A_841 = arith.constant 0xFF800000 : f32
      %broadcast_in_dim3A_842 = vector.broadcast %jit3A_841 : f32 to vector<16x128xf32>
      %select_n3A_843 = arith.select %eq3A_840, %broadcast_in_dim3A_842, %select_n3A_687 : vector<16x128xi1>, vector<16x128xf32>
      %eq3A_844 = vector.broadcast %broadcast_in_dim3A_813 : vector<16x1xi32> to vector<16x128xi32>
      %eq3A_845 = arith.cmpi eq, %add3A_222, %eq3A_844 : vector<16x128xi32>
      %jit3A_846 = arith.constant 0xFF800000 : f32
      %broadcast_in_dim3A_847 = vector.broadcast %jit3A_846 : f32 to vector<16x128xf32>
      %select_n3A_848 = arith.select %eq3A_845, %broadcast_in_dim3A_847, %select_n3A_692 : vector<16x128xi1>, vector<16x128xf32>
      %eq3A_849 = vector.broadcast %broadcast_in_dim3A_813 : vector<16x1xi32> to vector<16x128xi32>
      %eq3A_850 = arith.cmpi eq, %add3A_252, %eq3A_849 : vector<16x128xi32>
      %jit3A_851 = arith.constant 0xFF800000 : f32
      %broadcast_in_dim3A_852 = vector.broadcast %jit3A_851 : f32 to vector<16x128xf32>
      %select_n3A_853 = arith.select %eq3A_850, %broadcast_in_dim3A_852, %select_n3A_697 : vector<16x128xi1>, vector<16x128xf32>
      %jit3A_854 = arith.constant 128 : i32
      %div3A_855 = vector.broadcast %jit3A_854 : i32 to vector<16x1xi32>
      %div3A_856 = arith.divsi %broadcast_in_dim3A_813, %div3A_855 : vector<16x1xi32>
      %sign3A_857 = arith.constant 0 : i32
      %sign3A_858 = vector.broadcast %sign3A_857 : i32 to vector<16x1xi32>
      %sign3A_859 = arith.cmpi sgt, %broadcast_in_dim3A_813, %sign3A_858 : vector<16x1xi32>
      %sign3A_860 = arith.extui %sign3A_859 : vector<16x1xi1> to vector<16x1xi32>
      %sign3A_861 = arith.constant 0 : i32
      %sign3A_862 = vector.broadcast %sign3A_861 : i32 to vector<16x1xi32>
      %sign3A_863 = arith.cmpi slt, %broadcast_in_dim3A_813, %sign3A_862 : vector<16x1xi32>
      %sign3A_864 = arith.extui %sign3A_863 : vector<16x1xi1> to vector<16x1xi32>
      %sign3A_865 = arith.subi %sign3A_860, %sign3A_864 : vector<16x1xi32>
      %sign3A_866 = arith.constant 0 : i32
      %sign3A_867 = arith.cmpi sgt, %jit3A_854, %sign3A_866 : i32
      %sign3A_868 = arith.extui %sign3A_867 : i1 to i32
      %sign3A_869 = arith.constant 0 : i32
      %sign3A_870 = arith.cmpi slt, %jit3A_854, %sign3A_869 : i32
      %sign3A_871 = arith.extui %sign3A_870 : i1 to i32
      %sign3A_872 = arith.subi %sign3A_868, %sign3A_871 : i32
      %ne3A_873 = vector.broadcast %sign3A_872 : i32 to vector<16x1xi32>
      %ne3A_874 = arith.cmpi ne, %sign3A_865, %ne3A_873 : vector<16x1xi32>
      %rem3A_875 = vector.broadcast %jit3A_854 : i32 to vector<16x1xi32>
      %rem3A_876 = arith.remsi %broadcast_in_dim3A_813, %rem3A_875 : vector<16x1xi32>
      %ne3A_877 = arith.constant 0 : i32
      %ne3A_878 = vector.broadcast %ne3A_877 : i32 to vector<16x1xi32>
      %ne3A_879 = arith.cmpi ne, %rem3A_876, %ne3A_878 : vector<16x1xi32>
      %and3A_880 = arith.andi %ne3A_874, %ne3A_879 : vector<16x1xi1>
      %sub3A_881 = arith.constant 1 : i32
      %sub3A_882 = vector.broadcast %sub3A_881 : i32 to vector<16x1xi32>
      %sub3A_883 = arith.subi %div3A_856, %sub3A_882 : vector<16x1xi32>
      %select_n3A_884 = arith.select %and3A_880, %sub3A_883, %div3A_856 : vector<16x1xi1>, vector<16x1xi32>
      %mul3A_885 = arith.constant 128 : i32
      %mul3A_886 = vector.broadcast %mul3A_885 : i32 to vector<16x1xi32>
      %mul3A_887 = arith.muli %select_n3A_884, %mul3A_886 : vector<16x1xi32>
      %sub3A_888 = arith.subi %broadcast_in_dim3A_813, %mul3A_887 : vector<16x1xi32>
      %eq3A_889 = vector.broadcast %sub3A_888 : vector<16x1xi32> to vector<16x128xi32>
      %eq3A_890 = arith.cmpi eq, %iota3A_15, %eq3A_889 : vector<16x128xi32>
      %jit3A_891 = arith.constant 1 : i32
      %jit3A_892 = arith.constant 0 : i32
      %broadcast_in_dim3A_893 = vector.broadcast %jit3A_891 : i32 to vector<16x128xi32>
      %broadcast_in_dim3A_894 = vector.broadcast %jit3A_892 : i32 to vector<16x128xi32>
      %select_n3A_895 = arith.select %eq3A_890, %broadcast_in_dim3A_893, %broadcast_in_dim3A_894 : vector<16x128xi1>, vector<16x128xi32>
      %add3A_896 = arith.addi %add3A_740, %select_n3A_895 : vector<16x128xi32>
      %eq3A_897 = vector.broadcast %scan3A_750 : i32 to vector<16x64xi32>
      %eq3A_898 = arith.cmpi eq, %iota3A_19, %eq3A_897 : vector<16x64xi32>
      %broadcast_in_dim3A_899 = vector.shape_cast %broadcast_in_dim3A_760 : vector<16x1xf32> to vector<16x1xf32>
      %broadcast_in_dim3A_900 = vector.broadcast %broadcast_in_dim3A_899 : vector<16x1xf32> to vector<16x64xf32>
      %select_n3A_901 = arith.select %eq3A_898, %broadcast_in_dim3A_900, %select_n3A_745 : vector<16x64xi1>, vector<16x64xf32>
      %broadcast_in_dim3A_902 = vector.shape_cast %broadcast_in_dim3A_813 : vector<16x1xi32> to vector<16x1xi32>
      %broadcast_in_dim3A_903 = vector.broadcast %broadcast_in_dim3A_902 : vector<16x1xi32> to vector<16x64xi32>
      %select_n3A_904 = arith.select %eq3A_898, %broadcast_in_dim3A_903, %select_n3A_748 : vector<16x64xi1>, vector<16x64xi32>
      %scan3A_905 = arith.constant 4 : i32
      %scan3A_906 = arith.addi %scan3A_278, %scan3A_905 : i32
      %max3A_907 = arith.maximumf %select_n3A_818, %select_n3A_823 : vector<16x128xf32>
      %max3A_908 = arith.maximumf %max3A_907, %select_n3A_828 : vector<16x128xf32>
      %max3A_909 = arith.maximumf %max3A_908, %select_n3A_833 : vector<16x128xf32>
      %max3A_910 = arith.maximumf %max3A_909, %select_n3A_838 : vector<16x128xf32>
      %max3A_911 = arith.maximumf %max3A_910, %select_n3A_843 : vector<16x128xf32>
      %max3A_912 = arith.maximumf %max3A_911, %select_n3A_848 : vector<16x128xf32>
      %max3A_913 = arith.maximumf %max3A_912, %select_n3A_853 : vector<16x128xf32>
      %reduce_max3A_914 = arith.constant dense<0xFF800000> : vector<16xf32>
      %reduce_max3A_915 = vector.multi_reduction <maximumf>, %max3A_913, %reduce_max3A_914 [1] : vector<16x128xf32> to vector<16xf32>
      %broadcast_in_dim3A_916 = vector.shape_cast %reduce_max3A_915 : vector<16xf32> to vector<16x1xf32>
      %broadcast_in_dim3A_917 = arith.constant 16777216 : i32
      %broadcast_in_dim3A_918 = vector.broadcast %broadcast_in_dim3A_917 : i32 to vector<16x128xi32>
      %eq3A_919 = vector.broadcast %broadcast_in_dim3A_916 : vector<16x1xf32> to vector<16x128xf32>
      %eq3A_920 = arith.cmpf oeq, %select_n3A_818, %eq3A_919 : vector<16x128xf32>
      %jit3A_921 = arith.constant 16777216 : i32
      %broadcast_in_dim3A_922 = vector.broadcast %jit3A_921 : i32 to vector<16x128xi32>
      %select_n3A_923 = arith.select %eq3A_920, %add3A_42, %broadcast_in_dim3A_922 : vector<16x128xi1>, vector<16x128xi32>
      %min3A_924 = arith.minsi %broadcast_in_dim3A_918, %select_n3A_923 : vector<16x128xi32>
      %eq3A_925 = vector.broadcast %broadcast_in_dim3A_916 : vector<16x1xf32> to vector<16x128xf32>
      %eq3A_926 = arith.cmpf oeq, %select_n3A_823, %eq3A_925 : vector<16x128xf32>
      %jit3A_927 = arith.constant 16777216 : i32
      %broadcast_in_dim3A_928 = vector.broadcast %jit3A_927 : i32 to vector<16x128xi32>
      %select_n3A_929 = arith.select %eq3A_926, %add3A_72, %broadcast_in_dim3A_928 : vector<16x128xi1>, vector<16x128xi32>
      %min3A_930 = arith.minsi %min3A_924, %select_n3A_929 : vector<16x128xi32>
      %eq3A_931 = vector.broadcast %broadcast_in_dim3A_916 : vector<16x1xf32> to vector<16x128xf32>
      %eq3A_932 = arith.cmpf oeq, %select_n3A_828, %eq3A_931 : vector<16x128xf32>
      %jit3A_933 = arith.constant 16777216 : i32
      %broadcast_in_dim3A_934 = vector.broadcast %jit3A_933 : i32 to vector<16x128xi32>
      %select_n3A_935 = arith.select %eq3A_932, %add3A_102, %broadcast_in_dim3A_934 : vector<16x128xi1>, vector<16x128xi32>
      %min3A_936 = arith.minsi %min3A_930, %select_n3A_935 : vector<16x128xi32>
      %eq3A_937 = vector.broadcast %broadcast_in_dim3A_916 : vector<16x1xf32> to vector<16x128xf32>
      %eq3A_938 = arith.cmpf oeq, %select_n3A_833, %eq3A_937 : vector<16x128xf32>
      %jit3A_939 = arith.constant 16777216 : i32
      %broadcast_in_dim3A_940 = vector.broadcast %jit3A_939 : i32 to vector<16x128xi32>
      %select_n3A_941 = arith.select %eq3A_938, %add3A_132, %broadcast_in_dim3A_940 : vector<16x128xi1>, vector<16x128xi32>
      %min3A_942 = arith.minsi %min3A_936, %select_n3A_941 : vector<16x128xi32>
      %eq3A_943 = vector.broadcast %broadcast_in_dim3A_916 : vector<16x1xf32> to vector<16x128xf32>
      %eq3A_944 = arith.cmpf oeq, %select_n3A_838, %eq3A_943 : vector<16x128xf32>
      %jit3A_945 = arith.constant 16777216 : i32
      %broadcast_in_dim3A_946 = vector.broadcast %jit3A_945 : i32 to vector<16x128xi32>
      %select_n3A_947 = arith.select %eq3A_944, %add3A_162, %broadcast_in_dim3A_946 : vector<16x128xi1>, vector<16x128xi32>
      %min3A_948 = arith.minsi %min3A_942, %select_n3A_947 : vector<16x128xi32>
      %eq3A_949 = vector.broadcast %broadcast_in_dim3A_916 : vector<16x1xf32> to vector<16x128xf32>
      %eq3A_950 = arith.cmpf oeq, %select_n3A_843, %eq3A_949 : vector<16x128xf32>
      %jit3A_951 = arith.constant 16777216 : i32
      %broadcast_in_dim3A_952 = vector.broadcast %jit3A_951 : i32 to vector<16x128xi32>
      %select_n3A_953 = arith.select %eq3A_950, %add3A_192, %broadcast_in_dim3A_952 : vector<16x128xi1>, vector<16x128xi32>
      %min3A_954 = arith.minsi %min3A_948, %select_n3A_953 : vector<16x128xi32>
      %eq3A_955 = vector.broadcast %broadcast_in_dim3A_916 : vector<16x1xf32> to vector<16x128xf32>
      %eq3A_956 = arith.cmpf oeq, %select_n3A_848, %eq3A_955 : vector<16x128xf32>
      %jit3A_957 = arith.constant 16777216 : i32
      %broadcast_in_dim3A_958 = vector.broadcast %jit3A_957 : i32 to vector<16x128xi32>
      %select_n3A_959 = arith.select %eq3A_956, %add3A_222, %broadcast_in_dim3A_958 : vector<16x128xi1>, vector<16x128xi32>
      %min3A_960 = arith.minsi %min3A_954, %select_n3A_959 : vector<16x128xi32>
      %eq3A_961 = vector.broadcast %broadcast_in_dim3A_916 : vector<16x1xf32> to vector<16x128xf32>
      %eq3A_962 = arith.cmpf oeq, %select_n3A_853, %eq3A_961 : vector<16x128xf32>
      %jit3A_963 = arith.constant 16777216 : i32
      %broadcast_in_dim3A_964 = vector.broadcast %jit3A_963 : i32 to vector<16x128xi32>
      %select_n3A_965 = arith.select %eq3A_962, %add3A_252, %broadcast_in_dim3A_964 : vector<16x128xi1>, vector<16x128xi32>
      %min3A_966 = arith.minsi %min3A_960, %select_n3A_965 : vector<16x128xi32>
      %reduce_min3A_967 = arith.constant dense<2147483647> : vector<16xi32>
      %reduce_min3A_968 = vector.multi_reduction <minsi>, %min3A_966, %reduce_min3A_967 [1] : vector<16x128xi32> to vector<16xi32>
      %broadcast_in_dim3A_969 = vector.shape_cast %reduce_min3A_968 : vector<16xi32> to vector<16x1xi32>
      %eq3A_970 = vector.broadcast %broadcast_in_dim3A_969 : vector<16x1xi32> to vector<16x128xi32>
      %eq3A_971 = arith.cmpi eq, %add3A_42, %eq3A_970 : vector<16x128xi32>
      %jit3A_972 = arith.constant 0xFF800000 : f32
      %broadcast_in_dim3A_973 = vector.broadcast %jit3A_972 : f32 to vector<16x128xf32>
      %select_n3A_974 = arith.select %eq3A_971, %broadcast_in_dim3A_973, %select_n3A_818 : vector<16x128xi1>, vector<16x128xf32>
      %eq3A_975 = vector.broadcast %broadcast_in_dim3A_969 : vector<16x1xi32> to vector<16x128xi32>
      %eq3A_976 = arith.cmpi eq, %add3A_72, %eq3A_975 : vector<16x128xi32>
      %jit3A_977 = arith.constant 0xFF800000 : f32
      %broadcast_in_dim3A_978 = vector.broadcast %jit3A_977 : f32 to vector<16x128xf32>
      %select_n3A_979 = arith.select %eq3A_976, %broadcast_in_dim3A_978, %select_n3A_823 : vector<16x128xi1>, vector<16x128xf32>
      %eq3A_980 = vector.broadcast %broadcast_in_dim3A_969 : vector<16x1xi32> to vector<16x128xi32>
      %eq3A_981 = arith.cmpi eq, %add3A_102, %eq3A_980 : vector<16x128xi32>
      %jit3A_982 = arith.constant 0xFF800000 : f32
      %broadcast_in_dim3A_983 = vector.broadcast %jit3A_982 : f32 to vector<16x128xf32>
      %select_n3A_984 = arith.select %eq3A_981, %broadcast_in_dim3A_983, %select_n3A_828 : vector<16x128xi1>, vector<16x128xf32>
      %eq3A_985 = vector.broadcast %broadcast_in_dim3A_969 : vector<16x1xi32> to vector<16x128xi32>
      %eq3A_986 = arith.cmpi eq, %add3A_132, %eq3A_985 : vector<16x128xi32>
      %jit3A_987 = arith.constant 0xFF800000 : f32
      %broadcast_in_dim3A_988 = vector.broadcast %jit3A_987 : f32 to vector<16x128xf32>
      %select_n3A_989 = arith.select %eq3A_986, %broadcast_in_dim3A_988, %select_n3A_833 : vector<16x128xi1>, vector<16x128xf32>
      %eq3A_990 = vector.broadcast %broadcast_in_dim3A_969 : vector<16x1xi32> to vector<16x128xi32>
      %eq3A_991 = arith.cmpi eq, %add3A_162, %eq3A_990 : vector<16x128xi32>
      %jit3A_992 = arith.constant 0xFF800000 : f32
      %broadcast_in_dim3A_993 = vector.broadcast %jit3A_992 : f32 to vector<16x128xf32>
      %select_n3A_994 = arith.select %eq3A_991, %broadcast_in_dim3A_993, %select_n3A_838 : vector<16x128xi1>, vector<16x128xf32>
      %eq3A_995 = vector.broadcast %broadcast_in_dim3A_969 : vector<16x1xi32> to vector<16x128xi32>
      %eq3A_996 = arith.cmpi eq, %add3A_192, %eq3A_995 : vector<16x128xi32>
      %jit3A_997 = arith.constant 0xFF800000 : f32
      %broadcast_in_dim3A_998 = vector.broadcast %jit3A_997 : f32 to vector<16x128xf32>
      %select_n3A_999 = arith.select %eq3A_996, %broadcast_in_dim3A_998, %select_n3A_843 : vector<16x128xi1>, vector<16x128xf32>
      %eq3A_1000 = vector.broadcast %broadcast_in_dim3A_969 : vector<16x1xi32> to vector<16x128xi32>
      %eq3A_1001 = arith.cmpi eq, %add3A_222, %eq3A_1000 : vector<16x128xi32>
      %jit3A_1002 = arith.constant 0xFF800000 : f32
      %broadcast_in_dim3A_1003 = vector.broadcast %jit3A_1002 : f32 to vector<16x128xf32>
      %select_n3A_1004 = arith.select %eq3A_1001, %broadcast_in_dim3A_1003, %select_n3A_848 : vector<16x128xi1>, vector<16x128xf32>
      %eq3A_1005 = vector.broadcast %broadcast_in_dim3A_969 : vector<16x1xi32> to vector<16x128xi32>
      %eq3A_1006 = arith.cmpi eq, %add3A_252, %eq3A_1005 : vector<16x128xi32>
      %jit3A_1007 = arith.constant 0xFF800000 : f32
      %broadcast_in_dim3A_1008 = vector.broadcast %jit3A_1007 : f32 to vector<16x128xf32>
      %select_n3A_1009 = arith.select %eq3A_1006, %broadcast_in_dim3A_1008, %select_n3A_853 : vector<16x128xi1>, vector<16x128xf32>
      %jit3A_1010 = arith.constant 128 : i32
      %div3A_1011 = vector.broadcast %jit3A_1010 : i32 to vector<16x1xi32>
      %div3A_1012 = arith.divsi %broadcast_in_dim3A_969, %div3A_1011 : vector<16x1xi32>
      %sign3A_1013 = arith.constant 0 : i32
      %sign3A_1014 = vector.broadcast %sign3A_1013 : i32 to vector<16x1xi32>
      %sign3A_1015 = arith.cmpi sgt, %broadcast_in_dim3A_969, %sign3A_1014 : vector<16x1xi32>
      %sign3A_1016 = arith.extui %sign3A_1015 : vector<16x1xi1> to vector<16x1xi32>
      %sign3A_1017 = arith.constant 0 : i32
      %sign3A_1018 = vector.broadcast %sign3A_1017 : i32 to vector<16x1xi32>
      %sign3A_1019 = arith.cmpi slt, %broadcast_in_dim3A_969, %sign3A_1018 : vector<16x1xi32>
      %sign3A_1020 = arith.extui %sign3A_1019 : vector<16x1xi1> to vector<16x1xi32>
      %sign3A_1021 = arith.subi %sign3A_1016, %sign3A_1020 : vector<16x1xi32>
      %sign3A_1022 = arith.constant 0 : i32
      %sign3A_1023 = arith.cmpi sgt, %jit3A_1010, %sign3A_1022 : i32
      %sign3A_1024 = arith.extui %sign3A_1023 : i1 to i32
      %sign3A_1025 = arith.constant 0 : i32
      %sign3A_1026 = arith.cmpi slt, %jit3A_1010, %sign3A_1025 : i32
      %sign3A_1027 = arith.extui %sign3A_1026 : i1 to i32
      %sign3A_1028 = arith.subi %sign3A_1024, %sign3A_1027 : i32
      %ne3A_1029 = vector.broadcast %sign3A_1028 : i32 to vector<16x1xi32>
      %ne3A_1030 = arith.cmpi ne, %sign3A_1021, %ne3A_1029 : vector<16x1xi32>
      %rem3A_1031 = vector.broadcast %jit3A_1010 : i32 to vector<16x1xi32>
      %rem3A_1032 = arith.remsi %broadcast_in_dim3A_969, %rem3A_1031 : vector<16x1xi32>
      %ne3A_1033 = arith.constant 0 : i32
      %ne3A_1034 = vector.broadcast %ne3A_1033 : i32 to vector<16x1xi32>
      %ne3A_1035 = arith.cmpi ne, %rem3A_1032, %ne3A_1034 : vector<16x1xi32>
      %and3A_1036 = arith.andi %ne3A_1030, %ne3A_1035 : vector<16x1xi1>
      %sub3A_1037 = arith.constant 1 : i32
      %sub3A_1038 = vector.broadcast %sub3A_1037 : i32 to vector<16x1xi32>
      %sub3A_1039 = arith.subi %div3A_1012, %sub3A_1038 : vector<16x1xi32>
      %select_n3A_1040 = arith.select %and3A_1036, %sub3A_1039, %div3A_1012 : vector<16x1xi1>, vector<16x1xi32>
      %mul3A_1041 = arith.constant 128 : i32
      %mul3A_1042 = vector.broadcast %mul3A_1041 : i32 to vector<16x1xi32>
      %mul3A_1043 = arith.muli %select_n3A_1040, %mul3A_1042 : vector<16x1xi32>
      %sub3A_1044 = arith.subi %broadcast_in_dim3A_969, %mul3A_1043 : vector<16x1xi32>
      %eq3A_1045 = vector.broadcast %sub3A_1044 : vector<16x1xi32> to vector<16x128xi32>
      %eq3A_1046 = arith.cmpi eq, %iota3A_15, %eq3A_1045 : vector<16x128xi32>
      %jit3A_1047 = arith.constant 1 : i32
      %jit3A_1048 = arith.constant 0 : i32
      %broadcast_in_dim3A_1049 = vector.broadcast %jit3A_1047 : i32 to vector<16x128xi32>
      %broadcast_in_dim3A_1050 = vector.broadcast %jit3A_1048 : i32 to vector<16x128xi32>
      %select_n3A_1051 = arith.select %eq3A_1046, %broadcast_in_dim3A_1049, %broadcast_in_dim3A_1050 : vector<16x128xi1>, vector<16x128xi32>
      %add3A_1052 = arith.addi %add3A_896, %select_n3A_1051 : vector<16x128xi32>
      %eq3A_1053 = vector.broadcast %scan3A_906 : i32 to vector<16x64xi32>
      %eq3A_1054 = arith.cmpi eq, %iota3A_19, %eq3A_1053 : vector<16x64xi32>
      %broadcast_in_dim3A_1055 = vector.shape_cast %broadcast_in_dim3A_916 : vector<16x1xf32> to vector<16x1xf32>
      %broadcast_in_dim3A_1056 = vector.broadcast %broadcast_in_dim3A_1055 : vector<16x1xf32> to vector<16x64xf32>
      %select_n3A_1057 = arith.select %eq3A_1054, %broadcast_in_dim3A_1056, %select_n3A_901 : vector<16x64xi1>, vector<16x64xf32>
      %broadcast_in_dim3A_1058 = vector.shape_cast %broadcast_in_dim3A_969 : vector<16x1xi32> to vector<16x1xi32>
      %broadcast_in_dim3A_1059 = vector.broadcast %broadcast_in_dim3A_1058 : vector<16x1xi32> to vector<16x64xi32>
      %select_n3A_1060 = arith.select %eq3A_1054, %broadcast_in_dim3A_1059, %select_n3A_904 : vector<16x64xi1>, vector<16x64xi32>
      %scan3A_1061 = arith.constant 5 : i32
      %scan3A_1062 = arith.addi %scan3A_278, %scan3A_1061 : i32
      %max3A_1063 = arith.maximumf %select_n3A_974, %select_n3A_979 : vector<16x128xf32>
      %max3A_1064 = arith.maximumf %max3A_1063, %select_n3A_984 : vector<16x128xf32>
      %max3A_1065 = arith.maximumf %max3A_1064, %select_n3A_989 : vector<16x128xf32>
      %max3A_1066 = arith.maximumf %max3A_1065, %select_n3A_994 : vector<16x128xf32>
      %max3A_1067 = arith.maximumf %max3A_1066, %select_n3A_999 : vector<16x128xf32>
      %max3A_1068 = arith.maximumf %max3A_1067, %select_n3A_1004 : vector<16x128xf32>
      %max3A_1069 = arith.maximumf %max3A_1068, %select_n3A_1009 : vector<16x128xf32>
      %reduce_max3A_1070 = arith.constant dense<0xFF800000> : vector<16xf32>
      %reduce_max3A_1071 = vector.multi_reduction <maximumf>, %max3A_1069, %reduce_max3A_1070 [1] : vector<16x128xf32> to vector<16xf32>
      %broadcast_in_dim3A_1072 = vector.shape_cast %reduce_max3A_1071 : vector<16xf32> to vector<16x1xf32>
      %broadcast_in_dim3A_1073 = arith.constant 16777216 : i32
      %broadcast_in_dim3A_1074 = vector.broadcast %broadcast_in_dim3A_1073 : i32 to vector<16x128xi32>
      %eq3A_1075 = vector.broadcast %broadcast_in_dim3A_1072 : vector<16x1xf32> to vector<16x128xf32>
      %eq3A_1076 = arith.cmpf oeq, %select_n3A_974, %eq3A_1075 : vector<16x128xf32>
      %jit3A_1077 = arith.constant 16777216 : i32
      %broadcast_in_dim3A_1078 = vector.broadcast %jit3A_1077 : i32 to vector<16x128xi32>
      %select_n3A_1079 = arith.select %eq3A_1076, %add3A_42, %broadcast_in_dim3A_1078 : vector<16x128xi1>, vector<16x128xi32>
      %min3A_1080 = arith.minsi %broadcast_in_dim3A_1074, %select_n3A_1079 : vector<16x128xi32>
      %eq3A_1081 = vector.broadcast %broadcast_in_dim3A_1072 : vector<16x1xf32> to vector<16x128xf32>
      %eq3A_1082 = arith.cmpf oeq, %select_n3A_979, %eq3A_1081 : vector<16x128xf32>
      %jit3A_1083 = arith.constant 16777216 : i32
      %broadcast_in_dim3A_1084 = vector.broadcast %jit3A_1083 : i32 to vector<16x128xi32>
      %select_n3A_1085 = arith.select %eq3A_1082, %add3A_72, %broadcast_in_dim3A_1084 : vector<16x128xi1>, vector<16x128xi32>
      %min3A_1086 = arith.minsi %min3A_1080, %select_n3A_1085 : vector<16x128xi32>
      %eq3A_1087 = vector.broadcast %broadcast_in_dim3A_1072 : vector<16x1xf32> to vector<16x128xf32>
      %eq3A_1088 = arith.cmpf oeq, %select_n3A_984, %eq3A_1087 : vector<16x128xf32>
      %jit3A_1089 = arith.constant 16777216 : i32
      %broadcast_in_dim3A_1090 = vector.broadcast %jit3A_1089 : i32 to vector<16x128xi32>
      %select_n3A_1091 = arith.select %eq3A_1088, %add3A_102, %broadcast_in_dim3A_1090 : vector<16x128xi1>, vector<16x128xi32>
      %min3A_1092 = arith.minsi %min3A_1086, %select_n3A_1091 : vector<16x128xi32>
      %eq3A_1093 = vector.broadcast %broadcast_in_dim3A_1072 : vector<16x1xf32> to vector<16x128xf32>
      %eq3A_1094 = arith.cmpf oeq, %select_n3A_989, %eq3A_1093 : vector<16x128xf32>
      %jit3A_1095 = arith.constant 16777216 : i32
      %broadcast_in_dim3A_1096 = vector.broadcast %jit3A_1095 : i32 to vector<16x128xi32>
      %select_n3A_1097 = arith.select %eq3A_1094, %add3A_132, %broadcast_in_dim3A_1096 : vector<16x128xi1>, vector<16x128xi32>
      %min3A_1098 = arith.minsi %min3A_1092, %select_n3A_1097 : vector<16x128xi32>
      %eq3A_1099 = vector.broadcast %broadcast_in_dim3A_1072 : vector<16x1xf32> to vector<16x128xf32>
      %eq3A_1100 = arith.cmpf oeq, %select_n3A_994, %eq3A_1099 : vector<16x128xf32>
      %jit3A_1101 = arith.constant 16777216 : i32
      %broadcast_in_dim3A_1102 = vector.broadcast %jit3A_1101 : i32 to vector<16x128xi32>
      %select_n3A_1103 = arith.select %eq3A_1100, %add3A_162, %broadcast_in_dim3A_1102 : vector<16x128xi1>, vector<16x128xi32>
      %min3A_1104 = arith.minsi %min3A_1098, %select_n3A_1103 : vector<16x128xi32>
      %eq3A_1105 = vector.broadcast %broadcast_in_dim3A_1072 : vector<16x1xf32> to vector<16x128xf32>
      %eq3A_1106 = arith.cmpf oeq, %select_n3A_999, %eq3A_1105 : vector<16x128xf32>
      %jit3A_1107 = arith.constant 16777216 : i32
      %broadcast_in_dim3A_1108 = vector.broadcast %jit3A_1107 : i32 to vector<16x128xi32>
      %select_n3A_1109 = arith.select %eq3A_1106, %add3A_192, %broadcast_in_dim3A_1108 : vector<16x128xi1>, vector<16x128xi32>
      %min3A_1110 = arith.minsi %min3A_1104, %select_n3A_1109 : vector<16x128xi32>
      %eq3A_1111 = vector.broadcast %broadcast_in_dim3A_1072 : vector<16x1xf32> to vector<16x128xf32>
      %eq3A_1112 = arith.cmpf oeq, %select_n3A_1004, %eq3A_1111 : vector<16x128xf32>
      %jit3A_1113 = arith.constant 16777216 : i32
      %broadcast_in_dim3A_1114 = vector.broadcast %jit3A_1113 : i32 to vector<16x128xi32>
      %select_n3A_1115 = arith.select %eq3A_1112, %add3A_222, %broadcast_in_dim3A_1114 : vector<16x128xi1>, vector<16x128xi32>
      %min3A_1116 = arith.minsi %min3A_1110, %select_n3A_1115 : vector<16x128xi32>
      %eq3A_1117 = vector.broadcast %broadcast_in_dim3A_1072 : vector<16x1xf32> to vector<16x128xf32>
      %eq3A_1118 = arith.cmpf oeq, %select_n3A_1009, %eq3A_1117 : vector<16x128xf32>
      %jit3A_1119 = arith.constant 16777216 : i32
      %broadcast_in_dim3A_1120 = vector.broadcast %jit3A_1119 : i32 to vector<16x128xi32>
      %select_n3A_1121 = arith.select %eq3A_1118, %add3A_252, %broadcast_in_dim3A_1120 : vector<16x128xi1>, vector<16x128xi32>
      %min3A_1122 = arith.minsi %min3A_1116, %select_n3A_1121 : vector<16x128xi32>
      %reduce_min3A_1123 = arith.constant dense<2147483647> : vector<16xi32>
      %reduce_min3A_1124 = vector.multi_reduction <minsi>, %min3A_1122, %reduce_min3A_1123 [1] : vector<16x128xi32> to vector<16xi32>
      %broadcast_in_dim3A_1125 = vector.shape_cast %reduce_min3A_1124 : vector<16xi32> to vector<16x1xi32>
      %eq3A_1126 = vector.broadcast %broadcast_in_dim3A_1125 : vector<16x1xi32> to vector<16x128xi32>
      %eq3A_1127 = arith.cmpi eq, %add3A_42, %eq3A_1126 : vector<16x128xi32>
      %jit3A_1128 = arith.constant 0xFF800000 : f32
      %broadcast_in_dim3A_1129 = vector.broadcast %jit3A_1128 : f32 to vector<16x128xf32>
      %select_n3A_1130 = arith.select %eq3A_1127, %broadcast_in_dim3A_1129, %select_n3A_974 : vector<16x128xi1>, vector<16x128xf32>
      %eq3A_1131 = vector.broadcast %broadcast_in_dim3A_1125 : vector<16x1xi32> to vector<16x128xi32>
      %eq3A_1132 = arith.cmpi eq, %add3A_72, %eq3A_1131 : vector<16x128xi32>
      %jit3A_1133 = arith.constant 0xFF800000 : f32
      %broadcast_in_dim3A_1134 = vector.broadcast %jit3A_1133 : f32 to vector<16x128xf32>
      %select_n3A_1135 = arith.select %eq3A_1132, %broadcast_in_dim3A_1134, %select_n3A_979 : vector<16x128xi1>, vector<16x128xf32>
      %eq3A_1136 = vector.broadcast %broadcast_in_dim3A_1125 : vector<16x1xi32> to vector<16x128xi32>
      %eq3A_1137 = arith.cmpi eq, %add3A_102, %eq3A_1136 : vector<16x128xi32>
      %jit3A_1138 = arith.constant 0xFF800000 : f32
      %broadcast_in_dim3A_1139 = vector.broadcast %jit3A_1138 : f32 to vector<16x128xf32>
      %select_n3A_1140 = arith.select %eq3A_1137, %broadcast_in_dim3A_1139, %select_n3A_984 : vector<16x128xi1>, vector<16x128xf32>
      %eq3A_1141 = vector.broadcast %broadcast_in_dim3A_1125 : vector<16x1xi32> to vector<16x128xi32>
      %eq3A_1142 = arith.cmpi eq, %add3A_132, %eq3A_1141 : vector<16x128xi32>
      %jit3A_1143 = arith.constant 0xFF800000 : f32
      %broadcast_in_dim3A_1144 = vector.broadcast %jit3A_1143 : f32 to vector<16x128xf32>
      %select_n3A_1145 = arith.select %eq3A_1142, %broadcast_in_dim3A_1144, %select_n3A_989 : vector<16x128xi1>, vector<16x128xf32>
      %eq3A_1146 = vector.broadcast %broadcast_in_dim3A_1125 : vector<16x1xi32> to vector<16x128xi32>
      %eq3A_1147 = arith.cmpi eq, %add3A_162, %eq3A_1146 : vector<16x128xi32>
      %jit3A_1148 = arith.constant 0xFF800000 : f32
      %broadcast_in_dim3A_1149 = vector.broadcast %jit3A_1148 : f32 to vector<16x128xf32>
      %select_n3A_1150 = arith.select %eq3A_1147, %broadcast_in_dim3A_1149, %select_n3A_994 : vector<16x128xi1>, vector<16x128xf32>
      %eq3A_1151 = vector.broadcast %broadcast_in_dim3A_1125 : vector<16x1xi32> to vector<16x128xi32>
      %eq3A_1152 = arith.cmpi eq, %add3A_192, %eq3A_1151 : vector<16x128xi32>
      %jit3A_1153 = arith.constant 0xFF800000 : f32
      %broadcast_in_dim3A_1154 = vector.broadcast %jit3A_1153 : f32 to vector<16x128xf32>
      %select_n3A_1155 = arith.select %eq3A_1152, %broadcast_in_dim3A_1154, %select_n3A_999 : vector<16x128xi1>, vector<16x128xf32>
      %eq3A_1156 = vector.broadcast %broadcast_in_dim3A_1125 : vector<16x1xi32> to vector<16x128xi32>
      %eq3A_1157 = arith.cmpi eq, %add3A_222, %eq3A_1156 : vector<16x128xi32>
      %jit3A_1158 = arith.constant 0xFF800000 : f32
      %broadcast_in_dim3A_1159 = vector.broadcast %jit3A_1158 : f32 to vector<16x128xf32>
      %select_n3A_1160 = arith.select %eq3A_1157, %broadcast_in_dim3A_1159, %select_n3A_1004 : vector<16x128xi1>, vector<16x128xf32>
      %eq3A_1161 = vector.broadcast %broadcast_in_dim3A_1125 : vector<16x1xi32> to vector<16x128xi32>
      %eq3A_1162 = arith.cmpi eq, %add3A_252, %eq3A_1161 : vector<16x128xi32>
      %jit3A_1163 = arith.constant 0xFF800000 : f32
      %broadcast_in_dim3A_1164 = vector.broadcast %jit3A_1163 : f32 to vector<16x128xf32>
      %select_n3A_1165 = arith.select %eq3A_1162, %broadcast_in_dim3A_1164, %select_n3A_1009 : vector<16x128xi1>, vector<16x128xf32>
      %jit3A_1166 = arith.constant 128 : i32
      %div3A_1167 = vector.broadcast %jit3A_1166 : i32 to vector<16x1xi32>
      %div3A_1168 = arith.divsi %broadcast_in_dim3A_1125, %div3A_1167 : vector<16x1xi32>
      %sign3A_1169 = arith.constant 0 : i32
      %sign3A_1170 = vector.broadcast %sign3A_1169 : i32 to vector<16x1xi32>
      %sign3A_1171 = arith.cmpi sgt, %broadcast_in_dim3A_1125, %sign3A_1170 : vector<16x1xi32>
      %sign3A_1172 = arith.extui %sign3A_1171 : vector<16x1xi1> to vector<16x1xi32>
      %sign3A_1173 = arith.constant 0 : i32
      %sign3A_1174 = vector.broadcast %sign3A_1173 : i32 to vector<16x1xi32>
      %sign3A_1175 = arith.cmpi slt, %broadcast_in_dim3A_1125, %sign3A_1174 : vector<16x1xi32>
      %sign3A_1176 = arith.extui %sign3A_1175 : vector<16x1xi1> to vector<16x1xi32>
      %sign3A_1177 = arith.subi %sign3A_1172, %sign3A_1176 : vector<16x1xi32>
      %sign3A_1178 = arith.constant 0 : i32
      %sign3A_1179 = arith.cmpi sgt, %jit3A_1166, %sign3A_1178 : i32
      %sign3A_1180 = arith.extui %sign3A_1179 : i1 to i32
      %sign3A_1181 = arith.constant 0 : i32
      %sign3A_1182 = arith.cmpi slt, %jit3A_1166, %sign3A_1181 : i32
      %sign3A_1183 = arith.extui %sign3A_1182 : i1 to i32
      %sign3A_1184 = arith.subi %sign3A_1180, %sign3A_1183 : i32
      %ne3A_1185 = vector.broadcast %sign3A_1184 : i32 to vector<16x1xi32>
      %ne3A_1186 = arith.cmpi ne, %sign3A_1177, %ne3A_1185 : vector<16x1xi32>
      %rem3A_1187 = vector.broadcast %jit3A_1166 : i32 to vector<16x1xi32>
      %rem3A_1188 = arith.remsi %broadcast_in_dim3A_1125, %rem3A_1187 : vector<16x1xi32>
      %ne3A_1189 = arith.constant 0 : i32
      %ne3A_1190 = vector.broadcast %ne3A_1189 : i32 to vector<16x1xi32>
      %ne3A_1191 = arith.cmpi ne, %rem3A_1188, %ne3A_1190 : vector<16x1xi32>
      %and3A_1192 = arith.andi %ne3A_1186, %ne3A_1191 : vector<16x1xi1>
      %sub3A_1193 = arith.constant 1 : i32
      %sub3A_1194 = vector.broadcast %sub3A_1193 : i32 to vector<16x1xi32>
      %sub3A_1195 = arith.subi %div3A_1168, %sub3A_1194 : vector<16x1xi32>
      %select_n3A_1196 = arith.select %and3A_1192, %sub3A_1195, %div3A_1168 : vector<16x1xi1>, vector<16x1xi32>
      %mul3A_1197 = arith.constant 128 : i32
      %mul3A_1198 = vector.broadcast %mul3A_1197 : i32 to vector<16x1xi32>
      %mul3A_1199 = arith.muli %select_n3A_1196, %mul3A_1198 : vector<16x1xi32>
      %sub3A_1200 = arith.subi %broadcast_in_dim3A_1125, %mul3A_1199 : vector<16x1xi32>
      %eq3A_1201 = vector.broadcast %sub3A_1200 : vector<16x1xi32> to vector<16x128xi32>
      %eq3A_1202 = arith.cmpi eq, %iota3A_15, %eq3A_1201 : vector<16x128xi32>
      %jit3A_1203 = arith.constant 1 : i32
      %jit3A_1204 = arith.constant 0 : i32
      %broadcast_in_dim3A_1205 = vector.broadcast %jit3A_1203 : i32 to vector<16x128xi32>
      %broadcast_in_dim3A_1206 = vector.broadcast %jit3A_1204 : i32 to vector<16x128xi32>
      %select_n3A_1207 = arith.select %eq3A_1202, %broadcast_in_dim3A_1205, %broadcast_in_dim3A_1206 : vector<16x128xi1>, vector<16x128xi32>
      %add3A_1208 = arith.addi %add3A_1052, %select_n3A_1207 : vector<16x128xi32>
      %eq3A_1209 = vector.broadcast %scan3A_1062 : i32 to vector<16x64xi32>
      %eq3A_1210 = arith.cmpi eq, %iota3A_19, %eq3A_1209 : vector<16x64xi32>
      %broadcast_in_dim3A_1211 = vector.shape_cast %broadcast_in_dim3A_1072 : vector<16x1xf32> to vector<16x1xf32>
      %broadcast_in_dim3A_1212 = vector.broadcast %broadcast_in_dim3A_1211 : vector<16x1xf32> to vector<16x64xf32>
      %select_n3A_1213 = arith.select %eq3A_1210, %broadcast_in_dim3A_1212, %select_n3A_1057 : vector<16x64xi1>, vector<16x64xf32>
      %broadcast_in_dim3A_1214 = vector.shape_cast %broadcast_in_dim3A_1125 : vector<16x1xi32> to vector<16x1xi32>
      %broadcast_in_dim3A_1215 = vector.broadcast %broadcast_in_dim3A_1214 : vector<16x1xi32> to vector<16x64xi32>
      %select_n3A_1216 = arith.select %eq3A_1210, %broadcast_in_dim3A_1215, %select_n3A_1060 : vector<16x64xi1>, vector<16x64xi32>
      %scan3A_1217 = arith.constant 6 : i32
      %scan3A_1218 = arith.addi %scan3A_278, %scan3A_1217 : i32
      %max3A_1219 = arith.maximumf %select_n3A_1130, %select_n3A_1135 : vector<16x128xf32>
      %max3A_1220 = arith.maximumf %max3A_1219, %select_n3A_1140 : vector<16x128xf32>
      %max3A_1221 = arith.maximumf %max3A_1220, %select_n3A_1145 : vector<16x128xf32>
      %max3A_1222 = arith.maximumf %max3A_1221, %select_n3A_1150 : vector<16x128xf32>
      %max3A_1223 = arith.maximumf %max3A_1222, %select_n3A_1155 : vector<16x128xf32>
      %max3A_1224 = arith.maximumf %max3A_1223, %select_n3A_1160 : vector<16x128xf32>
      %max3A_1225 = arith.maximumf %max3A_1224, %select_n3A_1165 : vector<16x128xf32>
      %reduce_max3A_1226 = arith.constant dense<0xFF800000> : vector<16xf32>
      %reduce_max3A_1227 = vector.multi_reduction <maximumf>, %max3A_1225, %reduce_max3A_1226 [1] : vector<16x128xf32> to vector<16xf32>
      %broadcast_in_dim3A_1228 = vector.shape_cast %reduce_max3A_1227 : vector<16xf32> to vector<16x1xf32>
      %broadcast_in_dim3A_1229 = arith.constant 16777216 : i32
      %broadcast_in_dim3A_1230 = vector.broadcast %broadcast_in_dim3A_1229 : i32 to vector<16x128xi32>
      %eq3A_1231 = vector.broadcast %broadcast_in_dim3A_1228 : vector<16x1xf32> to vector<16x128xf32>
      %eq3A_1232 = arith.cmpf oeq, %select_n3A_1130, %eq3A_1231 : vector<16x128xf32>
      %jit3A_1233 = arith.constant 16777216 : i32
      %broadcast_in_dim3A_1234 = vector.broadcast %jit3A_1233 : i32 to vector<16x128xi32>
      %select_n3A_1235 = arith.select %eq3A_1232, %add3A_42, %broadcast_in_dim3A_1234 : vector<16x128xi1>, vector<16x128xi32>
      %min3A_1236 = arith.minsi %broadcast_in_dim3A_1230, %select_n3A_1235 : vector<16x128xi32>
      %eq3A_1237 = vector.broadcast %broadcast_in_dim3A_1228 : vector<16x1xf32> to vector<16x128xf32>
      %eq3A_1238 = arith.cmpf oeq, %select_n3A_1135, %eq3A_1237 : vector<16x128xf32>
      %jit3A_1239 = arith.constant 16777216 : i32
      %broadcast_in_dim3A_1240 = vector.broadcast %jit3A_1239 : i32 to vector<16x128xi32>
      %select_n3A_1241 = arith.select %eq3A_1238, %add3A_72, %broadcast_in_dim3A_1240 : vector<16x128xi1>, vector<16x128xi32>
      %min3A_1242 = arith.minsi %min3A_1236, %select_n3A_1241 : vector<16x128xi32>
      %eq3A_1243 = vector.broadcast %broadcast_in_dim3A_1228 : vector<16x1xf32> to vector<16x128xf32>
      %eq3A_1244 = arith.cmpf oeq, %select_n3A_1140, %eq3A_1243 : vector<16x128xf32>
      %jit3A_1245 = arith.constant 16777216 : i32
      %broadcast_in_dim3A_1246 = vector.broadcast %jit3A_1245 : i32 to vector<16x128xi32>
      %select_n3A_1247 = arith.select %eq3A_1244, %add3A_102, %broadcast_in_dim3A_1246 : vector<16x128xi1>, vector<16x128xi32>
      %min3A_1248 = arith.minsi %min3A_1242, %select_n3A_1247 : vector<16x128xi32>
      %eq3A_1249 = vector.broadcast %broadcast_in_dim3A_1228 : vector<16x1xf32> to vector<16x128xf32>
      %eq3A_1250 = arith.cmpf oeq, %select_n3A_1145, %eq3A_1249 : vector<16x128xf32>
      %jit3A_1251 = arith.constant 16777216 : i32
      %broadcast_in_dim3A_1252 = vector.broadcast %jit3A_1251 : i32 to vector<16x128xi32>
      %select_n3A_1253 = arith.select %eq3A_1250, %add3A_132, %broadcast_in_dim3A_1252 : vector<16x128xi1>, vector<16x128xi32>
      %min3A_1254 = arith.minsi %min3A_1248, %select_n3A_1253 : vector<16x128xi32>
      %eq3A_1255 = vector.broadcast %broadcast_in_dim3A_1228 : vector<16x1xf32> to vector<16x128xf32>
      %eq3A_1256 = arith.cmpf oeq, %select_n3A_1150, %eq3A_1255 : vector<16x128xf32>
      %jit3A_1257 = arith.constant 16777216 : i32
      %broadcast_in_dim3A_1258 = vector.broadcast %jit3A_1257 : i32 to vector<16x128xi32>
      %select_n3A_1259 = arith.select %eq3A_1256, %add3A_162, %broadcast_in_dim3A_1258 : vector<16x128xi1>, vector<16x128xi32>
      %min3A_1260 = arith.minsi %min3A_1254, %select_n3A_1259 : vector<16x128xi32>
      %eq3A_1261 = vector.broadcast %broadcast_in_dim3A_1228 : vector<16x1xf32> to vector<16x128xf32>
      %eq3A_1262 = arith.cmpf oeq, %select_n3A_1155, %eq3A_1261 : vector<16x128xf32>
      %jit3A_1263 = arith.constant 16777216 : i32
      %broadcast_in_dim3A_1264 = vector.broadcast %jit3A_1263 : i32 to vector<16x128xi32>
      %select_n3A_1265 = arith.select %eq3A_1262, %add3A_192, %broadcast_in_dim3A_1264 : vector<16x128xi1>, vector<16x128xi32>
      %min3A_1266 = arith.minsi %min3A_1260, %select_n3A_1265 : vector<16x128xi32>
      %eq3A_1267 = vector.broadcast %broadcast_in_dim3A_1228 : vector<16x1xf32> to vector<16x128xf32>
      %eq3A_1268 = arith.cmpf oeq, %select_n3A_1160, %eq3A_1267 : vector<16x128xf32>
      %jit3A_1269 = arith.constant 16777216 : i32
      %broadcast_in_dim3A_1270 = vector.broadcast %jit3A_1269 : i32 to vector<16x128xi32>
      %select_n3A_1271 = arith.select %eq3A_1268, %add3A_222, %broadcast_in_dim3A_1270 : vector<16x128xi1>, vector<16x128xi32>
      %min3A_1272 = arith.minsi %min3A_1266, %select_n3A_1271 : vector<16x128xi32>
      %eq3A_1273 = vector.broadcast %broadcast_in_dim3A_1228 : vector<16x1xf32> to vector<16x128xf32>
      %eq3A_1274 = arith.cmpf oeq, %select_n3A_1165, %eq3A_1273 : vector<16x128xf32>
      %jit3A_1275 = arith.constant 16777216 : i32
      %broadcast_in_dim3A_1276 = vector.broadcast %jit3A_1275 : i32 to vector<16x128xi32>
      %select_n3A_1277 = arith.select %eq3A_1274, %add3A_252, %broadcast_in_dim3A_1276 : vector<16x128xi1>, vector<16x128xi32>
      %min3A_1278 = arith.minsi %min3A_1272, %select_n3A_1277 : vector<16x128xi32>
      %reduce_min3A_1279 = arith.constant dense<2147483647> : vector<16xi32>
      %reduce_min3A_1280 = vector.multi_reduction <minsi>, %min3A_1278, %reduce_min3A_1279 [1] : vector<16x128xi32> to vector<16xi32>
      %broadcast_in_dim3A_1281 = vector.shape_cast %reduce_min3A_1280 : vector<16xi32> to vector<16x1xi32>
      %eq3A_1282 = vector.broadcast %broadcast_in_dim3A_1281 : vector<16x1xi32> to vector<16x128xi32>
      %eq3A_1283 = arith.cmpi eq, %add3A_42, %eq3A_1282 : vector<16x128xi32>
      %jit3A_1284 = arith.constant 0xFF800000 : f32
      %broadcast_in_dim3A_1285 = vector.broadcast %jit3A_1284 : f32 to vector<16x128xf32>
      %select_n3A_1286 = arith.select %eq3A_1283, %broadcast_in_dim3A_1285, %select_n3A_1130 : vector<16x128xi1>, vector<16x128xf32>
      %eq3A_1287 = vector.broadcast %broadcast_in_dim3A_1281 : vector<16x1xi32> to vector<16x128xi32>
      %eq3A_1288 = arith.cmpi eq, %add3A_72, %eq3A_1287 : vector<16x128xi32>
      %jit3A_1289 = arith.constant 0xFF800000 : f32
      %broadcast_in_dim3A_1290 = vector.broadcast %jit3A_1289 : f32 to vector<16x128xf32>
      %select_n3A_1291 = arith.select %eq3A_1288, %broadcast_in_dim3A_1290, %select_n3A_1135 : vector<16x128xi1>, vector<16x128xf32>
      %eq3A_1292 = vector.broadcast %broadcast_in_dim3A_1281 : vector<16x1xi32> to vector<16x128xi32>
      %eq3A_1293 = arith.cmpi eq, %add3A_102, %eq3A_1292 : vector<16x128xi32>
      %jit3A_1294 = arith.constant 0xFF800000 : f32
      %broadcast_in_dim3A_1295 = vector.broadcast %jit3A_1294 : f32 to vector<16x128xf32>
      %select_n3A_1296 = arith.select %eq3A_1293, %broadcast_in_dim3A_1295, %select_n3A_1140 : vector<16x128xi1>, vector<16x128xf32>
      %eq3A_1297 = vector.broadcast %broadcast_in_dim3A_1281 : vector<16x1xi32> to vector<16x128xi32>
      %eq3A_1298 = arith.cmpi eq, %add3A_132, %eq3A_1297 : vector<16x128xi32>
      %jit3A_1299 = arith.constant 0xFF800000 : f32
      %broadcast_in_dim3A_1300 = vector.broadcast %jit3A_1299 : f32 to vector<16x128xf32>
      %select_n3A_1301 = arith.select %eq3A_1298, %broadcast_in_dim3A_1300, %select_n3A_1145 : vector<16x128xi1>, vector<16x128xf32>
      %eq3A_1302 = vector.broadcast %broadcast_in_dim3A_1281 : vector<16x1xi32> to vector<16x128xi32>
      %eq3A_1303 = arith.cmpi eq, %add3A_162, %eq3A_1302 : vector<16x128xi32>
      %jit3A_1304 = arith.constant 0xFF800000 : f32
      %broadcast_in_dim3A_1305 = vector.broadcast %jit3A_1304 : f32 to vector<16x128xf32>
      %select_n3A_1306 = arith.select %eq3A_1303, %broadcast_in_dim3A_1305, %select_n3A_1150 : vector<16x128xi1>, vector<16x128xf32>
      %eq3A_1307 = vector.broadcast %broadcast_in_dim3A_1281 : vector<16x1xi32> to vector<16x128xi32>
      %eq3A_1308 = arith.cmpi eq, %add3A_192, %eq3A_1307 : vector<16x128xi32>
      %jit3A_1309 = arith.constant 0xFF800000 : f32
      %broadcast_in_dim3A_1310 = vector.broadcast %jit3A_1309 : f32 to vector<16x128xf32>
      %select_n3A_1311 = arith.select %eq3A_1308, %broadcast_in_dim3A_1310, %select_n3A_1155 : vector<16x128xi1>, vector<16x128xf32>
      %eq3A_1312 = vector.broadcast %broadcast_in_dim3A_1281 : vector<16x1xi32> to vector<16x128xi32>
      %eq3A_1313 = arith.cmpi eq, %add3A_222, %eq3A_1312 : vector<16x128xi32>
      %jit3A_1314 = arith.constant 0xFF800000 : f32
      %broadcast_in_dim3A_1315 = vector.broadcast %jit3A_1314 : f32 to vector<16x128xf32>
      %select_n3A_1316 = arith.select %eq3A_1313, %broadcast_in_dim3A_1315, %select_n3A_1160 : vector<16x128xi1>, vector<16x128xf32>
      %eq3A_1317 = vector.broadcast %broadcast_in_dim3A_1281 : vector<16x1xi32> to vector<16x128xi32>
      %eq3A_1318 = arith.cmpi eq, %add3A_252, %eq3A_1317 : vector<16x128xi32>
      %jit3A_1319 = arith.constant 0xFF800000 : f32
      %broadcast_in_dim3A_1320 = vector.broadcast %jit3A_1319 : f32 to vector<16x128xf32>
      %select_n3A_1321 = arith.select %eq3A_1318, %broadcast_in_dim3A_1320, %select_n3A_1165 : vector<16x128xi1>, vector<16x128xf32>
      %jit3A_1322 = arith.constant 128 : i32
      %div3A_1323 = vector.broadcast %jit3A_1322 : i32 to vector<16x1xi32>
      %div3A_1324 = arith.divsi %broadcast_in_dim3A_1281, %div3A_1323 : vector<16x1xi32>
      %sign3A_1325 = arith.constant 0 : i32
      %sign3A_1326 = vector.broadcast %sign3A_1325 : i32 to vector<16x1xi32>
      %sign3A_1327 = arith.cmpi sgt, %broadcast_in_dim3A_1281, %sign3A_1326 : vector<16x1xi32>
      %sign3A_1328 = arith.extui %sign3A_1327 : vector<16x1xi1> to vector<16x1xi32>
      %sign3A_1329 = arith.constant 0 : i32
      %sign3A_1330 = vector.broadcast %sign3A_1329 : i32 to vector<16x1xi32>
      %sign3A_1331 = arith.cmpi slt, %broadcast_in_dim3A_1281, %sign3A_1330 : vector<16x1xi32>
      %sign3A_1332 = arith.extui %sign3A_1331 : vector<16x1xi1> to vector<16x1xi32>
      %sign3A_1333 = arith.subi %sign3A_1328, %sign3A_1332 : vector<16x1xi32>
      %sign3A_1334 = arith.constant 0 : i32
      %sign3A_1335 = arith.cmpi sgt, %jit3A_1322, %sign3A_1334 : i32
      %sign3A_1336 = arith.extui %sign3A_1335 : i1 to i32
      %sign3A_1337 = arith.constant 0 : i32
      %sign3A_1338 = arith.cmpi slt, %jit3A_1322, %sign3A_1337 : i32
      %sign3A_1339 = arith.extui %sign3A_1338 : i1 to i32
      %sign3A_1340 = arith.subi %sign3A_1336, %sign3A_1339 : i32
      %ne3A_1341 = vector.broadcast %sign3A_1340 : i32 to vector<16x1xi32>
      %ne3A_1342 = arith.cmpi ne, %sign3A_1333, %ne3A_1341 : vector<16x1xi32>
      %rem3A_1343 = vector.broadcast %jit3A_1322 : i32 to vector<16x1xi32>
      %rem3A_1344 = arith.remsi %broadcast_in_dim3A_1281, %rem3A_1343 : vector<16x1xi32>
      %ne3A_1345 = arith.constant 0 : i32
      %ne3A_1346 = vector.broadcast %ne3A_1345 : i32 to vector<16x1xi32>
      %ne3A_1347 = arith.cmpi ne, %rem3A_1344, %ne3A_1346 : vector<16x1xi32>
      %and3A_1348 = arith.andi %ne3A_1342, %ne3A_1347 : vector<16x1xi1>
      %sub3A_1349 = arith.constant 1 : i32
      %sub3A_1350 = vector.broadcast %sub3A_1349 : i32 to vector<16x1xi32>
      %sub3A_1351 = arith.subi %div3A_1324, %sub3A_1350 : vector<16x1xi32>
      %select_n3A_1352 = arith.select %and3A_1348, %sub3A_1351, %div3A_1324 : vector<16x1xi1>, vector<16x1xi32>
      %mul3A_1353 = arith.constant 128 : i32
      %mul3A_1354 = vector.broadcast %mul3A_1353 : i32 to vector<16x1xi32>
      %mul3A_1355 = arith.muli %select_n3A_1352, %mul3A_1354 : vector<16x1xi32>
      %sub3A_1356 = arith.subi %broadcast_in_dim3A_1281, %mul3A_1355 : vector<16x1xi32>
      %eq3A_1357 = vector.broadcast %sub3A_1356 : vector<16x1xi32> to vector<16x128xi32>
      %eq3A_1358 = arith.cmpi eq, %iota3A_15, %eq3A_1357 : vector<16x128xi32>
      %jit3A_1359 = arith.constant 1 : i32
      %jit3A_1360 = arith.constant 0 : i32
      %broadcast_in_dim3A_1361 = vector.broadcast %jit3A_1359 : i32 to vector<16x128xi32>
      %broadcast_in_dim3A_1362 = vector.broadcast %jit3A_1360 : i32 to vector<16x128xi32>
      %select_n3A_1363 = arith.select %eq3A_1358, %broadcast_in_dim3A_1361, %broadcast_in_dim3A_1362 : vector<16x128xi1>, vector<16x128xi32>
      %add3A_1364 = arith.addi %add3A_1208, %select_n3A_1363 : vector<16x128xi32>
      %eq3A_1365 = vector.broadcast %scan3A_1218 : i32 to vector<16x64xi32>
      %eq3A_1366 = arith.cmpi eq, %iota3A_19, %eq3A_1365 : vector<16x64xi32>
      %broadcast_in_dim3A_1367 = vector.shape_cast %broadcast_in_dim3A_1228 : vector<16x1xf32> to vector<16x1xf32>
      %broadcast_in_dim3A_1368 = vector.broadcast %broadcast_in_dim3A_1367 : vector<16x1xf32> to vector<16x64xf32>
      %select_n3A_1369 = arith.select %eq3A_1366, %broadcast_in_dim3A_1368, %select_n3A_1213 : vector<16x64xi1>, vector<16x64xf32>
      %broadcast_in_dim3A_1370 = vector.shape_cast %broadcast_in_dim3A_1281 : vector<16x1xi32> to vector<16x1xi32>
      %broadcast_in_dim3A_1371 = vector.broadcast %broadcast_in_dim3A_1370 : vector<16x1xi32> to vector<16x64xi32>
      %select_n3A_1372 = arith.select %eq3A_1366, %broadcast_in_dim3A_1371, %select_n3A_1216 : vector<16x64xi1>, vector<16x64xi32>
      %scan3A_1373 = arith.constant 7 : i32
      %scan3A_1374 = arith.addi %scan3A_278, %scan3A_1373 : i32
      %max3A_1375 = arith.maximumf %select_n3A_1286, %select_n3A_1291 : vector<16x128xf32>
      %max3A_1376 = arith.maximumf %max3A_1375, %select_n3A_1296 : vector<16x128xf32>
      %max3A_1377 = arith.maximumf %max3A_1376, %select_n3A_1301 : vector<16x128xf32>
      %max3A_1378 = arith.maximumf %max3A_1377, %select_n3A_1306 : vector<16x128xf32>
      %max3A_1379 = arith.maximumf %max3A_1378, %select_n3A_1311 : vector<16x128xf32>
      %max3A_1380 = arith.maximumf %max3A_1379, %select_n3A_1316 : vector<16x128xf32>
      %max3A_1381 = arith.maximumf %max3A_1380, %select_n3A_1321 : vector<16x128xf32>
      %reduce_max3A_1382 = arith.constant dense<0xFF800000> : vector<16xf32>
      %reduce_max3A_1383 = vector.multi_reduction <maximumf>, %max3A_1381, %reduce_max3A_1382 [1] : vector<16x128xf32> to vector<16xf32>
      %broadcast_in_dim3A_1384 = vector.shape_cast %reduce_max3A_1383 : vector<16xf32> to vector<16x1xf32>
      %broadcast_in_dim3A_1385 = arith.constant 16777216 : i32
      %broadcast_in_dim3A_1386 = vector.broadcast %broadcast_in_dim3A_1385 : i32 to vector<16x128xi32>
      %eq3A_1387 = vector.broadcast %broadcast_in_dim3A_1384 : vector<16x1xf32> to vector<16x128xf32>
      %eq3A_1388 = arith.cmpf oeq, %select_n3A_1286, %eq3A_1387 : vector<16x128xf32>
      %jit3A_1389 = arith.constant 16777216 : i32
      %broadcast_in_dim3A_1390 = vector.broadcast %jit3A_1389 : i32 to vector<16x128xi32>
      %select_n3A_1391 = arith.select %eq3A_1388, %add3A_42, %broadcast_in_dim3A_1390 : vector<16x128xi1>, vector<16x128xi32>
      %min3A_1392 = arith.minsi %broadcast_in_dim3A_1386, %select_n3A_1391 : vector<16x128xi32>
      %eq3A_1393 = vector.broadcast %broadcast_in_dim3A_1384 : vector<16x1xf32> to vector<16x128xf32>
      %eq3A_1394 = arith.cmpf oeq, %select_n3A_1291, %eq3A_1393 : vector<16x128xf32>
      %jit3A_1395 = arith.constant 16777216 : i32
      %broadcast_in_dim3A_1396 = vector.broadcast %jit3A_1395 : i32 to vector<16x128xi32>
      %select_n3A_1397 = arith.select %eq3A_1394, %add3A_72, %broadcast_in_dim3A_1396 : vector<16x128xi1>, vector<16x128xi32>
      %min3A_1398 = arith.minsi %min3A_1392, %select_n3A_1397 : vector<16x128xi32>
      %eq3A_1399 = vector.broadcast %broadcast_in_dim3A_1384 : vector<16x1xf32> to vector<16x128xf32>
      %eq3A_1400 = arith.cmpf oeq, %select_n3A_1296, %eq3A_1399 : vector<16x128xf32>
      %jit3A_1401 = arith.constant 16777216 : i32
      %broadcast_in_dim3A_1402 = vector.broadcast %jit3A_1401 : i32 to vector<16x128xi32>
      %select_n3A_1403 = arith.select %eq3A_1400, %add3A_102, %broadcast_in_dim3A_1402 : vector<16x128xi1>, vector<16x128xi32>
      %min3A_1404 = arith.minsi %min3A_1398, %select_n3A_1403 : vector<16x128xi32>
      %eq3A_1405 = vector.broadcast %broadcast_in_dim3A_1384 : vector<16x1xf32> to vector<16x128xf32>
      %eq3A_1406 = arith.cmpf oeq, %select_n3A_1301, %eq3A_1405 : vector<16x128xf32>
      %jit3A_1407 = arith.constant 16777216 : i32
      %broadcast_in_dim3A_1408 = vector.broadcast %jit3A_1407 : i32 to vector<16x128xi32>
      %select_n3A_1409 = arith.select %eq3A_1406, %add3A_132, %broadcast_in_dim3A_1408 : vector<16x128xi1>, vector<16x128xi32>
      %min3A_1410 = arith.minsi %min3A_1404, %select_n3A_1409 : vector<16x128xi32>
      %eq3A_1411 = vector.broadcast %broadcast_in_dim3A_1384 : vector<16x1xf32> to vector<16x128xf32>
      %eq3A_1412 = arith.cmpf oeq, %select_n3A_1306, %eq3A_1411 : vector<16x128xf32>
      %jit3A_1413 = arith.constant 16777216 : i32
      %broadcast_in_dim3A_1414 = vector.broadcast %jit3A_1413 : i32 to vector<16x128xi32>
      %select_n3A_1415 = arith.select %eq3A_1412, %add3A_162, %broadcast_in_dim3A_1414 : vector<16x128xi1>, vector<16x128xi32>
      %min3A_1416 = arith.minsi %min3A_1410, %select_n3A_1415 : vector<16x128xi32>
      %eq3A_1417 = vector.broadcast %broadcast_in_dim3A_1384 : vector<16x1xf32> to vector<16x128xf32>
      %eq3A_1418 = arith.cmpf oeq, %select_n3A_1311, %eq3A_1417 : vector<16x128xf32>
      %jit3A_1419 = arith.constant 16777216 : i32
      %broadcast_in_dim3A_1420 = vector.broadcast %jit3A_1419 : i32 to vector<16x128xi32>
      %select_n3A_1421 = arith.select %eq3A_1418, %add3A_192, %broadcast_in_dim3A_1420 : vector<16x128xi1>, vector<16x128xi32>
      %min3A_1422 = arith.minsi %min3A_1416, %select_n3A_1421 : vector<16x128xi32>
      %eq3A_1423 = vector.broadcast %broadcast_in_dim3A_1384 : vector<16x1xf32> to vector<16x128xf32>
      %eq3A_1424 = arith.cmpf oeq, %select_n3A_1316, %eq3A_1423 : vector<16x128xf32>
      %jit3A_1425 = arith.constant 16777216 : i32
      %broadcast_in_dim3A_1426 = vector.broadcast %jit3A_1425 : i32 to vector<16x128xi32>
      %select_n3A_1427 = arith.select %eq3A_1424, %add3A_222, %broadcast_in_dim3A_1426 : vector<16x128xi1>, vector<16x128xi32>
      %min3A_1428 = arith.minsi %min3A_1422, %select_n3A_1427 : vector<16x128xi32>
      %eq3A_1429 = vector.broadcast %broadcast_in_dim3A_1384 : vector<16x1xf32> to vector<16x128xf32>
      %eq3A_1430 = arith.cmpf oeq, %select_n3A_1321, %eq3A_1429 : vector<16x128xf32>
      %jit3A_1431 = arith.constant 16777216 : i32
      %broadcast_in_dim3A_1432 = vector.broadcast %jit3A_1431 : i32 to vector<16x128xi32>
      %select_n3A_1433 = arith.select %eq3A_1430, %add3A_252, %broadcast_in_dim3A_1432 : vector<16x128xi1>, vector<16x128xi32>
      %min3A_1434 = arith.minsi %min3A_1428, %select_n3A_1433 : vector<16x128xi32>
      %reduce_min3A_1435 = arith.constant dense<2147483647> : vector<16xi32>
      %reduce_min3A_1436 = vector.multi_reduction <minsi>, %min3A_1434, %reduce_min3A_1435 [1] : vector<16x128xi32> to vector<16xi32>
      %broadcast_in_dim3A_1437 = vector.shape_cast %reduce_min3A_1436 : vector<16xi32> to vector<16x1xi32>
      %eq3A_1438 = vector.broadcast %broadcast_in_dim3A_1437 : vector<16x1xi32> to vector<16x128xi32>
      %eq3A_1439 = arith.cmpi eq, %add3A_42, %eq3A_1438 : vector<16x128xi32>
      %jit3A_1440 = arith.constant 0xFF800000 : f32
      %broadcast_in_dim3A_1441 = vector.broadcast %jit3A_1440 : f32 to vector<16x128xf32>
      %select_n3A_1442 = arith.select %eq3A_1439, %broadcast_in_dim3A_1441, %select_n3A_1286 : vector<16x128xi1>, vector<16x128xf32>
      %eq3A_1443 = vector.broadcast %broadcast_in_dim3A_1437 : vector<16x1xi32> to vector<16x128xi32>
      %eq3A_1444 = arith.cmpi eq, %add3A_72, %eq3A_1443 : vector<16x128xi32>
      %jit3A_1445 = arith.constant 0xFF800000 : f32
      %broadcast_in_dim3A_1446 = vector.broadcast %jit3A_1445 : f32 to vector<16x128xf32>
      %select_n3A_1447 = arith.select %eq3A_1444, %broadcast_in_dim3A_1446, %select_n3A_1291 : vector<16x128xi1>, vector<16x128xf32>
      %eq3A_1448 = vector.broadcast %broadcast_in_dim3A_1437 : vector<16x1xi32> to vector<16x128xi32>
      %eq3A_1449 = arith.cmpi eq, %add3A_102, %eq3A_1448 : vector<16x128xi32>
      %jit3A_1450 = arith.constant 0xFF800000 : f32
      %broadcast_in_dim3A_1451 = vector.broadcast %jit3A_1450 : f32 to vector<16x128xf32>
      %select_n3A_1452 = arith.select %eq3A_1449, %broadcast_in_dim3A_1451, %select_n3A_1296 : vector<16x128xi1>, vector<16x128xf32>
      %eq3A_1453 = vector.broadcast %broadcast_in_dim3A_1437 : vector<16x1xi32> to vector<16x128xi32>
      %eq3A_1454 = arith.cmpi eq, %add3A_132, %eq3A_1453 : vector<16x128xi32>
      %jit3A_1455 = arith.constant 0xFF800000 : f32
      %broadcast_in_dim3A_1456 = vector.broadcast %jit3A_1455 : f32 to vector<16x128xf32>
      %select_n3A_1457 = arith.select %eq3A_1454, %broadcast_in_dim3A_1456, %select_n3A_1301 : vector<16x128xi1>, vector<16x128xf32>
      %eq3A_1458 = vector.broadcast %broadcast_in_dim3A_1437 : vector<16x1xi32> to vector<16x128xi32>
      %eq3A_1459 = arith.cmpi eq, %add3A_162, %eq3A_1458 : vector<16x128xi32>
      %jit3A_1460 = arith.constant 0xFF800000 : f32
      %broadcast_in_dim3A_1461 = vector.broadcast %jit3A_1460 : f32 to vector<16x128xf32>
      %select_n3A_1462 = arith.select %eq3A_1459, %broadcast_in_dim3A_1461, %select_n3A_1306 : vector<16x128xi1>, vector<16x128xf32>
      %eq3A_1463 = vector.broadcast %broadcast_in_dim3A_1437 : vector<16x1xi32> to vector<16x128xi32>
      %eq3A_1464 = arith.cmpi eq, %add3A_192, %eq3A_1463 : vector<16x128xi32>
      %jit3A_1465 = arith.constant 0xFF800000 : f32
      %broadcast_in_dim3A_1466 = vector.broadcast %jit3A_1465 : f32 to vector<16x128xf32>
      %select_n3A_1467 = arith.select %eq3A_1464, %broadcast_in_dim3A_1466, %select_n3A_1311 : vector<16x128xi1>, vector<16x128xf32>
      %eq3A_1468 = vector.broadcast %broadcast_in_dim3A_1437 : vector<16x1xi32> to vector<16x128xi32>
      %eq3A_1469 = arith.cmpi eq, %add3A_222, %eq3A_1468 : vector<16x128xi32>
      %jit3A_1470 = arith.constant 0xFF800000 : f32
      %broadcast_in_dim3A_1471 = vector.broadcast %jit3A_1470 : f32 to vector<16x128xf32>
      %select_n3A_1472 = arith.select %eq3A_1469, %broadcast_in_dim3A_1471, %select_n3A_1316 : vector<16x128xi1>, vector<16x128xf32>
      %eq3A_1473 = vector.broadcast %broadcast_in_dim3A_1437 : vector<16x1xi32> to vector<16x128xi32>
      %eq3A_1474 = arith.cmpi eq, %add3A_252, %eq3A_1473 : vector<16x128xi32>
      %jit3A_1475 = arith.constant 0xFF800000 : f32
      %broadcast_in_dim3A_1476 = vector.broadcast %jit3A_1475 : f32 to vector<16x128xf32>
      %select_n3A_1477 = arith.select %eq3A_1474, %broadcast_in_dim3A_1476, %select_n3A_1321 : vector<16x128xi1>, vector<16x128xf32>
      %jit3A_1478 = arith.constant 128 : i32
      %div3A_1479 = vector.broadcast %jit3A_1478 : i32 to vector<16x1xi32>
      %div3A_1480 = arith.divsi %broadcast_in_dim3A_1437, %div3A_1479 : vector<16x1xi32>
      %sign3A_1481 = arith.constant 0 : i32
      %sign3A_1482 = vector.broadcast %sign3A_1481 : i32 to vector<16x1xi32>
      %sign3A_1483 = arith.cmpi sgt, %broadcast_in_dim3A_1437, %sign3A_1482 : vector<16x1xi32>
      %sign3A_1484 = arith.extui %sign3A_1483 : vector<16x1xi1> to vector<16x1xi32>
      %sign3A_1485 = arith.constant 0 : i32
      %sign3A_1486 = vector.broadcast %sign3A_1485 : i32 to vector<16x1xi32>
      %sign3A_1487 = arith.cmpi slt, %broadcast_in_dim3A_1437, %sign3A_1486 : vector<16x1xi32>
      %sign3A_1488 = arith.extui %sign3A_1487 : vector<16x1xi1> to vector<16x1xi32>
      %sign3A_1489 = arith.subi %sign3A_1484, %sign3A_1488 : vector<16x1xi32>
      %sign3A_1490 = arith.constant 0 : i32
      %sign3A_1491 = arith.cmpi sgt, %jit3A_1478, %sign3A_1490 : i32
      %sign3A_1492 = arith.extui %sign3A_1491 : i1 to i32
      %sign3A_1493 = arith.constant 0 : i32
      %sign3A_1494 = arith.cmpi slt, %jit3A_1478, %sign3A_1493 : i32
      %sign3A_1495 = arith.extui %sign3A_1494 : i1 to i32
      %sign3A_1496 = arith.subi %sign3A_1492, %sign3A_1495 : i32
      %ne3A_1497 = vector.broadcast %sign3A_1496 : i32 to vector<16x1xi32>
      %ne3A_1498 = arith.cmpi ne, %sign3A_1489, %ne3A_1497 : vector<16x1xi32>
      %rem3A_1499 = vector.broadcast %jit3A_1478 : i32 to vector<16x1xi32>
      %rem3A_1500 = arith.remsi %broadcast_in_dim3A_1437, %rem3A_1499 : vector<16x1xi32>
      %ne3A_1501 = arith.constant 0 : i32
      %ne3A_1502 = vector.broadcast %ne3A_1501 : i32 to vector<16x1xi32>
      %ne3A_1503 = arith.cmpi ne, %rem3A_1500, %ne3A_1502 : vector<16x1xi32>
      %and3A_1504 = arith.andi %ne3A_1498, %ne3A_1503 : vector<16x1xi1>
      %sub3A_1505 = arith.constant 1 : i32
      %sub3A_1506 = vector.broadcast %sub3A_1505 : i32 to vector<16x1xi32>
      %sub3A_1507 = arith.subi %div3A_1480, %sub3A_1506 : vector<16x1xi32>
      %select_n3A_1508 = arith.select %and3A_1504, %sub3A_1507, %div3A_1480 : vector<16x1xi1>, vector<16x1xi32>
      %mul3A_1509 = arith.constant 128 : i32
      %mul3A_1510 = vector.broadcast %mul3A_1509 : i32 to vector<16x1xi32>
      %mul3A_1511 = arith.muli %select_n3A_1508, %mul3A_1510 : vector<16x1xi32>
      %sub3A_1512 = arith.subi %broadcast_in_dim3A_1437, %mul3A_1511 : vector<16x1xi32>
      %eq3A_1513 = vector.broadcast %sub3A_1512 : vector<16x1xi32> to vector<16x128xi32>
      %eq3A_1514 = arith.cmpi eq, %iota3A_15, %eq3A_1513 : vector<16x128xi32>
      %jit3A_1515 = arith.constant 1 : i32
      %jit3A_1516 = arith.constant 0 : i32
      %broadcast_in_dim3A_1517 = vector.broadcast %jit3A_1515 : i32 to vector<16x128xi32>
      %broadcast_in_dim3A_1518 = vector.broadcast %jit3A_1516 : i32 to vector<16x128xi32>
      %select_n3A_1519 = arith.select %eq3A_1514, %broadcast_in_dim3A_1517, %broadcast_in_dim3A_1518 : vector<16x128xi1>, vector<16x128xi32>
      %add3A_1520 = arith.addi %add3A_1364, %select_n3A_1519 : vector<16x128xi32>
      %eq3A_1521 = vector.broadcast %scan3A_1374 : i32 to vector<16x64xi32>
      %eq3A_1522 = arith.cmpi eq, %iota3A_19, %eq3A_1521 : vector<16x64xi32>
      %broadcast_in_dim3A_1523 = vector.shape_cast %broadcast_in_dim3A_1384 : vector<16x1xf32> to vector<16x1xf32>
      %broadcast_in_dim3A_1524 = vector.broadcast %broadcast_in_dim3A_1523 : vector<16x1xf32> to vector<16x64xf32>
      %select_n3A_1525 = arith.select %eq3A_1522, %broadcast_in_dim3A_1524, %select_n3A_1369 : vector<16x64xi1>, vector<16x64xf32>
      %broadcast_in_dim3A_1526 = vector.shape_cast %broadcast_in_dim3A_1437 : vector<16x1xi32> to vector<16x1xi32>
      %broadcast_in_dim3A_1527 = vector.broadcast %broadcast_in_dim3A_1526 : vector<16x1xi32> to vector<16x64xi32>
      %select_n3A_1528 = arith.select %eq3A_1522, %broadcast_in_dim3A_1527, %select_n3A_1372 : vector<16x64xi1>, vector<16x64xi32>
      %scan3A_1529 = arith.constant 8 : i32
      %scan3A_1530 = arith.addi %scan3A_278, %scan3A_1529 : i32
      %max3A_1531 = arith.maximumf %select_n3A_1442, %select_n3A_1447 : vector<16x128xf32>
      %max3A_1532 = arith.maximumf %max3A_1531, %select_n3A_1452 : vector<16x128xf32>
      %max3A_1533 = arith.maximumf %max3A_1532, %select_n3A_1457 : vector<16x128xf32>
      %max3A_1534 = arith.maximumf %max3A_1533, %select_n3A_1462 : vector<16x128xf32>
      %max3A_1535 = arith.maximumf %max3A_1534, %select_n3A_1467 : vector<16x128xf32>
      %max3A_1536 = arith.maximumf %max3A_1535, %select_n3A_1472 : vector<16x128xf32>
      %max3A_1537 = arith.maximumf %max3A_1536, %select_n3A_1477 : vector<16x128xf32>
      %reduce_max3A_1538 = arith.constant dense<0xFF800000> : vector<16xf32>
      %reduce_max3A_1539 = vector.multi_reduction <maximumf>, %max3A_1537, %reduce_max3A_1538 [1] : vector<16x128xf32> to vector<16xf32>
      %broadcast_in_dim3A_1540 = vector.shape_cast %reduce_max3A_1539 : vector<16xf32> to vector<16x1xf32>
      %broadcast_in_dim3A_1541 = arith.constant 16777216 : i32
      %broadcast_in_dim3A_1542 = vector.broadcast %broadcast_in_dim3A_1541 : i32 to vector<16x128xi32>
      %eq3A_1543 = vector.broadcast %broadcast_in_dim3A_1540 : vector<16x1xf32> to vector<16x128xf32>
      %eq3A_1544 = arith.cmpf oeq, %select_n3A_1442, %eq3A_1543 : vector<16x128xf32>
      %jit3A_1545 = arith.constant 16777216 : i32
      %broadcast_in_dim3A_1546 = vector.broadcast %jit3A_1545 : i32 to vector<16x128xi32>
      %select_n3A_1547 = arith.select %eq3A_1544, %add3A_42, %broadcast_in_dim3A_1546 : vector<16x128xi1>, vector<16x128xi32>
      %min3A_1548 = arith.minsi %broadcast_in_dim3A_1542, %select_n3A_1547 : vector<16x128xi32>
      %eq3A_1549 = vector.broadcast %broadcast_in_dim3A_1540 : vector<16x1xf32> to vector<16x128xf32>
      %eq3A_1550 = arith.cmpf oeq, %select_n3A_1447, %eq3A_1549 : vector<16x128xf32>
      %jit3A_1551 = arith.constant 16777216 : i32
      %broadcast_in_dim3A_1552 = vector.broadcast %jit3A_1551 : i32 to vector<16x128xi32>
      %select_n3A_1553 = arith.select %eq3A_1550, %add3A_72, %broadcast_in_dim3A_1552 : vector<16x128xi1>, vector<16x128xi32>
      %min3A_1554 = arith.minsi %min3A_1548, %select_n3A_1553 : vector<16x128xi32>
      %eq3A_1555 = vector.broadcast %broadcast_in_dim3A_1540 : vector<16x1xf32> to vector<16x128xf32>
      %eq3A_1556 = arith.cmpf oeq, %select_n3A_1452, %eq3A_1555 : vector<16x128xf32>
      %jit3A_1557 = arith.constant 16777216 : i32
      %broadcast_in_dim3A_1558 = vector.broadcast %jit3A_1557 : i32 to vector<16x128xi32>
      %select_n3A_1559 = arith.select %eq3A_1556, %add3A_102, %broadcast_in_dim3A_1558 : vector<16x128xi1>, vector<16x128xi32>
      %min3A_1560 = arith.minsi %min3A_1554, %select_n3A_1559 : vector<16x128xi32>
      %eq3A_1561 = vector.broadcast %broadcast_in_dim3A_1540 : vector<16x1xf32> to vector<16x128xf32>
      %eq3A_1562 = arith.cmpf oeq, %select_n3A_1457, %eq3A_1561 : vector<16x128xf32>
      %jit3A_1563 = arith.constant 16777216 : i32
      %broadcast_in_dim3A_1564 = vector.broadcast %jit3A_1563 : i32 to vector<16x128xi32>
      %select_n3A_1565 = arith.select %eq3A_1562, %add3A_132, %broadcast_in_dim3A_1564 : vector<16x128xi1>, vector<16x128xi32>
      %min3A_1566 = arith.minsi %min3A_1560, %select_n3A_1565 : vector<16x128xi32>
      %eq3A_1567 = vector.broadcast %broadcast_in_dim3A_1540 : vector<16x1xf32> to vector<16x128xf32>
      %eq3A_1568 = arith.cmpf oeq, %select_n3A_1462, %eq3A_1567 : vector<16x128xf32>
      %jit3A_1569 = arith.constant 16777216 : i32
      %broadcast_in_dim3A_1570 = vector.broadcast %jit3A_1569 : i32 to vector<16x128xi32>
      %select_n3A_1571 = arith.select %eq3A_1568, %add3A_162, %broadcast_in_dim3A_1570 : vector<16x128xi1>, vector<16x128xi32>
      %min3A_1572 = arith.minsi %min3A_1566, %select_n3A_1571 : vector<16x128xi32>
      %eq3A_1573 = vector.broadcast %broadcast_in_dim3A_1540 : vector<16x1xf32> to vector<16x128xf32>
      %eq3A_1574 = arith.cmpf oeq, %select_n3A_1467, %eq3A_1573 : vector<16x128xf32>
      %jit3A_1575 = arith.constant 16777216 : i32
      %broadcast_in_dim3A_1576 = vector.broadcast %jit3A_1575 : i32 to vector<16x128xi32>
      %select_n3A_1577 = arith.select %eq3A_1574, %add3A_192, %broadcast_in_dim3A_1576 : vector<16x128xi1>, vector<16x128xi32>
      %min3A_1578 = arith.minsi %min3A_1572, %select_n3A_1577 : vector<16x128xi32>
      %eq3A_1579 = vector.broadcast %broadcast_in_dim3A_1540 : vector<16x1xf32> to vector<16x128xf32>
      %eq3A_1580 = arith.cmpf oeq, %select_n3A_1472, %eq3A_1579 : vector<16x128xf32>
      %jit3A_1581 = arith.constant 16777216 : i32
      %broadcast_in_dim3A_1582 = vector.broadcast %jit3A_1581 : i32 to vector<16x128xi32>
      %select_n3A_1583 = arith.select %eq3A_1580, %add3A_222, %broadcast_in_dim3A_1582 : vector<16x128xi1>, vector<16x128xi32>
      %min3A_1584 = arith.minsi %min3A_1578, %select_n3A_1583 : vector<16x128xi32>
      %eq3A_1585 = vector.broadcast %broadcast_in_dim3A_1540 : vector<16x1xf32> to vector<16x128xf32>
      %eq3A_1586 = arith.cmpf oeq, %select_n3A_1477, %eq3A_1585 : vector<16x128xf32>
      %jit3A_1587 = arith.constant 16777216 : i32
      %broadcast_in_dim3A_1588 = vector.broadcast %jit3A_1587 : i32 to vector<16x128xi32>
      %select_n3A_1589 = arith.select %eq3A_1586, %add3A_252, %broadcast_in_dim3A_1588 : vector<16x128xi1>, vector<16x128xi32>
      %min3A_1590 = arith.minsi %min3A_1584, %select_n3A_1589 : vector<16x128xi32>
      %reduce_min3A_1591 = arith.constant dense<2147483647> : vector<16xi32>
      %reduce_min3A_1592 = vector.multi_reduction <minsi>, %min3A_1590, %reduce_min3A_1591 [1] : vector<16x128xi32> to vector<16xi32>
      %broadcast_in_dim3A_1593 = vector.shape_cast %reduce_min3A_1592 : vector<16xi32> to vector<16x1xi32>
      %eq3A_1594 = vector.broadcast %broadcast_in_dim3A_1593 : vector<16x1xi32> to vector<16x128xi32>
      %eq3A_1595 = arith.cmpi eq, %add3A_42, %eq3A_1594 : vector<16x128xi32>
      %jit3A_1596 = arith.constant 0xFF800000 : f32
      %broadcast_in_dim3A_1597 = vector.broadcast %jit3A_1596 : f32 to vector<16x128xf32>
      %select_n3A_1598 = arith.select %eq3A_1595, %broadcast_in_dim3A_1597, %select_n3A_1442 : vector<16x128xi1>, vector<16x128xf32>
      %eq3A_1599 = vector.broadcast %broadcast_in_dim3A_1593 : vector<16x1xi32> to vector<16x128xi32>
      %eq3A_1600 = arith.cmpi eq, %add3A_72, %eq3A_1599 : vector<16x128xi32>
      %jit3A_1601 = arith.constant 0xFF800000 : f32
      %broadcast_in_dim3A_1602 = vector.broadcast %jit3A_1601 : f32 to vector<16x128xf32>
      %select_n3A_1603 = arith.select %eq3A_1600, %broadcast_in_dim3A_1602, %select_n3A_1447 : vector<16x128xi1>, vector<16x128xf32>
      %eq3A_1604 = vector.broadcast %broadcast_in_dim3A_1593 : vector<16x1xi32> to vector<16x128xi32>
      %eq3A_1605 = arith.cmpi eq, %add3A_102, %eq3A_1604 : vector<16x128xi32>
      %jit3A_1606 = arith.constant 0xFF800000 : f32
      %broadcast_in_dim3A_1607 = vector.broadcast %jit3A_1606 : f32 to vector<16x128xf32>
      %select_n3A_1608 = arith.select %eq3A_1605, %broadcast_in_dim3A_1607, %select_n3A_1452 : vector<16x128xi1>, vector<16x128xf32>
      %eq3A_1609 = vector.broadcast %broadcast_in_dim3A_1593 : vector<16x1xi32> to vector<16x128xi32>
      %eq3A_1610 = arith.cmpi eq, %add3A_132, %eq3A_1609 : vector<16x128xi32>
      %jit3A_1611 = arith.constant 0xFF800000 : f32
      %broadcast_in_dim3A_1612 = vector.broadcast %jit3A_1611 : f32 to vector<16x128xf32>
      %select_n3A_1613 = arith.select %eq3A_1610, %broadcast_in_dim3A_1612, %select_n3A_1457 : vector<16x128xi1>, vector<16x128xf32>
      %eq3A_1614 = vector.broadcast %broadcast_in_dim3A_1593 : vector<16x1xi32> to vector<16x128xi32>
      %eq3A_1615 = arith.cmpi eq, %add3A_162, %eq3A_1614 : vector<16x128xi32>
      %jit3A_1616 = arith.constant 0xFF800000 : f32
      %broadcast_in_dim3A_1617 = vector.broadcast %jit3A_1616 : f32 to vector<16x128xf32>
      %select_n3A_1618 = arith.select %eq3A_1615, %broadcast_in_dim3A_1617, %select_n3A_1462 : vector<16x128xi1>, vector<16x128xf32>
      %eq3A_1619 = vector.broadcast %broadcast_in_dim3A_1593 : vector<16x1xi32> to vector<16x128xi32>
      %eq3A_1620 = arith.cmpi eq, %add3A_192, %eq3A_1619 : vector<16x128xi32>
      %jit3A_1621 = arith.constant 0xFF800000 : f32
      %broadcast_in_dim3A_1622 = vector.broadcast %jit3A_1621 : f32 to vector<16x128xf32>
      %select_n3A_1623 = arith.select %eq3A_1620, %broadcast_in_dim3A_1622, %select_n3A_1467 : vector<16x128xi1>, vector<16x128xf32>
      %eq3A_1624 = vector.broadcast %broadcast_in_dim3A_1593 : vector<16x1xi32> to vector<16x128xi32>
      %eq3A_1625 = arith.cmpi eq, %add3A_222, %eq3A_1624 : vector<16x128xi32>
      %jit3A_1626 = arith.constant 0xFF800000 : f32
      %broadcast_in_dim3A_1627 = vector.broadcast %jit3A_1626 : f32 to vector<16x128xf32>
      %select_n3A_1628 = arith.select %eq3A_1625, %broadcast_in_dim3A_1627, %select_n3A_1472 : vector<16x128xi1>, vector<16x128xf32>
      %eq3A_1629 = vector.broadcast %broadcast_in_dim3A_1593 : vector<16x1xi32> to vector<16x128xi32>
      %eq3A_1630 = arith.cmpi eq, %add3A_252, %eq3A_1629 : vector<16x128xi32>
      %jit3A_1631 = arith.constant 0xFF800000 : f32
      %broadcast_in_dim3A_1632 = vector.broadcast %jit3A_1631 : f32 to vector<16x128xf32>
      %select_n3A_1633 = arith.select %eq3A_1630, %broadcast_in_dim3A_1632, %select_n3A_1477 : vector<16x128xi1>, vector<16x128xf32>
      %jit3A_1634 = arith.constant 128 : i32
      %div3A_1635 = vector.broadcast %jit3A_1634 : i32 to vector<16x1xi32>
      %div3A_1636 = arith.divsi %broadcast_in_dim3A_1593, %div3A_1635 : vector<16x1xi32>
      %sign3A_1637 = arith.constant 0 : i32
      %sign3A_1638 = vector.broadcast %sign3A_1637 : i32 to vector<16x1xi32>
      %sign3A_1639 = arith.cmpi sgt, %broadcast_in_dim3A_1593, %sign3A_1638 : vector<16x1xi32>
      %sign3A_1640 = arith.extui %sign3A_1639 : vector<16x1xi1> to vector<16x1xi32>
      %sign3A_1641 = arith.constant 0 : i32
      %sign3A_1642 = vector.broadcast %sign3A_1641 : i32 to vector<16x1xi32>
      %sign3A_1643 = arith.cmpi slt, %broadcast_in_dim3A_1593, %sign3A_1642 : vector<16x1xi32>
      %sign3A_1644 = arith.extui %sign3A_1643 : vector<16x1xi1> to vector<16x1xi32>
      %sign3A_1645 = arith.subi %sign3A_1640, %sign3A_1644 : vector<16x1xi32>
      %sign3A_1646 = arith.constant 0 : i32
      %sign3A_1647 = arith.cmpi sgt, %jit3A_1634, %sign3A_1646 : i32
      %sign3A_1648 = arith.extui %sign3A_1647 : i1 to i32
      %sign3A_1649 = arith.constant 0 : i32
      %sign3A_1650 = arith.cmpi slt, %jit3A_1634, %sign3A_1649 : i32
      %sign3A_1651 = arith.extui %sign3A_1650 : i1 to i32
      %sign3A_1652 = arith.subi %sign3A_1648, %sign3A_1651 : i32
      %ne3A_1653 = vector.broadcast %sign3A_1652 : i32 to vector<16x1xi32>
      %ne3A_1654 = arith.cmpi ne, %sign3A_1645, %ne3A_1653 : vector<16x1xi32>
      %rem3A_1655 = vector.broadcast %jit3A_1634 : i32 to vector<16x1xi32>
      %rem3A_1656 = arith.remsi %broadcast_in_dim3A_1593, %rem3A_1655 : vector<16x1xi32>
      %ne3A_1657 = arith.constant 0 : i32
      %ne3A_1658 = vector.broadcast %ne3A_1657 : i32 to vector<16x1xi32>
      %ne3A_1659 = arith.cmpi ne, %rem3A_1656, %ne3A_1658 : vector<16x1xi32>
      %and3A_1660 = arith.andi %ne3A_1654, %ne3A_1659 : vector<16x1xi1>
      %sub3A_1661 = arith.constant 1 : i32
      %sub3A_1662 = vector.broadcast %sub3A_1661 : i32 to vector<16x1xi32>
      %sub3A_1663 = arith.subi %div3A_1636, %sub3A_1662 : vector<16x1xi32>
      %select_n3A_1664 = arith.select %and3A_1660, %sub3A_1663, %div3A_1636 : vector<16x1xi1>, vector<16x1xi32>
      %mul3A_1665 = arith.constant 128 : i32
      %mul3A_1666 = vector.broadcast %mul3A_1665 : i32 to vector<16x1xi32>
      %mul3A_1667 = arith.muli %select_n3A_1664, %mul3A_1666 : vector<16x1xi32>
      %sub3A_1668 = arith.subi %broadcast_in_dim3A_1593, %mul3A_1667 : vector<16x1xi32>
      %eq3A_1669 = vector.broadcast %sub3A_1668 : vector<16x1xi32> to vector<16x128xi32>
      %eq3A_1670 = arith.cmpi eq, %iota3A_15, %eq3A_1669 : vector<16x128xi32>
      %jit3A_1671 = arith.constant 1 : i32
      %jit3A_1672 = arith.constant 0 : i32
      %broadcast_in_dim3A_1673 = vector.broadcast %jit3A_1671 : i32 to vector<16x128xi32>
      %broadcast_in_dim3A_1674 = vector.broadcast %jit3A_1672 : i32 to vector<16x128xi32>
      %select_n3A_1675 = arith.select %eq3A_1670, %broadcast_in_dim3A_1673, %broadcast_in_dim3A_1674 : vector<16x128xi1>, vector<16x128xi32>
      %add3A_1676 = arith.addi %add3A_1520, %select_n3A_1675 : vector<16x128xi32>
      %eq3A_1677 = vector.broadcast %scan3A_1530 : i32 to vector<16x64xi32>
      %eq3A_1678 = arith.cmpi eq, %iota3A_19, %eq3A_1677 : vector<16x64xi32>
      %broadcast_in_dim3A_1679 = vector.shape_cast %broadcast_in_dim3A_1540 : vector<16x1xf32> to vector<16x1xf32>
      %broadcast_in_dim3A_1680 = vector.broadcast %broadcast_in_dim3A_1679 : vector<16x1xf32> to vector<16x64xf32>
      %select_n3A_1681 = arith.select %eq3A_1678, %broadcast_in_dim3A_1680, %select_n3A_1525 : vector<16x64xi1>, vector<16x64xf32>
      %broadcast_in_dim3A_1682 = vector.shape_cast %broadcast_in_dim3A_1593 : vector<16x1xi32> to vector<16x1xi32>
      %broadcast_in_dim3A_1683 = vector.broadcast %broadcast_in_dim3A_1682 : vector<16x1xi32> to vector<16x64xi32>
      %select_n3A_1684 = arith.select %eq3A_1678, %broadcast_in_dim3A_1683, %select_n3A_1528 : vector<16x64xi1>, vector<16x64xi32>
      %scan3A_1685 = arith.constant 9 : i32
      %scan3A_1686 = arith.addi %scan3A_278, %scan3A_1685 : i32
      %max3A_1687 = arith.maximumf %select_n3A_1598, %select_n3A_1603 : vector<16x128xf32>
      %max3A_1688 = arith.maximumf %max3A_1687, %select_n3A_1608 : vector<16x128xf32>
      %max3A_1689 = arith.maximumf %max3A_1688, %select_n3A_1613 : vector<16x128xf32>
      %max3A_1690 = arith.maximumf %max3A_1689, %select_n3A_1618 : vector<16x128xf32>
      %max3A_1691 = arith.maximumf %max3A_1690, %select_n3A_1623 : vector<16x128xf32>
      %max3A_1692 = arith.maximumf %max3A_1691, %select_n3A_1628 : vector<16x128xf32>
      %max3A_1693 = arith.maximumf %max3A_1692, %select_n3A_1633 : vector<16x128xf32>
      %reduce_max3A_1694 = arith.constant dense<0xFF800000> : vector<16xf32>
      %reduce_max3A_1695 = vector.multi_reduction <maximumf>, %max3A_1693, %reduce_max3A_1694 [1] : vector<16x128xf32> to vector<16xf32>
      %broadcast_in_dim3A_1696 = vector.shape_cast %reduce_max3A_1695 : vector<16xf32> to vector<16x1xf32>
      %broadcast_in_dim3A_1697 = arith.constant 16777216 : i32
      %broadcast_in_dim3A_1698 = vector.broadcast %broadcast_in_dim3A_1697 : i32 to vector<16x128xi32>
      %eq3A_1699 = vector.broadcast %broadcast_in_dim3A_1696 : vector<16x1xf32> to vector<16x128xf32>
      %eq3A_1700 = arith.cmpf oeq, %select_n3A_1598, %eq3A_1699 : vector<16x128xf32>
      %jit3A_1701 = arith.constant 16777216 : i32
      %broadcast_in_dim3A_1702 = vector.broadcast %jit3A_1701 : i32 to vector<16x128xi32>
      %select_n3A_1703 = arith.select %eq3A_1700, %add3A_42, %broadcast_in_dim3A_1702 : vector<16x128xi1>, vector<16x128xi32>
      %min3A_1704 = arith.minsi %broadcast_in_dim3A_1698, %select_n3A_1703 : vector<16x128xi32>
      %eq3A_1705 = vector.broadcast %broadcast_in_dim3A_1696 : vector<16x1xf32> to vector<16x128xf32>
      %eq3A_1706 = arith.cmpf oeq, %select_n3A_1603, %eq3A_1705 : vector<16x128xf32>
      %jit3A_1707 = arith.constant 16777216 : i32
      %broadcast_in_dim3A_1708 = vector.broadcast %jit3A_1707 : i32 to vector<16x128xi32>
      %select_n3A_1709 = arith.select %eq3A_1706, %add3A_72, %broadcast_in_dim3A_1708 : vector<16x128xi1>, vector<16x128xi32>
      %min3A_1710 = arith.minsi %min3A_1704, %select_n3A_1709 : vector<16x128xi32>
      %eq3A_1711 = vector.broadcast %broadcast_in_dim3A_1696 : vector<16x1xf32> to vector<16x128xf32>
      %eq3A_1712 = arith.cmpf oeq, %select_n3A_1608, %eq3A_1711 : vector<16x128xf32>
      %jit3A_1713 = arith.constant 16777216 : i32
      %broadcast_in_dim3A_1714 = vector.broadcast %jit3A_1713 : i32 to vector<16x128xi32>
      %select_n3A_1715 = arith.select %eq3A_1712, %add3A_102, %broadcast_in_dim3A_1714 : vector<16x128xi1>, vector<16x128xi32>
      %min3A_1716 = arith.minsi %min3A_1710, %select_n3A_1715 : vector<16x128xi32>
      %eq3A_1717 = vector.broadcast %broadcast_in_dim3A_1696 : vector<16x1xf32> to vector<16x128xf32>
      %eq3A_1718 = arith.cmpf oeq, %select_n3A_1613, %eq3A_1717 : vector<16x128xf32>
      %jit3A_1719 = arith.constant 16777216 : i32
      %broadcast_in_dim3A_1720 = vector.broadcast %jit3A_1719 : i32 to vector<16x128xi32>
      %select_n3A_1721 = arith.select %eq3A_1718, %add3A_132, %broadcast_in_dim3A_1720 : vector<16x128xi1>, vector<16x128xi32>
      %min3A_1722 = arith.minsi %min3A_1716, %select_n3A_1721 : vector<16x128xi32>
      %eq3A_1723 = vector.broadcast %broadcast_in_dim3A_1696 : vector<16x1xf32> to vector<16x128xf32>
      %eq3A_1724 = arith.cmpf oeq, %select_n3A_1618, %eq3A_1723 : vector<16x128xf32>
      %jit3A_1725 = arith.constant 16777216 : i32
      %broadcast_in_dim3A_1726 = vector.broadcast %jit3A_1725 : i32 to vector<16x128xi32>
      %select_n3A_1727 = arith.select %eq3A_1724, %add3A_162, %broadcast_in_dim3A_1726 : vector<16x128xi1>, vector<16x128xi32>
      %min3A_1728 = arith.minsi %min3A_1722, %select_n3A_1727 : vector<16x128xi32>
      %eq3A_1729 = vector.broadcast %broadcast_in_dim3A_1696 : vector<16x1xf32> to vector<16x128xf32>
      %eq3A_1730 = arith.cmpf oeq, %select_n3A_1623, %eq3A_1729 : vector<16x128xf32>
      %jit3A_1731 = arith.constant 16777216 : i32
      %broadcast_in_dim3A_1732 = vector.broadcast %jit3A_1731 : i32 to vector<16x128xi32>
      %select_n3A_1733 = arith.select %eq3A_1730, %add3A_192, %broadcast_in_dim3A_1732 : vector<16x128xi1>, vector<16x128xi32>
      %min3A_1734 = arith.minsi %min3A_1728, %select_n3A_1733 : vector<16x128xi32>
      %eq3A_1735 = vector.broadcast %broadcast_in_dim3A_1696 : vector<16x1xf32> to vector<16x128xf32>
      %eq3A_1736 = arith.cmpf oeq, %select_n3A_1628, %eq3A_1735 : vector<16x128xf32>
      %jit3A_1737 = arith.constant 16777216 : i32
      %broadcast_in_dim3A_1738 = vector.broadcast %jit3A_1737 : i32 to vector<16x128xi32>
      %select_n3A_1739 = arith.select %eq3A_1736, %add3A_222, %broadcast_in_dim3A_1738 : vector<16x128xi1>, vector<16x128xi32>
      %min3A_1740 = arith.minsi %min3A_1734, %select_n3A_1739 : vector<16x128xi32>
      %eq3A_1741 = vector.broadcast %broadcast_in_dim3A_1696 : vector<16x1xf32> to vector<16x128xf32>
      %eq3A_1742 = arith.cmpf oeq, %select_n3A_1633, %eq3A_1741 : vector<16x128xf32>
      %jit3A_1743 = arith.constant 16777216 : i32
      %broadcast_in_dim3A_1744 = vector.broadcast %jit3A_1743 : i32 to vector<16x128xi32>
      %select_n3A_1745 = arith.select %eq3A_1742, %add3A_252, %broadcast_in_dim3A_1744 : vector<16x128xi1>, vector<16x128xi32>
      %min3A_1746 = arith.minsi %min3A_1740, %select_n3A_1745 : vector<16x128xi32>
      %reduce_min3A_1747 = arith.constant dense<2147483647> : vector<16xi32>
      %reduce_min3A_1748 = vector.multi_reduction <minsi>, %min3A_1746, %reduce_min3A_1747 [1] : vector<16x128xi32> to vector<16xi32>
      %broadcast_in_dim3A_1749 = vector.shape_cast %reduce_min3A_1748 : vector<16xi32> to vector<16x1xi32>
      %eq3A_1750 = vector.broadcast %broadcast_in_dim3A_1749 : vector<16x1xi32> to vector<16x128xi32>
      %eq3A_1751 = arith.cmpi eq, %add3A_42, %eq3A_1750 : vector<16x128xi32>
      %jit3A_1752 = arith.constant 0xFF800000 : f32
      %broadcast_in_dim3A_1753 = vector.broadcast %jit3A_1752 : f32 to vector<16x128xf32>
      %select_n3A_1754 = arith.select %eq3A_1751, %broadcast_in_dim3A_1753, %select_n3A_1598 : vector<16x128xi1>, vector<16x128xf32>
      %eq3A_1755 = vector.broadcast %broadcast_in_dim3A_1749 : vector<16x1xi32> to vector<16x128xi32>
      %eq3A_1756 = arith.cmpi eq, %add3A_72, %eq3A_1755 : vector<16x128xi32>
      %jit3A_1757 = arith.constant 0xFF800000 : f32
      %broadcast_in_dim3A_1758 = vector.broadcast %jit3A_1757 : f32 to vector<16x128xf32>
      %select_n3A_1759 = arith.select %eq3A_1756, %broadcast_in_dim3A_1758, %select_n3A_1603 : vector<16x128xi1>, vector<16x128xf32>
      %eq3A_1760 = vector.broadcast %broadcast_in_dim3A_1749 : vector<16x1xi32> to vector<16x128xi32>
      %eq3A_1761 = arith.cmpi eq, %add3A_102, %eq3A_1760 : vector<16x128xi32>
      %jit3A_1762 = arith.constant 0xFF800000 : f32
      %broadcast_in_dim3A_1763 = vector.broadcast %jit3A_1762 : f32 to vector<16x128xf32>
      %select_n3A_1764 = arith.select %eq3A_1761, %broadcast_in_dim3A_1763, %select_n3A_1608 : vector<16x128xi1>, vector<16x128xf32>
      %eq3A_1765 = vector.broadcast %broadcast_in_dim3A_1749 : vector<16x1xi32> to vector<16x128xi32>
      %eq3A_1766 = arith.cmpi eq, %add3A_132, %eq3A_1765 : vector<16x128xi32>
      %jit3A_1767 = arith.constant 0xFF800000 : f32
      %broadcast_in_dim3A_1768 = vector.broadcast %jit3A_1767 : f32 to vector<16x128xf32>
      %select_n3A_1769 = arith.select %eq3A_1766, %broadcast_in_dim3A_1768, %select_n3A_1613 : vector<16x128xi1>, vector<16x128xf32>
      %eq3A_1770 = vector.broadcast %broadcast_in_dim3A_1749 : vector<16x1xi32> to vector<16x128xi32>
      %eq3A_1771 = arith.cmpi eq, %add3A_162, %eq3A_1770 : vector<16x128xi32>
      %jit3A_1772 = arith.constant 0xFF800000 : f32
      %broadcast_in_dim3A_1773 = vector.broadcast %jit3A_1772 : f32 to vector<16x128xf32>
      %select_n3A_1774 = arith.select %eq3A_1771, %broadcast_in_dim3A_1773, %select_n3A_1618 : vector<16x128xi1>, vector<16x128xf32>
      %eq3A_1775 = vector.broadcast %broadcast_in_dim3A_1749 : vector<16x1xi32> to vector<16x128xi32>
      %eq3A_1776 = arith.cmpi eq, %add3A_192, %eq3A_1775 : vector<16x128xi32>
      %jit3A_1777 = arith.constant 0xFF800000 : f32
      %broadcast_in_dim3A_1778 = vector.broadcast %jit3A_1777 : f32 to vector<16x128xf32>
      %select_n3A_1779 = arith.select %eq3A_1776, %broadcast_in_dim3A_1778, %select_n3A_1623 : vector<16x128xi1>, vector<16x128xf32>
      %eq3A_1780 = vector.broadcast %broadcast_in_dim3A_1749 : vector<16x1xi32> to vector<16x128xi32>
      %eq3A_1781 = arith.cmpi eq, %add3A_222, %eq3A_1780 : vector<16x128xi32>
      %jit3A_1782 = arith.constant 0xFF800000 : f32
      %broadcast_in_dim3A_1783 = vector.broadcast %jit3A_1782 : f32 to vector<16x128xf32>
      %select_n3A_1784 = arith.select %eq3A_1781, %broadcast_in_dim3A_1783, %select_n3A_1628 : vector<16x128xi1>, vector<16x128xf32>
      %eq3A_1785 = vector.broadcast %broadcast_in_dim3A_1749 : vector<16x1xi32> to vector<16x128xi32>
      %eq3A_1786 = arith.cmpi eq, %add3A_252, %eq3A_1785 : vector<16x128xi32>
      %jit3A_1787 = arith.constant 0xFF800000 : f32
      %broadcast_in_dim3A_1788 = vector.broadcast %jit3A_1787 : f32 to vector<16x128xf32>
      %select_n3A_1789 = arith.select %eq3A_1786, %broadcast_in_dim3A_1788, %select_n3A_1633 : vector<16x128xi1>, vector<16x128xf32>
      %jit3A_1790 = arith.constant 128 : i32
      %div3A_1791 = vector.broadcast %jit3A_1790 : i32 to vector<16x1xi32>
      %div3A_1792 = arith.divsi %broadcast_in_dim3A_1749, %div3A_1791 : vector<16x1xi32>
      %sign3A_1793 = arith.constant 0 : i32
      %sign3A_1794 = vector.broadcast %sign3A_1793 : i32 to vector<16x1xi32>
      %sign3A_1795 = arith.cmpi sgt, %broadcast_in_dim3A_1749, %sign3A_1794 : vector<16x1xi32>
      %sign3A_1796 = arith.extui %sign3A_1795 : vector<16x1xi1> to vector<16x1xi32>
      %sign3A_1797 = arith.constant 0 : i32
      %sign3A_1798 = vector.broadcast %sign3A_1797 : i32 to vector<16x1xi32>
      %sign3A_1799 = arith.cmpi slt, %broadcast_in_dim3A_1749, %sign3A_1798 : vector<16x1xi32>
      %sign3A_1800 = arith.extui %sign3A_1799 : vector<16x1xi1> to vector<16x1xi32>
      %sign3A_1801 = arith.subi %sign3A_1796, %sign3A_1800 : vector<16x1xi32>
      %sign3A_1802 = arith.constant 0 : i32
      %sign3A_1803 = arith.cmpi sgt, %jit3A_1790, %sign3A_1802 : i32
      %sign3A_1804 = arith.extui %sign3A_1803 : i1 to i32
      %sign3A_1805 = arith.constant 0 : i32
      %sign3A_1806 = arith.cmpi slt, %jit3A_1790, %sign3A_1805 : i32
      %sign3A_1807 = arith.extui %sign3A_1806 : i1 to i32
      %sign3A_1808 = arith.subi %sign3A_1804, %sign3A_1807 : i32
      %ne3A_1809 = vector.broadcast %sign3A_1808 : i32 to vector<16x1xi32>
      %ne3A_1810 = arith.cmpi ne, %sign3A_1801, %ne3A_1809 : vector<16x1xi32>
      %rem3A_1811 = vector.broadcast %jit3A_1790 : i32 to vector<16x1xi32>
      %rem3A_1812 = arith.remsi %broadcast_in_dim3A_1749, %rem3A_1811 : vector<16x1xi32>
      %ne3A_1813 = arith.constant 0 : i32
      %ne3A_1814 = vector.broadcast %ne3A_1813 : i32 to vector<16x1xi32>
      %ne3A_1815 = arith.cmpi ne, %rem3A_1812, %ne3A_1814 : vector<16x1xi32>
      %and3A_1816 = arith.andi %ne3A_1810, %ne3A_1815 : vector<16x1xi1>
      %sub3A_1817 = arith.constant 1 : i32
      %sub3A_1818 = vector.broadcast %sub3A_1817 : i32 to vector<16x1xi32>
      %sub3A_1819 = arith.subi %div3A_1792, %sub3A_1818 : vector<16x1xi32>
      %select_n3A_1820 = arith.select %and3A_1816, %sub3A_1819, %div3A_1792 : vector<16x1xi1>, vector<16x1xi32>
      %mul3A_1821 = arith.constant 128 : i32
      %mul3A_1822 = vector.broadcast %mul3A_1821 : i32 to vector<16x1xi32>
      %mul3A_1823 = arith.muli %select_n3A_1820, %mul3A_1822 : vector<16x1xi32>
      %sub3A_1824 = arith.subi %broadcast_in_dim3A_1749, %mul3A_1823 : vector<16x1xi32>
      %eq3A_1825 = vector.broadcast %sub3A_1824 : vector<16x1xi32> to vector<16x128xi32>
      %eq3A_1826 = arith.cmpi eq, %iota3A_15, %eq3A_1825 : vector<16x128xi32>
      %jit3A_1827 = arith.constant 1 : i32
      %jit3A_1828 = arith.constant 0 : i32
      %broadcast_in_dim3A_1829 = vector.broadcast %jit3A_1827 : i32 to vector<16x128xi32>
      %broadcast_in_dim3A_1830 = vector.broadcast %jit3A_1828 : i32 to vector<16x128xi32>
      %select_n3A_1831 = arith.select %eq3A_1826, %broadcast_in_dim3A_1829, %broadcast_in_dim3A_1830 : vector<16x128xi1>, vector<16x128xi32>
      %add3A_1832 = arith.addi %add3A_1676, %select_n3A_1831 : vector<16x128xi32>
      %eq3A_1833 = vector.broadcast %scan3A_1686 : i32 to vector<16x64xi32>
      %eq3A_1834 = arith.cmpi eq, %iota3A_19, %eq3A_1833 : vector<16x64xi32>
      %broadcast_in_dim3A_1835 = vector.shape_cast %broadcast_in_dim3A_1696 : vector<16x1xf32> to vector<16x1xf32>
      %broadcast_in_dim3A_1836 = vector.broadcast %broadcast_in_dim3A_1835 : vector<16x1xf32> to vector<16x64xf32>
      %select_n3A_1837 = arith.select %eq3A_1834, %broadcast_in_dim3A_1836, %select_n3A_1681 : vector<16x64xi1>, vector<16x64xf32>
      %broadcast_in_dim3A_1838 = vector.shape_cast %broadcast_in_dim3A_1749 : vector<16x1xi32> to vector<16x1xi32>
      %broadcast_in_dim3A_1839 = vector.broadcast %broadcast_in_dim3A_1838 : vector<16x1xi32> to vector<16x64xi32>
      %select_n3A_1840 = arith.select %eq3A_1834, %broadcast_in_dim3A_1839, %select_n3A_1684 : vector<16x64xi1>, vector<16x64xi32>
      %scan3A_1841 = arith.constant 10 : i32
      %scan3A_1842 = arith.addi %scan3A_278, %scan3A_1841 : i32
      %max3A_1843 = arith.maximumf %select_n3A_1754, %select_n3A_1759 : vector<16x128xf32>
      %max3A_1844 = arith.maximumf %max3A_1843, %select_n3A_1764 : vector<16x128xf32>
      %max3A_1845 = arith.maximumf %max3A_1844, %select_n3A_1769 : vector<16x128xf32>
      %max3A_1846 = arith.maximumf %max3A_1845, %select_n3A_1774 : vector<16x128xf32>
      %max3A_1847 = arith.maximumf %max3A_1846, %select_n3A_1779 : vector<16x128xf32>
      %max3A_1848 = arith.maximumf %max3A_1847, %select_n3A_1784 : vector<16x128xf32>
      %max3A_1849 = arith.maximumf %max3A_1848, %select_n3A_1789 : vector<16x128xf32>
      %reduce_max3A_1850 = arith.constant dense<0xFF800000> : vector<16xf32>
      %reduce_max3A_1851 = vector.multi_reduction <maximumf>, %max3A_1849, %reduce_max3A_1850 [1] : vector<16x128xf32> to vector<16xf32>
      %broadcast_in_dim3A_1852 = vector.shape_cast %reduce_max3A_1851 : vector<16xf32> to vector<16x1xf32>
      %broadcast_in_dim3A_1853 = arith.constant 16777216 : i32
      %broadcast_in_dim3A_1854 = vector.broadcast %broadcast_in_dim3A_1853 : i32 to vector<16x128xi32>
      %eq3A_1855 = vector.broadcast %broadcast_in_dim3A_1852 : vector<16x1xf32> to vector<16x128xf32>
      %eq3A_1856 = arith.cmpf oeq, %select_n3A_1754, %eq3A_1855 : vector<16x128xf32>
      %jit3A_1857 = arith.constant 16777216 : i32
      %broadcast_in_dim3A_1858 = vector.broadcast %jit3A_1857 : i32 to vector<16x128xi32>
      %select_n3A_1859 = arith.select %eq3A_1856, %add3A_42, %broadcast_in_dim3A_1858 : vector<16x128xi1>, vector<16x128xi32>
      %min3A_1860 = arith.minsi %broadcast_in_dim3A_1854, %select_n3A_1859 : vector<16x128xi32>
      %eq3A_1861 = vector.broadcast %broadcast_in_dim3A_1852 : vector<16x1xf32> to vector<16x128xf32>
      %eq3A_1862 = arith.cmpf oeq, %select_n3A_1759, %eq3A_1861 : vector<16x128xf32>
      %jit3A_1863 = arith.constant 16777216 : i32
      %broadcast_in_dim3A_1864 = vector.broadcast %jit3A_1863 : i32 to vector<16x128xi32>
      %select_n3A_1865 = arith.select %eq3A_1862, %add3A_72, %broadcast_in_dim3A_1864 : vector<16x128xi1>, vector<16x128xi32>
      %min3A_1866 = arith.minsi %min3A_1860, %select_n3A_1865 : vector<16x128xi32>
      %eq3A_1867 = vector.broadcast %broadcast_in_dim3A_1852 : vector<16x1xf32> to vector<16x128xf32>
      %eq3A_1868 = arith.cmpf oeq, %select_n3A_1764, %eq3A_1867 : vector<16x128xf32>
      %jit3A_1869 = arith.constant 16777216 : i32
      %broadcast_in_dim3A_1870 = vector.broadcast %jit3A_1869 : i32 to vector<16x128xi32>
      %select_n3A_1871 = arith.select %eq3A_1868, %add3A_102, %broadcast_in_dim3A_1870 : vector<16x128xi1>, vector<16x128xi32>
      %min3A_1872 = arith.minsi %min3A_1866, %select_n3A_1871 : vector<16x128xi32>
      %eq3A_1873 = vector.broadcast %broadcast_in_dim3A_1852 : vector<16x1xf32> to vector<16x128xf32>
      %eq3A_1874 = arith.cmpf oeq, %select_n3A_1769, %eq3A_1873 : vector<16x128xf32>
      %jit3A_1875 = arith.constant 16777216 : i32
      %broadcast_in_dim3A_1876 = vector.broadcast %jit3A_1875 : i32 to vector<16x128xi32>
      %select_n3A_1877 = arith.select %eq3A_1874, %add3A_132, %broadcast_in_dim3A_1876 : vector<16x128xi1>, vector<16x128xi32>
      %min3A_1878 = arith.minsi %min3A_1872, %select_n3A_1877 : vector<16x128xi32>
      %eq3A_1879 = vector.broadcast %broadcast_in_dim3A_1852 : vector<16x1xf32> to vector<16x128xf32>
      %eq3A_1880 = arith.cmpf oeq, %select_n3A_1774, %eq3A_1879 : vector<16x128xf32>
      %jit3A_1881 = arith.constant 16777216 : i32
      %broadcast_in_dim3A_1882 = vector.broadcast %jit3A_1881 : i32 to vector<16x128xi32>
      %select_n3A_1883 = arith.select %eq3A_1880, %add3A_162, %broadcast_in_dim3A_1882 : vector<16x128xi1>, vector<16x128xi32>
      %min3A_1884 = arith.minsi %min3A_1878, %select_n3A_1883 : vector<16x128xi32>
      %eq3A_1885 = vector.broadcast %broadcast_in_dim3A_1852 : vector<16x1xf32> to vector<16x128xf32>
      %eq3A_1886 = arith.cmpf oeq, %select_n3A_1779, %eq3A_1885 : vector<16x128xf32>
      %jit3A_1887 = arith.constant 16777216 : i32
      %broadcast_in_dim3A_1888 = vector.broadcast %jit3A_1887 : i32 to vector<16x128xi32>
      %select_n3A_1889 = arith.select %eq3A_1886, %add3A_192, %broadcast_in_dim3A_1888 : vector<16x128xi1>, vector<16x128xi32>
      %min3A_1890 = arith.minsi %min3A_1884, %select_n3A_1889 : vector<16x128xi32>
      %eq3A_1891 = vector.broadcast %broadcast_in_dim3A_1852 : vector<16x1xf32> to vector<16x128xf32>
      %eq3A_1892 = arith.cmpf oeq, %select_n3A_1784, %eq3A_1891 : vector<16x128xf32>
      %jit3A_1893 = arith.constant 16777216 : i32
      %broadcast_in_dim3A_1894 = vector.broadcast %jit3A_1893 : i32 to vector<16x128xi32>
      %select_n3A_1895 = arith.select %eq3A_1892, %add3A_222, %broadcast_in_dim3A_1894 : vector<16x128xi1>, vector<16x128xi32>
      %min3A_1896 = arith.minsi %min3A_1890, %select_n3A_1895 : vector<16x128xi32>
      %eq3A_1897 = vector.broadcast %broadcast_in_dim3A_1852 : vector<16x1xf32> to vector<16x128xf32>
      %eq3A_1898 = arith.cmpf oeq, %select_n3A_1789, %eq3A_1897 : vector<16x128xf32>
      %jit3A_1899 = arith.constant 16777216 : i32
      %broadcast_in_dim3A_1900 = vector.broadcast %jit3A_1899 : i32 to vector<16x128xi32>
      %select_n3A_1901 = arith.select %eq3A_1898, %add3A_252, %broadcast_in_dim3A_1900 : vector<16x128xi1>, vector<16x128xi32>
      %min3A_1902 = arith.minsi %min3A_1896, %select_n3A_1901 : vector<16x128xi32>
      %reduce_min3A_1903 = arith.constant dense<2147483647> : vector<16xi32>
      %reduce_min3A_1904 = vector.multi_reduction <minsi>, %min3A_1902, %reduce_min3A_1903 [1] : vector<16x128xi32> to vector<16xi32>
      %broadcast_in_dim3A_1905 = vector.shape_cast %reduce_min3A_1904 : vector<16xi32> to vector<16x1xi32>
      %eq3A_1906 = vector.broadcast %broadcast_in_dim3A_1905 : vector<16x1xi32> to vector<16x128xi32>
      %eq3A_1907 = arith.cmpi eq, %add3A_42, %eq3A_1906 : vector<16x128xi32>
      %jit3A_1908 = arith.constant 0xFF800000 : f32
      %broadcast_in_dim3A_1909 = vector.broadcast %jit3A_1908 : f32 to vector<16x128xf32>
      %select_n3A_1910 = arith.select %eq3A_1907, %broadcast_in_dim3A_1909, %select_n3A_1754 : vector<16x128xi1>, vector<16x128xf32>
      %eq3A_1911 = vector.broadcast %broadcast_in_dim3A_1905 : vector<16x1xi32> to vector<16x128xi32>
      %eq3A_1912 = arith.cmpi eq, %add3A_72, %eq3A_1911 : vector<16x128xi32>
      %jit3A_1913 = arith.constant 0xFF800000 : f32
      %broadcast_in_dim3A_1914 = vector.broadcast %jit3A_1913 : f32 to vector<16x128xf32>
      %select_n3A_1915 = arith.select %eq3A_1912, %broadcast_in_dim3A_1914, %select_n3A_1759 : vector<16x128xi1>, vector<16x128xf32>
      %eq3A_1916 = vector.broadcast %broadcast_in_dim3A_1905 : vector<16x1xi32> to vector<16x128xi32>
      %eq3A_1917 = arith.cmpi eq, %add3A_102, %eq3A_1916 : vector<16x128xi32>
      %jit3A_1918 = arith.constant 0xFF800000 : f32
      %broadcast_in_dim3A_1919 = vector.broadcast %jit3A_1918 : f32 to vector<16x128xf32>
      %select_n3A_1920 = arith.select %eq3A_1917, %broadcast_in_dim3A_1919, %select_n3A_1764 : vector<16x128xi1>, vector<16x128xf32>
      %eq3A_1921 = vector.broadcast %broadcast_in_dim3A_1905 : vector<16x1xi32> to vector<16x128xi32>
      %eq3A_1922 = arith.cmpi eq, %add3A_132, %eq3A_1921 : vector<16x128xi32>
      %jit3A_1923 = arith.constant 0xFF800000 : f32
      %broadcast_in_dim3A_1924 = vector.broadcast %jit3A_1923 : f32 to vector<16x128xf32>
      %select_n3A_1925 = arith.select %eq3A_1922, %broadcast_in_dim3A_1924, %select_n3A_1769 : vector<16x128xi1>, vector<16x128xf32>
      %eq3A_1926 = vector.broadcast %broadcast_in_dim3A_1905 : vector<16x1xi32> to vector<16x128xi32>
      %eq3A_1927 = arith.cmpi eq, %add3A_162, %eq3A_1926 : vector<16x128xi32>
      %jit3A_1928 = arith.constant 0xFF800000 : f32
      %broadcast_in_dim3A_1929 = vector.broadcast %jit3A_1928 : f32 to vector<16x128xf32>
      %select_n3A_1930 = arith.select %eq3A_1927, %broadcast_in_dim3A_1929, %select_n3A_1774 : vector<16x128xi1>, vector<16x128xf32>
      %eq3A_1931 = vector.broadcast %broadcast_in_dim3A_1905 : vector<16x1xi32> to vector<16x128xi32>
      %eq3A_1932 = arith.cmpi eq, %add3A_192, %eq3A_1931 : vector<16x128xi32>
      %jit3A_1933 = arith.constant 0xFF800000 : f32
      %broadcast_in_dim3A_1934 = vector.broadcast %jit3A_1933 : f32 to vector<16x128xf32>
      %select_n3A_1935 = arith.select %eq3A_1932, %broadcast_in_dim3A_1934, %select_n3A_1779 : vector<16x128xi1>, vector<16x128xf32>
      %eq3A_1936 = vector.broadcast %broadcast_in_dim3A_1905 : vector<16x1xi32> to vector<16x128xi32>
      %eq3A_1937 = arith.cmpi eq, %add3A_222, %eq3A_1936 : vector<16x128xi32>
      %jit3A_1938 = arith.constant 0xFF800000 : f32
      %broadcast_in_dim3A_1939 = vector.broadcast %jit3A_1938 : f32 to vector<16x128xf32>
      %select_n3A_1940 = arith.select %eq3A_1937, %broadcast_in_dim3A_1939, %select_n3A_1784 : vector<16x128xi1>, vector<16x128xf32>
      %eq3A_1941 = vector.broadcast %broadcast_in_dim3A_1905 : vector<16x1xi32> to vector<16x128xi32>
      %eq3A_1942 = arith.cmpi eq, %add3A_252, %eq3A_1941 : vector<16x128xi32>
      %jit3A_1943 = arith.constant 0xFF800000 : f32
      %broadcast_in_dim3A_1944 = vector.broadcast %jit3A_1943 : f32 to vector<16x128xf32>
      %select_n3A_1945 = arith.select %eq3A_1942, %broadcast_in_dim3A_1944, %select_n3A_1789 : vector<16x128xi1>, vector<16x128xf32>
      %jit3A_1946 = arith.constant 128 : i32
      %div3A_1947 = vector.broadcast %jit3A_1946 : i32 to vector<16x1xi32>
      %div3A_1948 = arith.divsi %broadcast_in_dim3A_1905, %div3A_1947 : vector<16x1xi32>
      %sign3A_1949 = arith.constant 0 : i32
      %sign3A_1950 = vector.broadcast %sign3A_1949 : i32 to vector<16x1xi32>
      %sign3A_1951 = arith.cmpi sgt, %broadcast_in_dim3A_1905, %sign3A_1950 : vector<16x1xi32>
      %sign3A_1952 = arith.extui %sign3A_1951 : vector<16x1xi1> to vector<16x1xi32>
      %sign3A_1953 = arith.constant 0 : i32
      %sign3A_1954 = vector.broadcast %sign3A_1953 : i32 to vector<16x1xi32>
      %sign3A_1955 = arith.cmpi slt, %broadcast_in_dim3A_1905, %sign3A_1954 : vector<16x1xi32>
      %sign3A_1956 = arith.extui %sign3A_1955 : vector<16x1xi1> to vector<16x1xi32>
      %sign3A_1957 = arith.subi %sign3A_1952, %sign3A_1956 : vector<16x1xi32>
      %sign3A_1958 = arith.constant 0 : i32
      %sign3A_1959 = arith.cmpi sgt, %jit3A_1946, %sign3A_1958 : i32
      %sign3A_1960 = arith.extui %sign3A_1959 : i1 to i32
      %sign3A_1961 = arith.constant 0 : i32
      %sign3A_1962 = arith.cmpi slt, %jit3A_1946, %sign3A_1961 : i32
      %sign3A_1963 = arith.extui %sign3A_1962 : i1 to i32
      %sign3A_1964 = arith.subi %sign3A_1960, %sign3A_1963 : i32
      %ne3A_1965 = vector.broadcast %sign3A_1964 : i32 to vector<16x1xi32>
      %ne3A_1966 = arith.cmpi ne, %sign3A_1957, %ne3A_1965 : vector<16x1xi32>
      %rem3A_1967 = vector.broadcast %jit3A_1946 : i32 to vector<16x1xi32>
      %rem3A_1968 = arith.remsi %broadcast_in_dim3A_1905, %rem3A_1967 : vector<16x1xi32>
      %ne3A_1969 = arith.constant 0 : i32
      %ne3A_1970 = vector.broadcast %ne3A_1969 : i32 to vector<16x1xi32>
      %ne3A_1971 = arith.cmpi ne, %rem3A_1968, %ne3A_1970 : vector<16x1xi32>
      %and3A_1972 = arith.andi %ne3A_1966, %ne3A_1971 : vector<16x1xi1>
      %sub3A_1973 = arith.constant 1 : i32
      %sub3A_1974 = vector.broadcast %sub3A_1973 : i32 to vector<16x1xi32>
      %sub3A_1975 = arith.subi %div3A_1948, %sub3A_1974 : vector<16x1xi32>
      %select_n3A_1976 = arith.select %and3A_1972, %sub3A_1975, %div3A_1948 : vector<16x1xi1>, vector<16x1xi32>
      %mul3A_1977 = arith.constant 128 : i32
      %mul3A_1978 = vector.broadcast %mul3A_1977 : i32 to vector<16x1xi32>
      %mul3A_1979 = arith.muli %select_n3A_1976, %mul3A_1978 : vector<16x1xi32>
      %sub3A_1980 = arith.subi %broadcast_in_dim3A_1905, %mul3A_1979 : vector<16x1xi32>
      %eq3A_1981 = vector.broadcast %sub3A_1980 : vector<16x1xi32> to vector<16x128xi32>
      %eq3A_1982 = arith.cmpi eq, %iota3A_15, %eq3A_1981 : vector<16x128xi32>
      %jit3A_1983 = arith.constant 1 : i32
      %jit3A_1984 = arith.constant 0 : i32
      %broadcast_in_dim3A_1985 = vector.broadcast %jit3A_1983 : i32 to vector<16x128xi32>
      %broadcast_in_dim3A_1986 = vector.broadcast %jit3A_1984 : i32 to vector<16x128xi32>
      %select_n3A_1987 = arith.select %eq3A_1982, %broadcast_in_dim3A_1985, %broadcast_in_dim3A_1986 : vector<16x128xi1>, vector<16x128xi32>
      %add3A_1988 = arith.addi %add3A_1832, %select_n3A_1987 : vector<16x128xi32>
      %eq3A_1989 = vector.broadcast %scan3A_1842 : i32 to vector<16x64xi32>
      %eq3A_1990 = arith.cmpi eq, %iota3A_19, %eq3A_1989 : vector<16x64xi32>
      %broadcast_in_dim3A_1991 = vector.shape_cast %broadcast_in_dim3A_1852 : vector<16x1xf32> to vector<16x1xf32>
      %broadcast_in_dim3A_1992 = vector.broadcast %broadcast_in_dim3A_1991 : vector<16x1xf32> to vector<16x64xf32>
      %select_n3A_1993 = arith.select %eq3A_1990, %broadcast_in_dim3A_1992, %select_n3A_1837 : vector<16x64xi1>, vector<16x64xf32>
      %broadcast_in_dim3A_1994 = vector.shape_cast %broadcast_in_dim3A_1905 : vector<16x1xi32> to vector<16x1xi32>
      %broadcast_in_dim3A_1995 = vector.broadcast %broadcast_in_dim3A_1994 : vector<16x1xi32> to vector<16x64xi32>
      %select_n3A_1996 = arith.select %eq3A_1990, %broadcast_in_dim3A_1995, %select_n3A_1840 : vector<16x64xi1>, vector<16x64xi32>
      %scan3A_1997 = arith.constant 11 : i32
      %scan3A_1998 = arith.addi %scan3A_278, %scan3A_1997 : i32
      %max3A_1999 = arith.maximumf %select_n3A_1910, %select_n3A_1915 : vector<16x128xf32>
      %max3A_2000 = arith.maximumf %max3A_1999, %select_n3A_1920 : vector<16x128xf32>
      %max3A_2001 = arith.maximumf %max3A_2000, %select_n3A_1925 : vector<16x128xf32>
      %max3A_2002 = arith.maximumf %max3A_2001, %select_n3A_1930 : vector<16x128xf32>
      %max3A_2003 = arith.maximumf %max3A_2002, %select_n3A_1935 : vector<16x128xf32>
      %max3A_2004 = arith.maximumf %max3A_2003, %select_n3A_1940 : vector<16x128xf32>
      %max3A_2005 = arith.maximumf %max3A_2004, %select_n3A_1945 : vector<16x128xf32>
      %reduce_max3A_2006 = arith.constant dense<0xFF800000> : vector<16xf32>
      %reduce_max3A_2007 = vector.multi_reduction <maximumf>, %max3A_2005, %reduce_max3A_2006 [1] : vector<16x128xf32> to vector<16xf32>
      %broadcast_in_dim3A_2008 = vector.shape_cast %reduce_max3A_2007 : vector<16xf32> to vector<16x1xf32>
      %broadcast_in_dim3A_2009 = arith.constant 16777216 : i32
      %broadcast_in_dim3A_2010 = vector.broadcast %broadcast_in_dim3A_2009 : i32 to vector<16x128xi32>
      %eq3A_2011 = vector.broadcast %broadcast_in_dim3A_2008 : vector<16x1xf32> to vector<16x128xf32>
      %eq3A_2012 = arith.cmpf oeq, %select_n3A_1910, %eq3A_2011 : vector<16x128xf32>
      %jit3A_2013 = arith.constant 16777216 : i32
      %broadcast_in_dim3A_2014 = vector.broadcast %jit3A_2013 : i32 to vector<16x128xi32>
      %select_n3A_2015 = arith.select %eq3A_2012, %add3A_42, %broadcast_in_dim3A_2014 : vector<16x128xi1>, vector<16x128xi32>
      %min3A_2016 = arith.minsi %broadcast_in_dim3A_2010, %select_n3A_2015 : vector<16x128xi32>
      %eq3A_2017 = vector.broadcast %broadcast_in_dim3A_2008 : vector<16x1xf32> to vector<16x128xf32>
      %eq3A_2018 = arith.cmpf oeq, %select_n3A_1915, %eq3A_2017 : vector<16x128xf32>
      %jit3A_2019 = arith.constant 16777216 : i32
      %broadcast_in_dim3A_2020 = vector.broadcast %jit3A_2019 : i32 to vector<16x128xi32>
      %select_n3A_2021 = arith.select %eq3A_2018, %add3A_72, %broadcast_in_dim3A_2020 : vector<16x128xi1>, vector<16x128xi32>
      %min3A_2022 = arith.minsi %min3A_2016, %select_n3A_2021 : vector<16x128xi32>
      %eq3A_2023 = vector.broadcast %broadcast_in_dim3A_2008 : vector<16x1xf32> to vector<16x128xf32>
      %eq3A_2024 = arith.cmpf oeq, %select_n3A_1920, %eq3A_2023 : vector<16x128xf32>
      %jit3A_2025 = arith.constant 16777216 : i32
      %broadcast_in_dim3A_2026 = vector.broadcast %jit3A_2025 : i32 to vector<16x128xi32>
      %select_n3A_2027 = arith.select %eq3A_2024, %add3A_102, %broadcast_in_dim3A_2026 : vector<16x128xi1>, vector<16x128xi32>
      %min3A_2028 = arith.minsi %min3A_2022, %select_n3A_2027 : vector<16x128xi32>
      %eq3A_2029 = vector.broadcast %broadcast_in_dim3A_2008 : vector<16x1xf32> to vector<16x128xf32>
      %eq3A_2030 = arith.cmpf oeq, %select_n3A_1925, %eq3A_2029 : vector<16x128xf32>
      %jit3A_2031 = arith.constant 16777216 : i32
      %broadcast_in_dim3A_2032 = vector.broadcast %jit3A_2031 : i32 to vector<16x128xi32>
      %select_n3A_2033 = arith.select %eq3A_2030, %add3A_132, %broadcast_in_dim3A_2032 : vector<16x128xi1>, vector<16x128xi32>
      %min3A_2034 = arith.minsi %min3A_2028, %select_n3A_2033 : vector<16x128xi32>
      %eq3A_2035 = vector.broadcast %broadcast_in_dim3A_2008 : vector<16x1xf32> to vector<16x128xf32>
      %eq3A_2036 = arith.cmpf oeq, %select_n3A_1930, %eq3A_2035 : vector<16x128xf32>
      %jit3A_2037 = arith.constant 16777216 : i32
      %broadcast_in_dim3A_2038 = vector.broadcast %jit3A_2037 : i32 to vector<16x128xi32>
      %select_n3A_2039 = arith.select %eq3A_2036, %add3A_162, %broadcast_in_dim3A_2038 : vector<16x128xi1>, vector<16x128xi32>
      %min3A_2040 = arith.minsi %min3A_2034, %select_n3A_2039 : vector<16x128xi32>
      %eq3A_2041 = vector.broadcast %broadcast_in_dim3A_2008 : vector<16x1xf32> to vector<16x128xf32>
      %eq3A_2042 = arith.cmpf oeq, %select_n3A_1935, %eq3A_2041 : vector<16x128xf32>
      %jit3A_2043 = arith.constant 16777216 : i32
      %broadcast_in_dim3A_2044 = vector.broadcast %jit3A_2043 : i32 to vector<16x128xi32>
      %select_n3A_2045 = arith.select %eq3A_2042, %add3A_192, %broadcast_in_dim3A_2044 : vector<16x128xi1>, vector<16x128xi32>
      %min3A_2046 = arith.minsi %min3A_2040, %select_n3A_2045 : vector<16x128xi32>
      %eq3A_2047 = vector.broadcast %broadcast_in_dim3A_2008 : vector<16x1xf32> to vector<16x128xf32>
      %eq3A_2048 = arith.cmpf oeq, %select_n3A_1940, %eq3A_2047 : vector<16x128xf32>
      %jit3A_2049 = arith.constant 16777216 : i32
      %broadcast_in_dim3A_2050 = vector.broadcast %jit3A_2049 : i32 to vector<16x128xi32>
      %select_n3A_2051 = arith.select %eq3A_2048, %add3A_222, %broadcast_in_dim3A_2050 : vector<16x128xi1>, vector<16x128xi32>
      %min3A_2052 = arith.minsi %min3A_2046, %select_n3A_2051 : vector<16x128xi32>
      %eq3A_2053 = vector.broadcast %broadcast_in_dim3A_2008 : vector<16x1xf32> to vector<16x128xf32>
      %eq3A_2054 = arith.cmpf oeq, %select_n3A_1945, %eq3A_2053 : vector<16x128xf32>
      %jit3A_2055 = arith.constant 16777216 : i32
      %broadcast_in_dim3A_2056 = vector.broadcast %jit3A_2055 : i32 to vector<16x128xi32>
      %select_n3A_2057 = arith.select %eq3A_2054, %add3A_252, %broadcast_in_dim3A_2056 : vector<16x128xi1>, vector<16x128xi32>
      %min3A_2058 = arith.minsi %min3A_2052, %select_n3A_2057 : vector<16x128xi32>
      %reduce_min3A_2059 = arith.constant dense<2147483647> : vector<16xi32>
      %reduce_min3A_2060 = vector.multi_reduction <minsi>, %min3A_2058, %reduce_min3A_2059 [1] : vector<16x128xi32> to vector<16xi32>
      %broadcast_in_dim3A_2061 = vector.shape_cast %reduce_min3A_2060 : vector<16xi32> to vector<16x1xi32>
      %eq3A_2062 = vector.broadcast %broadcast_in_dim3A_2061 : vector<16x1xi32> to vector<16x128xi32>
      %eq3A_2063 = arith.cmpi eq, %add3A_42, %eq3A_2062 : vector<16x128xi32>
      %jit3A_2064 = arith.constant 0xFF800000 : f32
      %broadcast_in_dim3A_2065 = vector.broadcast %jit3A_2064 : f32 to vector<16x128xf32>
      %select_n3A_2066 = arith.select %eq3A_2063, %broadcast_in_dim3A_2065, %select_n3A_1910 : vector<16x128xi1>, vector<16x128xf32>
      %eq3A_2067 = vector.broadcast %broadcast_in_dim3A_2061 : vector<16x1xi32> to vector<16x128xi32>
      %eq3A_2068 = arith.cmpi eq, %add3A_72, %eq3A_2067 : vector<16x128xi32>
      %jit3A_2069 = arith.constant 0xFF800000 : f32
      %broadcast_in_dim3A_2070 = vector.broadcast %jit3A_2069 : f32 to vector<16x128xf32>
      %select_n3A_2071 = arith.select %eq3A_2068, %broadcast_in_dim3A_2070, %select_n3A_1915 : vector<16x128xi1>, vector<16x128xf32>
      %eq3A_2072 = vector.broadcast %broadcast_in_dim3A_2061 : vector<16x1xi32> to vector<16x128xi32>
      %eq3A_2073 = arith.cmpi eq, %add3A_102, %eq3A_2072 : vector<16x128xi32>
      %jit3A_2074 = arith.constant 0xFF800000 : f32
      %broadcast_in_dim3A_2075 = vector.broadcast %jit3A_2074 : f32 to vector<16x128xf32>
      %select_n3A_2076 = arith.select %eq3A_2073, %broadcast_in_dim3A_2075, %select_n3A_1920 : vector<16x128xi1>, vector<16x128xf32>
      %eq3A_2077 = vector.broadcast %broadcast_in_dim3A_2061 : vector<16x1xi32> to vector<16x128xi32>
      %eq3A_2078 = arith.cmpi eq, %add3A_132, %eq3A_2077 : vector<16x128xi32>
      %jit3A_2079 = arith.constant 0xFF800000 : f32
      %broadcast_in_dim3A_2080 = vector.broadcast %jit3A_2079 : f32 to vector<16x128xf32>
      %select_n3A_2081 = arith.select %eq3A_2078, %broadcast_in_dim3A_2080, %select_n3A_1925 : vector<16x128xi1>, vector<16x128xf32>
      %eq3A_2082 = vector.broadcast %broadcast_in_dim3A_2061 : vector<16x1xi32> to vector<16x128xi32>
      %eq3A_2083 = arith.cmpi eq, %add3A_162, %eq3A_2082 : vector<16x128xi32>
      %jit3A_2084 = arith.constant 0xFF800000 : f32
      %broadcast_in_dim3A_2085 = vector.broadcast %jit3A_2084 : f32 to vector<16x128xf32>
      %select_n3A_2086 = arith.select %eq3A_2083, %broadcast_in_dim3A_2085, %select_n3A_1930 : vector<16x128xi1>, vector<16x128xf32>
      %eq3A_2087 = vector.broadcast %broadcast_in_dim3A_2061 : vector<16x1xi32> to vector<16x128xi32>
      %eq3A_2088 = arith.cmpi eq, %add3A_192, %eq3A_2087 : vector<16x128xi32>
      %jit3A_2089 = arith.constant 0xFF800000 : f32
      %broadcast_in_dim3A_2090 = vector.broadcast %jit3A_2089 : f32 to vector<16x128xf32>
      %select_n3A_2091 = arith.select %eq3A_2088, %broadcast_in_dim3A_2090, %select_n3A_1935 : vector<16x128xi1>, vector<16x128xf32>
      %eq3A_2092 = vector.broadcast %broadcast_in_dim3A_2061 : vector<16x1xi32> to vector<16x128xi32>
      %eq3A_2093 = arith.cmpi eq, %add3A_222, %eq3A_2092 : vector<16x128xi32>
      %jit3A_2094 = arith.constant 0xFF800000 : f32
      %broadcast_in_dim3A_2095 = vector.broadcast %jit3A_2094 : f32 to vector<16x128xf32>
      %select_n3A_2096 = arith.select %eq3A_2093, %broadcast_in_dim3A_2095, %select_n3A_1940 : vector<16x128xi1>, vector<16x128xf32>
      %eq3A_2097 = vector.broadcast %broadcast_in_dim3A_2061 : vector<16x1xi32> to vector<16x128xi32>
      %eq3A_2098 = arith.cmpi eq, %add3A_252, %eq3A_2097 : vector<16x128xi32>
      %jit3A_2099 = arith.constant 0xFF800000 : f32
      %broadcast_in_dim3A_2100 = vector.broadcast %jit3A_2099 : f32 to vector<16x128xf32>
      %select_n3A_2101 = arith.select %eq3A_2098, %broadcast_in_dim3A_2100, %select_n3A_1945 : vector<16x128xi1>, vector<16x128xf32>
      %jit3A_2102 = arith.constant 128 : i32
      %div3A_2103 = vector.broadcast %jit3A_2102 : i32 to vector<16x1xi32>
      %div3A_2104 = arith.divsi %broadcast_in_dim3A_2061, %div3A_2103 : vector<16x1xi32>
      %sign3A_2105 = arith.constant 0 : i32
      %sign3A_2106 = vector.broadcast %sign3A_2105 : i32 to vector<16x1xi32>
      %sign3A_2107 = arith.cmpi sgt, %broadcast_in_dim3A_2061, %sign3A_2106 : vector<16x1xi32>
      %sign3A_2108 = arith.extui %sign3A_2107 : vector<16x1xi1> to vector<16x1xi32>
      %sign3A_2109 = arith.constant 0 : i32
      %sign3A_2110 = vector.broadcast %sign3A_2109 : i32 to vector<16x1xi32>
      %sign3A_2111 = arith.cmpi slt, %broadcast_in_dim3A_2061, %sign3A_2110 : vector<16x1xi32>
      %sign3A_2112 = arith.extui %sign3A_2111 : vector<16x1xi1> to vector<16x1xi32>
      %sign3A_2113 = arith.subi %sign3A_2108, %sign3A_2112 : vector<16x1xi32>
      %sign3A_2114 = arith.constant 0 : i32
      %sign3A_2115 = arith.cmpi sgt, %jit3A_2102, %sign3A_2114 : i32
      %sign3A_2116 = arith.extui %sign3A_2115 : i1 to i32
      %sign3A_2117 = arith.constant 0 : i32
      %sign3A_2118 = arith.cmpi slt, %jit3A_2102, %sign3A_2117 : i32
      %sign3A_2119 = arith.extui %sign3A_2118 : i1 to i32
      %sign3A_2120 = arith.subi %sign3A_2116, %sign3A_2119 : i32
      %ne3A_2121 = vector.broadcast %sign3A_2120 : i32 to vector<16x1xi32>
      %ne3A_2122 = arith.cmpi ne, %sign3A_2113, %ne3A_2121 : vector<16x1xi32>
      %rem3A_2123 = vector.broadcast %jit3A_2102 : i32 to vector<16x1xi32>
      %rem3A_2124 = arith.remsi %broadcast_in_dim3A_2061, %rem3A_2123 : vector<16x1xi32>
      %ne3A_2125 = arith.constant 0 : i32
      %ne3A_2126 = vector.broadcast %ne3A_2125 : i32 to vector<16x1xi32>
      %ne3A_2127 = arith.cmpi ne, %rem3A_2124, %ne3A_2126 : vector<16x1xi32>
      %and3A_2128 = arith.andi %ne3A_2122, %ne3A_2127 : vector<16x1xi1>
      %sub3A_2129 = arith.constant 1 : i32
      %sub3A_2130 = vector.broadcast %sub3A_2129 : i32 to vector<16x1xi32>
      %sub3A_2131 = arith.subi %div3A_2104, %sub3A_2130 : vector<16x1xi32>
      %select_n3A_2132 = arith.select %and3A_2128, %sub3A_2131, %div3A_2104 : vector<16x1xi1>, vector<16x1xi32>
      %mul3A_2133 = arith.constant 128 : i32
      %mul3A_2134 = vector.broadcast %mul3A_2133 : i32 to vector<16x1xi32>
      %mul3A_2135 = arith.muli %select_n3A_2132, %mul3A_2134 : vector<16x1xi32>
      %sub3A_2136 = arith.subi %broadcast_in_dim3A_2061, %mul3A_2135 : vector<16x1xi32>
      %eq3A_2137 = vector.broadcast %sub3A_2136 : vector<16x1xi32> to vector<16x128xi32>
      %eq3A_2138 = arith.cmpi eq, %iota3A_15, %eq3A_2137 : vector<16x128xi32>
      %jit3A_2139 = arith.constant 1 : i32
      %jit3A_2140 = arith.constant 0 : i32
      %broadcast_in_dim3A_2141 = vector.broadcast %jit3A_2139 : i32 to vector<16x128xi32>
      %broadcast_in_dim3A_2142 = vector.broadcast %jit3A_2140 : i32 to vector<16x128xi32>
      %select_n3A_2143 = arith.select %eq3A_2138, %broadcast_in_dim3A_2141, %broadcast_in_dim3A_2142 : vector<16x128xi1>, vector<16x128xi32>
      %add3A_2144 = arith.addi %add3A_1988, %select_n3A_2143 : vector<16x128xi32>
      %eq3A_2145 = vector.broadcast %scan3A_1998 : i32 to vector<16x64xi32>
      %eq3A_2146 = arith.cmpi eq, %iota3A_19, %eq3A_2145 : vector<16x64xi32>
      %broadcast_in_dim3A_2147 = vector.shape_cast %broadcast_in_dim3A_2008 : vector<16x1xf32> to vector<16x1xf32>
      %broadcast_in_dim3A_2148 = vector.broadcast %broadcast_in_dim3A_2147 : vector<16x1xf32> to vector<16x64xf32>
      %select_n3A_2149 = arith.select %eq3A_2146, %broadcast_in_dim3A_2148, %select_n3A_1993 : vector<16x64xi1>, vector<16x64xf32>
      %broadcast_in_dim3A_2150 = vector.shape_cast %broadcast_in_dim3A_2061 : vector<16x1xi32> to vector<16x1xi32>
      %broadcast_in_dim3A_2151 = vector.broadcast %broadcast_in_dim3A_2150 : vector<16x1xi32> to vector<16x64xi32>
      %select_n3A_2152 = arith.select %eq3A_2146, %broadcast_in_dim3A_2151, %select_n3A_1996 : vector<16x64xi1>, vector<16x64xi32>
      %scan3A_2153 = arith.constant 12 : i32
      %scan3A_2154 = arith.addi %scan3A_278, %scan3A_2153 : i32
      %max3A_2155 = arith.maximumf %select_n3A_2066, %select_n3A_2071 : vector<16x128xf32>
      %max3A_2156 = arith.maximumf %max3A_2155, %select_n3A_2076 : vector<16x128xf32>
      %max3A_2157 = arith.maximumf %max3A_2156, %select_n3A_2081 : vector<16x128xf32>
      %max3A_2158 = arith.maximumf %max3A_2157, %select_n3A_2086 : vector<16x128xf32>
      %max3A_2159 = arith.maximumf %max3A_2158, %select_n3A_2091 : vector<16x128xf32>
      %max3A_2160 = arith.maximumf %max3A_2159, %select_n3A_2096 : vector<16x128xf32>
      %max3A_2161 = arith.maximumf %max3A_2160, %select_n3A_2101 : vector<16x128xf32>
      %reduce_max3A_2162 = arith.constant dense<0xFF800000> : vector<16xf32>
      %reduce_max3A_2163 = vector.multi_reduction <maximumf>, %max3A_2161, %reduce_max3A_2162 [1] : vector<16x128xf32> to vector<16xf32>
      %broadcast_in_dim3A_2164 = vector.shape_cast %reduce_max3A_2163 : vector<16xf32> to vector<16x1xf32>
      %broadcast_in_dim3A_2165 = arith.constant 16777216 : i32
      %broadcast_in_dim3A_2166 = vector.broadcast %broadcast_in_dim3A_2165 : i32 to vector<16x128xi32>
      %eq3A_2167 = vector.broadcast %broadcast_in_dim3A_2164 : vector<16x1xf32> to vector<16x128xf32>
      %eq3A_2168 = arith.cmpf oeq, %select_n3A_2066, %eq3A_2167 : vector<16x128xf32>
      %jit3A_2169 = arith.constant 16777216 : i32
      %broadcast_in_dim3A_2170 = vector.broadcast %jit3A_2169 : i32 to vector<16x128xi32>
      %select_n3A_2171 = arith.select %eq3A_2168, %add3A_42, %broadcast_in_dim3A_2170 : vector<16x128xi1>, vector<16x128xi32>
      %min3A_2172 = arith.minsi %broadcast_in_dim3A_2166, %select_n3A_2171 : vector<16x128xi32>
      %eq3A_2173 = vector.broadcast %broadcast_in_dim3A_2164 : vector<16x1xf32> to vector<16x128xf32>
      %eq3A_2174 = arith.cmpf oeq, %select_n3A_2071, %eq3A_2173 : vector<16x128xf32>
      %jit3A_2175 = arith.constant 16777216 : i32
      %broadcast_in_dim3A_2176 = vector.broadcast %jit3A_2175 : i32 to vector<16x128xi32>
      %select_n3A_2177 = arith.select %eq3A_2174, %add3A_72, %broadcast_in_dim3A_2176 : vector<16x128xi1>, vector<16x128xi32>
      %min3A_2178 = arith.minsi %min3A_2172, %select_n3A_2177 : vector<16x128xi32>
      %eq3A_2179 = vector.broadcast %broadcast_in_dim3A_2164 : vector<16x1xf32> to vector<16x128xf32>
      %eq3A_2180 = arith.cmpf oeq, %select_n3A_2076, %eq3A_2179 : vector<16x128xf32>
      %jit3A_2181 = arith.constant 16777216 : i32
      %broadcast_in_dim3A_2182 = vector.broadcast %jit3A_2181 : i32 to vector<16x128xi32>
      %select_n3A_2183 = arith.select %eq3A_2180, %add3A_102, %broadcast_in_dim3A_2182 : vector<16x128xi1>, vector<16x128xi32>
      %min3A_2184 = arith.minsi %min3A_2178, %select_n3A_2183 : vector<16x128xi32>
      %eq3A_2185 = vector.broadcast %broadcast_in_dim3A_2164 : vector<16x1xf32> to vector<16x128xf32>
      %eq3A_2186 = arith.cmpf oeq, %select_n3A_2081, %eq3A_2185 : vector<16x128xf32>
      %jit3A_2187 = arith.constant 16777216 : i32
      %broadcast_in_dim3A_2188 = vector.broadcast %jit3A_2187 : i32 to vector<16x128xi32>
      %select_n3A_2189 = arith.select %eq3A_2186, %add3A_132, %broadcast_in_dim3A_2188 : vector<16x128xi1>, vector<16x128xi32>
      %min3A_2190 = arith.minsi %min3A_2184, %select_n3A_2189 : vector<16x128xi32>
      %eq3A_2191 = vector.broadcast %broadcast_in_dim3A_2164 : vector<16x1xf32> to vector<16x128xf32>
      %eq3A_2192 = arith.cmpf oeq, %select_n3A_2086, %eq3A_2191 : vector<16x128xf32>
      %jit3A_2193 = arith.constant 16777216 : i32
      %broadcast_in_dim3A_2194 = vector.broadcast %jit3A_2193 : i32 to vector<16x128xi32>
      %select_n3A_2195 = arith.select %eq3A_2192, %add3A_162, %broadcast_in_dim3A_2194 : vector<16x128xi1>, vector<16x128xi32>
      %min3A_2196 = arith.minsi %min3A_2190, %select_n3A_2195 : vector<16x128xi32>
      %eq3A_2197 = vector.broadcast %broadcast_in_dim3A_2164 : vector<16x1xf32> to vector<16x128xf32>
      %eq3A_2198 = arith.cmpf oeq, %select_n3A_2091, %eq3A_2197 : vector<16x128xf32>
      %jit3A_2199 = arith.constant 16777216 : i32
      %broadcast_in_dim3A_2200 = vector.broadcast %jit3A_2199 : i32 to vector<16x128xi32>
      %select_n3A_2201 = arith.select %eq3A_2198, %add3A_192, %broadcast_in_dim3A_2200 : vector<16x128xi1>, vector<16x128xi32>
      %min3A_2202 = arith.minsi %min3A_2196, %select_n3A_2201 : vector<16x128xi32>
      %eq3A_2203 = vector.broadcast %broadcast_in_dim3A_2164 : vector<16x1xf32> to vector<16x128xf32>
      %eq3A_2204 = arith.cmpf oeq, %select_n3A_2096, %eq3A_2203 : vector<16x128xf32>
      %jit3A_2205 = arith.constant 16777216 : i32
      %broadcast_in_dim3A_2206 = vector.broadcast %jit3A_2205 : i32 to vector<16x128xi32>
      %select_n3A_2207 = arith.select %eq3A_2204, %add3A_222, %broadcast_in_dim3A_2206 : vector<16x128xi1>, vector<16x128xi32>
      %min3A_2208 = arith.minsi %min3A_2202, %select_n3A_2207 : vector<16x128xi32>
      %eq3A_2209 = vector.broadcast %broadcast_in_dim3A_2164 : vector<16x1xf32> to vector<16x128xf32>
      %eq3A_2210 = arith.cmpf oeq, %select_n3A_2101, %eq3A_2209 : vector<16x128xf32>
      %jit3A_2211 = arith.constant 16777216 : i32
      %broadcast_in_dim3A_2212 = vector.broadcast %jit3A_2211 : i32 to vector<16x128xi32>
      %select_n3A_2213 = arith.select %eq3A_2210, %add3A_252, %broadcast_in_dim3A_2212 : vector<16x128xi1>, vector<16x128xi32>
      %min3A_2214 = arith.minsi %min3A_2208, %select_n3A_2213 : vector<16x128xi32>
      %reduce_min3A_2215 = arith.constant dense<2147483647> : vector<16xi32>
      %reduce_min3A_2216 = vector.multi_reduction <minsi>, %min3A_2214, %reduce_min3A_2215 [1] : vector<16x128xi32> to vector<16xi32>
      %broadcast_in_dim3A_2217 = vector.shape_cast %reduce_min3A_2216 : vector<16xi32> to vector<16x1xi32>
      %eq3A_2218 = vector.broadcast %broadcast_in_dim3A_2217 : vector<16x1xi32> to vector<16x128xi32>
      %eq3A_2219 = arith.cmpi eq, %add3A_42, %eq3A_2218 : vector<16x128xi32>
      %jit3A_2220 = arith.constant 0xFF800000 : f32
      %broadcast_in_dim3A_2221 = vector.broadcast %jit3A_2220 : f32 to vector<16x128xf32>
      %select_n3A_2222 = arith.select %eq3A_2219, %broadcast_in_dim3A_2221, %select_n3A_2066 : vector<16x128xi1>, vector<16x128xf32>
      %eq3A_2223 = vector.broadcast %broadcast_in_dim3A_2217 : vector<16x1xi32> to vector<16x128xi32>
      %eq3A_2224 = arith.cmpi eq, %add3A_72, %eq3A_2223 : vector<16x128xi32>
      %jit3A_2225 = arith.constant 0xFF800000 : f32
      %broadcast_in_dim3A_2226 = vector.broadcast %jit3A_2225 : f32 to vector<16x128xf32>
      %select_n3A_2227 = arith.select %eq3A_2224, %broadcast_in_dim3A_2226, %select_n3A_2071 : vector<16x128xi1>, vector<16x128xf32>
      %eq3A_2228 = vector.broadcast %broadcast_in_dim3A_2217 : vector<16x1xi32> to vector<16x128xi32>
      %eq3A_2229 = arith.cmpi eq, %add3A_102, %eq3A_2228 : vector<16x128xi32>
      %jit3A_2230 = arith.constant 0xFF800000 : f32
      %broadcast_in_dim3A_2231 = vector.broadcast %jit3A_2230 : f32 to vector<16x128xf32>
      %select_n3A_2232 = arith.select %eq3A_2229, %broadcast_in_dim3A_2231, %select_n3A_2076 : vector<16x128xi1>, vector<16x128xf32>
      %eq3A_2233 = vector.broadcast %broadcast_in_dim3A_2217 : vector<16x1xi32> to vector<16x128xi32>
      %eq3A_2234 = arith.cmpi eq, %add3A_132, %eq3A_2233 : vector<16x128xi32>
      %jit3A_2235 = arith.constant 0xFF800000 : f32
      %broadcast_in_dim3A_2236 = vector.broadcast %jit3A_2235 : f32 to vector<16x128xf32>
      %select_n3A_2237 = arith.select %eq3A_2234, %broadcast_in_dim3A_2236, %select_n3A_2081 : vector<16x128xi1>, vector<16x128xf32>
      %eq3A_2238 = vector.broadcast %broadcast_in_dim3A_2217 : vector<16x1xi32> to vector<16x128xi32>
      %eq3A_2239 = arith.cmpi eq, %add3A_162, %eq3A_2238 : vector<16x128xi32>
      %jit3A_2240 = arith.constant 0xFF800000 : f32
      %broadcast_in_dim3A_2241 = vector.broadcast %jit3A_2240 : f32 to vector<16x128xf32>
      %select_n3A_2242 = arith.select %eq3A_2239, %broadcast_in_dim3A_2241, %select_n3A_2086 : vector<16x128xi1>, vector<16x128xf32>
      %eq3A_2243 = vector.broadcast %broadcast_in_dim3A_2217 : vector<16x1xi32> to vector<16x128xi32>
      %eq3A_2244 = arith.cmpi eq, %add3A_192, %eq3A_2243 : vector<16x128xi32>
      %jit3A_2245 = arith.constant 0xFF800000 : f32
      %broadcast_in_dim3A_2246 = vector.broadcast %jit3A_2245 : f32 to vector<16x128xf32>
      %select_n3A_2247 = arith.select %eq3A_2244, %broadcast_in_dim3A_2246, %select_n3A_2091 : vector<16x128xi1>, vector<16x128xf32>
      %eq3A_2248 = vector.broadcast %broadcast_in_dim3A_2217 : vector<16x1xi32> to vector<16x128xi32>
      %eq3A_2249 = arith.cmpi eq, %add3A_222, %eq3A_2248 : vector<16x128xi32>
      %jit3A_2250 = arith.constant 0xFF800000 : f32
      %broadcast_in_dim3A_2251 = vector.broadcast %jit3A_2250 : f32 to vector<16x128xf32>
      %select_n3A_2252 = arith.select %eq3A_2249, %broadcast_in_dim3A_2251, %select_n3A_2096 : vector<16x128xi1>, vector<16x128xf32>
      %eq3A_2253 = vector.broadcast %broadcast_in_dim3A_2217 : vector<16x1xi32> to vector<16x128xi32>
      %eq3A_2254 = arith.cmpi eq, %add3A_252, %eq3A_2253 : vector<16x128xi32>
      %jit3A_2255 = arith.constant 0xFF800000 : f32
      %broadcast_in_dim3A_2256 = vector.broadcast %jit3A_2255 : f32 to vector<16x128xf32>
      %select_n3A_2257 = arith.select %eq3A_2254, %broadcast_in_dim3A_2256, %select_n3A_2101 : vector<16x128xi1>, vector<16x128xf32>
      %jit3A_2258 = arith.constant 128 : i32
      %div3A_2259 = vector.broadcast %jit3A_2258 : i32 to vector<16x1xi32>
      %div3A_2260 = arith.divsi %broadcast_in_dim3A_2217, %div3A_2259 : vector<16x1xi32>
      %sign3A_2261 = arith.constant 0 : i32
      %sign3A_2262 = vector.broadcast %sign3A_2261 : i32 to vector<16x1xi32>
      %sign3A_2263 = arith.cmpi sgt, %broadcast_in_dim3A_2217, %sign3A_2262 : vector<16x1xi32>
      %sign3A_2264 = arith.extui %sign3A_2263 : vector<16x1xi1> to vector<16x1xi32>
      %sign3A_2265 = arith.constant 0 : i32
      %sign3A_2266 = vector.broadcast %sign3A_2265 : i32 to vector<16x1xi32>
      %sign3A_2267 = arith.cmpi slt, %broadcast_in_dim3A_2217, %sign3A_2266 : vector<16x1xi32>
      %sign3A_2268 = arith.extui %sign3A_2267 : vector<16x1xi1> to vector<16x1xi32>
      %sign3A_2269 = arith.subi %sign3A_2264, %sign3A_2268 : vector<16x1xi32>
      %sign3A_2270 = arith.constant 0 : i32
      %sign3A_2271 = arith.cmpi sgt, %jit3A_2258, %sign3A_2270 : i32
      %sign3A_2272 = arith.extui %sign3A_2271 : i1 to i32
      %sign3A_2273 = arith.constant 0 : i32
      %sign3A_2274 = arith.cmpi slt, %jit3A_2258, %sign3A_2273 : i32
      %sign3A_2275 = arith.extui %sign3A_2274 : i1 to i32
      %sign3A_2276 = arith.subi %sign3A_2272, %sign3A_2275 : i32
      %ne3A_2277 = vector.broadcast %sign3A_2276 : i32 to vector<16x1xi32>
      %ne3A_2278 = arith.cmpi ne, %sign3A_2269, %ne3A_2277 : vector<16x1xi32>
      %rem3A_2279 = vector.broadcast %jit3A_2258 : i32 to vector<16x1xi32>
      %rem3A_2280 = arith.remsi %broadcast_in_dim3A_2217, %rem3A_2279 : vector<16x1xi32>
      %ne3A_2281 = arith.constant 0 : i32
      %ne3A_2282 = vector.broadcast %ne3A_2281 : i32 to vector<16x1xi32>
      %ne3A_2283 = arith.cmpi ne, %rem3A_2280, %ne3A_2282 : vector<16x1xi32>
      %and3A_2284 = arith.andi %ne3A_2278, %ne3A_2283 : vector<16x1xi1>
      %sub3A_2285 = arith.constant 1 : i32
      %sub3A_2286 = vector.broadcast %sub3A_2285 : i32 to vector<16x1xi32>
      %sub3A_2287 = arith.subi %div3A_2260, %sub3A_2286 : vector<16x1xi32>
      %select_n3A_2288 = arith.select %and3A_2284, %sub3A_2287, %div3A_2260 : vector<16x1xi1>, vector<16x1xi32>
      %mul3A_2289 = arith.constant 128 : i32
      %mul3A_2290 = vector.broadcast %mul3A_2289 : i32 to vector<16x1xi32>
      %mul3A_2291 = arith.muli %select_n3A_2288, %mul3A_2290 : vector<16x1xi32>
      %sub3A_2292 = arith.subi %broadcast_in_dim3A_2217, %mul3A_2291 : vector<16x1xi32>
      %eq3A_2293 = vector.broadcast %sub3A_2292 : vector<16x1xi32> to vector<16x128xi32>
      %eq3A_2294 = arith.cmpi eq, %iota3A_15, %eq3A_2293 : vector<16x128xi32>
      %jit3A_2295 = arith.constant 1 : i32
      %jit3A_2296 = arith.constant 0 : i32
      %broadcast_in_dim3A_2297 = vector.broadcast %jit3A_2295 : i32 to vector<16x128xi32>
      %broadcast_in_dim3A_2298 = vector.broadcast %jit3A_2296 : i32 to vector<16x128xi32>
      %select_n3A_2299 = arith.select %eq3A_2294, %broadcast_in_dim3A_2297, %broadcast_in_dim3A_2298 : vector<16x128xi1>, vector<16x128xi32>
      %add3A_2300 = arith.addi %add3A_2144, %select_n3A_2299 : vector<16x128xi32>
      %eq3A_2301 = vector.broadcast %scan3A_2154 : i32 to vector<16x64xi32>
      %eq3A_2302 = arith.cmpi eq, %iota3A_19, %eq3A_2301 : vector<16x64xi32>
      %broadcast_in_dim3A_2303 = vector.shape_cast %broadcast_in_dim3A_2164 : vector<16x1xf32> to vector<16x1xf32>
      %broadcast_in_dim3A_2304 = vector.broadcast %broadcast_in_dim3A_2303 : vector<16x1xf32> to vector<16x64xf32>
      %select_n3A_2305 = arith.select %eq3A_2302, %broadcast_in_dim3A_2304, %select_n3A_2149 : vector<16x64xi1>, vector<16x64xf32>
      %broadcast_in_dim3A_2306 = vector.shape_cast %broadcast_in_dim3A_2217 : vector<16x1xi32> to vector<16x1xi32>
      %broadcast_in_dim3A_2307 = vector.broadcast %broadcast_in_dim3A_2306 : vector<16x1xi32> to vector<16x64xi32>
      %select_n3A_2308 = arith.select %eq3A_2302, %broadcast_in_dim3A_2307, %select_n3A_2152 : vector<16x64xi1>, vector<16x64xi32>
      %scan3A_2309 = arith.constant 13 : i32
      %scan3A_2310 = arith.addi %scan3A_278, %scan3A_2309 : i32
      %max3A_2311 = arith.maximumf %select_n3A_2222, %select_n3A_2227 : vector<16x128xf32>
      %max3A_2312 = arith.maximumf %max3A_2311, %select_n3A_2232 : vector<16x128xf32>
      %max3A_2313 = arith.maximumf %max3A_2312, %select_n3A_2237 : vector<16x128xf32>
      %max3A_2314 = arith.maximumf %max3A_2313, %select_n3A_2242 : vector<16x128xf32>
      %max3A_2315 = arith.maximumf %max3A_2314, %select_n3A_2247 : vector<16x128xf32>
      %max3A_2316 = arith.maximumf %max3A_2315, %select_n3A_2252 : vector<16x128xf32>
      %max3A_2317 = arith.maximumf %max3A_2316, %select_n3A_2257 : vector<16x128xf32>
      %reduce_max3A_2318 = arith.constant dense<0xFF800000> : vector<16xf32>
      %reduce_max3A_2319 = vector.multi_reduction <maximumf>, %max3A_2317, %reduce_max3A_2318 [1] : vector<16x128xf32> to vector<16xf32>
      %broadcast_in_dim3A_2320 = vector.shape_cast %reduce_max3A_2319 : vector<16xf32> to vector<16x1xf32>
      %broadcast_in_dim3A_2321 = arith.constant 16777216 : i32
      %broadcast_in_dim3A_2322 = vector.broadcast %broadcast_in_dim3A_2321 : i32 to vector<16x128xi32>
      %eq3A_2323 = vector.broadcast %broadcast_in_dim3A_2320 : vector<16x1xf32> to vector<16x128xf32>
      %eq3A_2324 = arith.cmpf oeq, %select_n3A_2222, %eq3A_2323 : vector<16x128xf32>
      %jit3A_2325 = arith.constant 16777216 : i32
      %broadcast_in_dim3A_2326 = vector.broadcast %jit3A_2325 : i32 to vector<16x128xi32>
      %select_n3A_2327 = arith.select %eq3A_2324, %add3A_42, %broadcast_in_dim3A_2326 : vector<16x128xi1>, vector<16x128xi32>
      %min3A_2328 = arith.minsi %broadcast_in_dim3A_2322, %select_n3A_2327 : vector<16x128xi32>
      %eq3A_2329 = vector.broadcast %broadcast_in_dim3A_2320 : vector<16x1xf32> to vector<16x128xf32>
      %eq3A_2330 = arith.cmpf oeq, %select_n3A_2227, %eq3A_2329 : vector<16x128xf32>
      %jit3A_2331 = arith.constant 16777216 : i32
      %broadcast_in_dim3A_2332 = vector.broadcast %jit3A_2331 : i32 to vector<16x128xi32>
      %select_n3A_2333 = arith.select %eq3A_2330, %add3A_72, %broadcast_in_dim3A_2332 : vector<16x128xi1>, vector<16x128xi32>
      %min3A_2334 = arith.minsi %min3A_2328, %select_n3A_2333 : vector<16x128xi32>
      %eq3A_2335 = vector.broadcast %broadcast_in_dim3A_2320 : vector<16x1xf32> to vector<16x128xf32>
      %eq3A_2336 = arith.cmpf oeq, %select_n3A_2232, %eq3A_2335 : vector<16x128xf32>
      %jit3A_2337 = arith.constant 16777216 : i32
      %broadcast_in_dim3A_2338 = vector.broadcast %jit3A_2337 : i32 to vector<16x128xi32>
      %select_n3A_2339 = arith.select %eq3A_2336, %add3A_102, %broadcast_in_dim3A_2338 : vector<16x128xi1>, vector<16x128xi32>
      %min3A_2340 = arith.minsi %min3A_2334, %select_n3A_2339 : vector<16x128xi32>
      %eq3A_2341 = vector.broadcast %broadcast_in_dim3A_2320 : vector<16x1xf32> to vector<16x128xf32>
      %eq3A_2342 = arith.cmpf oeq, %select_n3A_2237, %eq3A_2341 : vector<16x128xf32>
      %jit3A_2343 = arith.constant 16777216 : i32
      %broadcast_in_dim3A_2344 = vector.broadcast %jit3A_2343 : i32 to vector<16x128xi32>
      %select_n3A_2345 = arith.select %eq3A_2342, %add3A_132, %broadcast_in_dim3A_2344 : vector<16x128xi1>, vector<16x128xi32>
      %min3A_2346 = arith.minsi %min3A_2340, %select_n3A_2345 : vector<16x128xi32>
      %eq3A_2347 = vector.broadcast %broadcast_in_dim3A_2320 : vector<16x1xf32> to vector<16x128xf32>
      %eq3A_2348 = arith.cmpf oeq, %select_n3A_2242, %eq3A_2347 : vector<16x128xf32>
      %jit3A_2349 = arith.constant 16777216 : i32
      %broadcast_in_dim3A_2350 = vector.broadcast %jit3A_2349 : i32 to vector<16x128xi32>
      %select_n3A_2351 = arith.select %eq3A_2348, %add3A_162, %broadcast_in_dim3A_2350 : vector<16x128xi1>, vector<16x128xi32>
      %min3A_2352 = arith.minsi %min3A_2346, %select_n3A_2351 : vector<16x128xi32>
      %eq3A_2353 = vector.broadcast %broadcast_in_dim3A_2320 : vector<16x1xf32> to vector<16x128xf32>
      %eq3A_2354 = arith.cmpf oeq, %select_n3A_2247, %eq3A_2353 : vector<16x128xf32>
      %jit3A_2355 = arith.constant 16777216 : i32
      %broadcast_in_dim3A_2356 = vector.broadcast %jit3A_2355 : i32 to vector<16x128xi32>
      %select_n3A_2357 = arith.select %eq3A_2354, %add3A_192, %broadcast_in_dim3A_2356 : vector<16x128xi1>, vector<16x128xi32>
      %min3A_2358 = arith.minsi %min3A_2352, %select_n3A_2357 : vector<16x128xi32>
      %eq3A_2359 = vector.broadcast %broadcast_in_dim3A_2320 : vector<16x1xf32> to vector<16x128xf32>
      %eq3A_2360 = arith.cmpf oeq, %select_n3A_2252, %eq3A_2359 : vector<16x128xf32>
      %jit3A_2361 = arith.constant 16777216 : i32
      %broadcast_in_dim3A_2362 = vector.broadcast %jit3A_2361 : i32 to vector<16x128xi32>
      %select_n3A_2363 = arith.select %eq3A_2360, %add3A_222, %broadcast_in_dim3A_2362 : vector<16x128xi1>, vector<16x128xi32>
      %min3A_2364 = arith.minsi %min3A_2358, %select_n3A_2363 : vector<16x128xi32>
      %eq3A_2365 = vector.broadcast %broadcast_in_dim3A_2320 : vector<16x1xf32> to vector<16x128xf32>
      %eq3A_2366 = arith.cmpf oeq, %select_n3A_2257, %eq3A_2365 : vector<16x128xf32>
      %jit3A_2367 = arith.constant 16777216 : i32
      %broadcast_in_dim3A_2368 = vector.broadcast %jit3A_2367 : i32 to vector<16x128xi32>
      %select_n3A_2369 = arith.select %eq3A_2366, %add3A_252, %broadcast_in_dim3A_2368 : vector<16x128xi1>, vector<16x128xi32>
      %min3A_2370 = arith.minsi %min3A_2364, %select_n3A_2369 : vector<16x128xi32>
      %reduce_min3A_2371 = arith.constant dense<2147483647> : vector<16xi32>
      %reduce_min3A_2372 = vector.multi_reduction <minsi>, %min3A_2370, %reduce_min3A_2371 [1] : vector<16x128xi32> to vector<16xi32>
      %broadcast_in_dim3A_2373 = vector.shape_cast %reduce_min3A_2372 : vector<16xi32> to vector<16x1xi32>
      %eq3A_2374 = vector.broadcast %broadcast_in_dim3A_2373 : vector<16x1xi32> to vector<16x128xi32>
      %eq3A_2375 = arith.cmpi eq, %add3A_42, %eq3A_2374 : vector<16x128xi32>
      %jit3A_2376 = arith.constant 0xFF800000 : f32
      %broadcast_in_dim3A_2377 = vector.broadcast %jit3A_2376 : f32 to vector<16x128xf32>
      %select_n3A_2378 = arith.select %eq3A_2375, %broadcast_in_dim3A_2377, %select_n3A_2222 : vector<16x128xi1>, vector<16x128xf32>
      %eq3A_2379 = vector.broadcast %broadcast_in_dim3A_2373 : vector<16x1xi32> to vector<16x128xi32>
      %eq3A_2380 = arith.cmpi eq, %add3A_72, %eq3A_2379 : vector<16x128xi32>
      %jit3A_2381 = arith.constant 0xFF800000 : f32
      %broadcast_in_dim3A_2382 = vector.broadcast %jit3A_2381 : f32 to vector<16x128xf32>
      %select_n3A_2383 = arith.select %eq3A_2380, %broadcast_in_dim3A_2382, %select_n3A_2227 : vector<16x128xi1>, vector<16x128xf32>
      %eq3A_2384 = vector.broadcast %broadcast_in_dim3A_2373 : vector<16x1xi32> to vector<16x128xi32>
      %eq3A_2385 = arith.cmpi eq, %add3A_102, %eq3A_2384 : vector<16x128xi32>
      %jit3A_2386 = arith.constant 0xFF800000 : f32
      %broadcast_in_dim3A_2387 = vector.broadcast %jit3A_2386 : f32 to vector<16x128xf32>
      %select_n3A_2388 = arith.select %eq3A_2385, %broadcast_in_dim3A_2387, %select_n3A_2232 : vector<16x128xi1>, vector<16x128xf32>
      %eq3A_2389 = vector.broadcast %broadcast_in_dim3A_2373 : vector<16x1xi32> to vector<16x128xi32>
      %eq3A_2390 = arith.cmpi eq, %add3A_132, %eq3A_2389 : vector<16x128xi32>
      %jit3A_2391 = arith.constant 0xFF800000 : f32
      %broadcast_in_dim3A_2392 = vector.broadcast %jit3A_2391 : f32 to vector<16x128xf32>
      %select_n3A_2393 = arith.select %eq3A_2390, %broadcast_in_dim3A_2392, %select_n3A_2237 : vector<16x128xi1>, vector<16x128xf32>
      %eq3A_2394 = vector.broadcast %broadcast_in_dim3A_2373 : vector<16x1xi32> to vector<16x128xi32>
      %eq3A_2395 = arith.cmpi eq, %add3A_162, %eq3A_2394 : vector<16x128xi32>
      %jit3A_2396 = arith.constant 0xFF800000 : f32
      %broadcast_in_dim3A_2397 = vector.broadcast %jit3A_2396 : f32 to vector<16x128xf32>
      %select_n3A_2398 = arith.select %eq3A_2395, %broadcast_in_dim3A_2397, %select_n3A_2242 : vector<16x128xi1>, vector<16x128xf32>
      %eq3A_2399 = vector.broadcast %broadcast_in_dim3A_2373 : vector<16x1xi32> to vector<16x128xi32>
      %eq3A_2400 = arith.cmpi eq, %add3A_192, %eq3A_2399 : vector<16x128xi32>
      %jit3A_2401 = arith.constant 0xFF800000 : f32
      %broadcast_in_dim3A_2402 = vector.broadcast %jit3A_2401 : f32 to vector<16x128xf32>
      %select_n3A_2403 = arith.select %eq3A_2400, %broadcast_in_dim3A_2402, %select_n3A_2247 : vector<16x128xi1>, vector<16x128xf32>
      %eq3A_2404 = vector.broadcast %broadcast_in_dim3A_2373 : vector<16x1xi32> to vector<16x128xi32>
      %eq3A_2405 = arith.cmpi eq, %add3A_222, %eq3A_2404 : vector<16x128xi32>
      %jit3A_2406 = arith.constant 0xFF800000 : f32
      %broadcast_in_dim3A_2407 = vector.broadcast %jit3A_2406 : f32 to vector<16x128xf32>
      %select_n3A_2408 = arith.select %eq3A_2405, %broadcast_in_dim3A_2407, %select_n3A_2252 : vector<16x128xi1>, vector<16x128xf32>
      %eq3A_2409 = vector.broadcast %broadcast_in_dim3A_2373 : vector<16x1xi32> to vector<16x128xi32>
      %eq3A_2410 = arith.cmpi eq, %add3A_252, %eq3A_2409 : vector<16x128xi32>
      %jit3A_2411 = arith.constant 0xFF800000 : f32
      %broadcast_in_dim3A_2412 = vector.broadcast %jit3A_2411 : f32 to vector<16x128xf32>
      %select_n3A_2413 = arith.select %eq3A_2410, %broadcast_in_dim3A_2412, %select_n3A_2257 : vector<16x128xi1>, vector<16x128xf32>
      %jit3A_2414 = arith.constant 128 : i32
      %div3A_2415 = vector.broadcast %jit3A_2414 : i32 to vector<16x1xi32>
      %div3A_2416 = arith.divsi %broadcast_in_dim3A_2373, %div3A_2415 : vector<16x1xi32>
      %sign3A_2417 = arith.constant 0 : i32
      %sign3A_2418 = vector.broadcast %sign3A_2417 : i32 to vector<16x1xi32>
      %sign3A_2419 = arith.cmpi sgt, %broadcast_in_dim3A_2373, %sign3A_2418 : vector<16x1xi32>
      %sign3A_2420 = arith.extui %sign3A_2419 : vector<16x1xi1> to vector<16x1xi32>
      %sign3A_2421 = arith.constant 0 : i32
      %sign3A_2422 = vector.broadcast %sign3A_2421 : i32 to vector<16x1xi32>
      %sign3A_2423 = arith.cmpi slt, %broadcast_in_dim3A_2373, %sign3A_2422 : vector<16x1xi32>
      %sign3A_2424 = arith.extui %sign3A_2423 : vector<16x1xi1> to vector<16x1xi32>
      %sign3A_2425 = arith.subi %sign3A_2420, %sign3A_2424 : vector<16x1xi32>
      %sign3A_2426 = arith.constant 0 : i32
      %sign3A_2427 = arith.cmpi sgt, %jit3A_2414, %sign3A_2426 : i32
      %sign3A_2428 = arith.extui %sign3A_2427 : i1 to i32
      %sign3A_2429 = arith.constant 0 : i32
      %sign3A_2430 = arith.cmpi slt, %jit3A_2414, %sign3A_2429 : i32
      %sign3A_2431 = arith.extui %sign3A_2430 : i1 to i32
      %sign3A_2432 = arith.subi %sign3A_2428, %sign3A_2431 : i32
      %ne3A_2433 = vector.broadcast %sign3A_2432 : i32 to vector<16x1xi32>
      %ne3A_2434 = arith.cmpi ne, %sign3A_2425, %ne3A_2433 : vector<16x1xi32>
      %rem3A_2435 = vector.broadcast %jit3A_2414 : i32 to vector<16x1xi32>
      %rem3A_2436 = arith.remsi %broadcast_in_dim3A_2373, %rem3A_2435 : vector<16x1xi32>
      %ne3A_2437 = arith.constant 0 : i32
      %ne3A_2438 = vector.broadcast %ne3A_2437 : i32 to vector<16x1xi32>
      %ne3A_2439 = arith.cmpi ne, %rem3A_2436, %ne3A_2438 : vector<16x1xi32>
      %and3A_2440 = arith.andi %ne3A_2434, %ne3A_2439 : vector<16x1xi1>
      %sub3A_2441 = arith.constant 1 : i32
      %sub3A_2442 = vector.broadcast %sub3A_2441 : i32 to vector<16x1xi32>
      %sub3A_2443 = arith.subi %div3A_2416, %sub3A_2442 : vector<16x1xi32>
      %select_n3A_2444 = arith.select %and3A_2440, %sub3A_2443, %div3A_2416 : vector<16x1xi1>, vector<16x1xi32>
      %mul3A_2445 = arith.constant 128 : i32
      %mul3A_2446 = vector.broadcast %mul3A_2445 : i32 to vector<16x1xi32>
      %mul3A_2447 = arith.muli %select_n3A_2444, %mul3A_2446 : vector<16x1xi32>
      %sub3A_2448 = arith.subi %broadcast_in_dim3A_2373, %mul3A_2447 : vector<16x1xi32>
      %eq3A_2449 = vector.broadcast %sub3A_2448 : vector<16x1xi32> to vector<16x128xi32>
      %eq3A_2450 = arith.cmpi eq, %iota3A_15, %eq3A_2449 : vector<16x128xi32>
      %jit3A_2451 = arith.constant 1 : i32
      %jit3A_2452 = arith.constant 0 : i32
      %broadcast_in_dim3A_2453 = vector.broadcast %jit3A_2451 : i32 to vector<16x128xi32>
      %broadcast_in_dim3A_2454 = vector.broadcast %jit3A_2452 : i32 to vector<16x128xi32>
      %select_n3A_2455 = arith.select %eq3A_2450, %broadcast_in_dim3A_2453, %broadcast_in_dim3A_2454 : vector<16x128xi1>, vector<16x128xi32>
      %add3A_2456 = arith.addi %add3A_2300, %select_n3A_2455 : vector<16x128xi32>
      %eq3A_2457 = vector.broadcast %scan3A_2310 : i32 to vector<16x64xi32>
      %eq3A_2458 = arith.cmpi eq, %iota3A_19, %eq3A_2457 : vector<16x64xi32>
      %broadcast_in_dim3A_2459 = vector.shape_cast %broadcast_in_dim3A_2320 : vector<16x1xf32> to vector<16x1xf32>
      %broadcast_in_dim3A_2460 = vector.broadcast %broadcast_in_dim3A_2459 : vector<16x1xf32> to vector<16x64xf32>
      %select_n3A_2461 = arith.select %eq3A_2458, %broadcast_in_dim3A_2460, %select_n3A_2305 : vector<16x64xi1>, vector<16x64xf32>
      %broadcast_in_dim3A_2462 = vector.shape_cast %broadcast_in_dim3A_2373 : vector<16x1xi32> to vector<16x1xi32>
      %broadcast_in_dim3A_2463 = vector.broadcast %broadcast_in_dim3A_2462 : vector<16x1xi32> to vector<16x64xi32>
      %select_n3A_2464 = arith.select %eq3A_2458, %broadcast_in_dim3A_2463, %select_n3A_2308 : vector<16x64xi1>, vector<16x64xi32>
      %scan3A_2465 = arith.constant 14 : i32
      %scan3A_2466 = arith.addi %scan3A_278, %scan3A_2465 : i32
      %max3A_2467 = arith.maximumf %select_n3A_2378, %select_n3A_2383 : vector<16x128xf32>
      %max3A_2468 = arith.maximumf %max3A_2467, %select_n3A_2388 : vector<16x128xf32>
      %max3A_2469 = arith.maximumf %max3A_2468, %select_n3A_2393 : vector<16x128xf32>
      %max3A_2470 = arith.maximumf %max3A_2469, %select_n3A_2398 : vector<16x128xf32>
      %max3A_2471 = arith.maximumf %max3A_2470, %select_n3A_2403 : vector<16x128xf32>
      %max3A_2472 = arith.maximumf %max3A_2471, %select_n3A_2408 : vector<16x128xf32>
      %max3A_2473 = arith.maximumf %max3A_2472, %select_n3A_2413 : vector<16x128xf32>
      %reduce_max3A_2474 = arith.constant dense<0xFF800000> : vector<16xf32>
      %reduce_max3A_2475 = vector.multi_reduction <maximumf>, %max3A_2473, %reduce_max3A_2474 [1] : vector<16x128xf32> to vector<16xf32>
      %broadcast_in_dim3A_2476 = vector.shape_cast %reduce_max3A_2475 : vector<16xf32> to vector<16x1xf32>
      %broadcast_in_dim3A_2477 = arith.constant 16777216 : i32
      %broadcast_in_dim3A_2478 = vector.broadcast %broadcast_in_dim3A_2477 : i32 to vector<16x128xi32>
      %eq3A_2479 = vector.broadcast %broadcast_in_dim3A_2476 : vector<16x1xf32> to vector<16x128xf32>
      %eq3A_2480 = arith.cmpf oeq, %select_n3A_2378, %eq3A_2479 : vector<16x128xf32>
      %jit3A_2481 = arith.constant 16777216 : i32
      %broadcast_in_dim3A_2482 = vector.broadcast %jit3A_2481 : i32 to vector<16x128xi32>
      %select_n3A_2483 = arith.select %eq3A_2480, %add3A_42, %broadcast_in_dim3A_2482 : vector<16x128xi1>, vector<16x128xi32>
      %min3A_2484 = arith.minsi %broadcast_in_dim3A_2478, %select_n3A_2483 : vector<16x128xi32>
      %eq3A_2485 = vector.broadcast %broadcast_in_dim3A_2476 : vector<16x1xf32> to vector<16x128xf32>
      %eq3A_2486 = arith.cmpf oeq, %select_n3A_2383, %eq3A_2485 : vector<16x128xf32>
      %jit3A_2487 = arith.constant 16777216 : i32
      %broadcast_in_dim3A_2488 = vector.broadcast %jit3A_2487 : i32 to vector<16x128xi32>
      %select_n3A_2489 = arith.select %eq3A_2486, %add3A_72, %broadcast_in_dim3A_2488 : vector<16x128xi1>, vector<16x128xi32>
      %min3A_2490 = arith.minsi %min3A_2484, %select_n3A_2489 : vector<16x128xi32>
      %eq3A_2491 = vector.broadcast %broadcast_in_dim3A_2476 : vector<16x1xf32> to vector<16x128xf32>
      %eq3A_2492 = arith.cmpf oeq, %select_n3A_2388, %eq3A_2491 : vector<16x128xf32>
      %jit3A_2493 = arith.constant 16777216 : i32
      %broadcast_in_dim3A_2494 = vector.broadcast %jit3A_2493 : i32 to vector<16x128xi32>
      %select_n3A_2495 = arith.select %eq3A_2492, %add3A_102, %broadcast_in_dim3A_2494 : vector<16x128xi1>, vector<16x128xi32>
      %min3A_2496 = arith.minsi %min3A_2490, %select_n3A_2495 : vector<16x128xi32>
      %eq3A_2497 = vector.broadcast %broadcast_in_dim3A_2476 : vector<16x1xf32> to vector<16x128xf32>
      %eq3A_2498 = arith.cmpf oeq, %select_n3A_2393, %eq3A_2497 : vector<16x128xf32>
      %jit3A_2499 = arith.constant 16777216 : i32
      %broadcast_in_dim3A_2500 = vector.broadcast %jit3A_2499 : i32 to vector<16x128xi32>
      %select_n3A_2501 = arith.select %eq3A_2498, %add3A_132, %broadcast_in_dim3A_2500 : vector<16x128xi1>, vector<16x128xi32>
      %min3A_2502 = arith.minsi %min3A_2496, %select_n3A_2501 : vector<16x128xi32>
      %eq3A_2503 = vector.broadcast %broadcast_in_dim3A_2476 : vector<16x1xf32> to vector<16x128xf32>
      %eq3A_2504 = arith.cmpf oeq, %select_n3A_2398, %eq3A_2503 : vector<16x128xf32>
      %jit3A_2505 = arith.constant 16777216 : i32
      %broadcast_in_dim3A_2506 = vector.broadcast %jit3A_2505 : i32 to vector<16x128xi32>
      %select_n3A_2507 = arith.select %eq3A_2504, %add3A_162, %broadcast_in_dim3A_2506 : vector<16x128xi1>, vector<16x128xi32>
      %min3A_2508 = arith.minsi %min3A_2502, %select_n3A_2507 : vector<16x128xi32>
      %eq3A_2509 = vector.broadcast %broadcast_in_dim3A_2476 : vector<16x1xf32> to vector<16x128xf32>
      %eq3A_2510 = arith.cmpf oeq, %select_n3A_2403, %eq3A_2509 : vector<16x128xf32>
      %jit3A_2511 = arith.constant 16777216 : i32
      %broadcast_in_dim3A_2512 = vector.broadcast %jit3A_2511 : i32 to vector<16x128xi32>
      %select_n3A_2513 = arith.select %eq3A_2510, %add3A_192, %broadcast_in_dim3A_2512 : vector<16x128xi1>, vector<16x128xi32>
      %min3A_2514 = arith.minsi %min3A_2508, %select_n3A_2513 : vector<16x128xi32>
      %eq3A_2515 = vector.broadcast %broadcast_in_dim3A_2476 : vector<16x1xf32> to vector<16x128xf32>
      %eq3A_2516 = arith.cmpf oeq, %select_n3A_2408, %eq3A_2515 : vector<16x128xf32>
      %jit3A_2517 = arith.constant 16777216 : i32
      %broadcast_in_dim3A_2518 = vector.broadcast %jit3A_2517 : i32 to vector<16x128xi32>
      %select_n3A_2519 = arith.select %eq3A_2516, %add3A_222, %broadcast_in_dim3A_2518 : vector<16x128xi1>, vector<16x128xi32>
      %min3A_2520 = arith.minsi %min3A_2514, %select_n3A_2519 : vector<16x128xi32>
      %eq3A_2521 = vector.broadcast %broadcast_in_dim3A_2476 : vector<16x1xf32> to vector<16x128xf32>
      %eq3A_2522 = arith.cmpf oeq, %select_n3A_2413, %eq3A_2521 : vector<16x128xf32>
      %jit3A_2523 = arith.constant 16777216 : i32
      %broadcast_in_dim3A_2524 = vector.broadcast %jit3A_2523 : i32 to vector<16x128xi32>
      %select_n3A_2525 = arith.select %eq3A_2522, %add3A_252, %broadcast_in_dim3A_2524 : vector<16x128xi1>, vector<16x128xi32>
      %min3A_2526 = arith.minsi %min3A_2520, %select_n3A_2525 : vector<16x128xi32>
      %reduce_min3A_2527 = arith.constant dense<2147483647> : vector<16xi32>
      %reduce_min3A_2528 = vector.multi_reduction <minsi>, %min3A_2526, %reduce_min3A_2527 [1] : vector<16x128xi32> to vector<16xi32>
      %broadcast_in_dim3A_2529 = vector.shape_cast %reduce_min3A_2528 : vector<16xi32> to vector<16x1xi32>
      %eq3A_2530 = vector.broadcast %broadcast_in_dim3A_2529 : vector<16x1xi32> to vector<16x128xi32>
      %eq3A_2531 = arith.cmpi eq, %add3A_42, %eq3A_2530 : vector<16x128xi32>
      %jit3A_2532 = arith.constant 0xFF800000 : f32
      %broadcast_in_dim3A_2533 = vector.broadcast %jit3A_2532 : f32 to vector<16x128xf32>
      %select_n3A_2534 = arith.select %eq3A_2531, %broadcast_in_dim3A_2533, %select_n3A_2378 : vector<16x128xi1>, vector<16x128xf32>
      %eq3A_2535 = vector.broadcast %broadcast_in_dim3A_2529 : vector<16x1xi32> to vector<16x128xi32>
      %eq3A_2536 = arith.cmpi eq, %add3A_72, %eq3A_2535 : vector<16x128xi32>
      %jit3A_2537 = arith.constant 0xFF800000 : f32
      %broadcast_in_dim3A_2538 = vector.broadcast %jit3A_2537 : f32 to vector<16x128xf32>
      %select_n3A_2539 = arith.select %eq3A_2536, %broadcast_in_dim3A_2538, %select_n3A_2383 : vector<16x128xi1>, vector<16x128xf32>
      %eq3A_2540 = vector.broadcast %broadcast_in_dim3A_2529 : vector<16x1xi32> to vector<16x128xi32>
      %eq3A_2541 = arith.cmpi eq, %add3A_102, %eq3A_2540 : vector<16x128xi32>
      %jit3A_2542 = arith.constant 0xFF800000 : f32
      %broadcast_in_dim3A_2543 = vector.broadcast %jit3A_2542 : f32 to vector<16x128xf32>
      %select_n3A_2544 = arith.select %eq3A_2541, %broadcast_in_dim3A_2543, %select_n3A_2388 : vector<16x128xi1>, vector<16x128xf32>
      %eq3A_2545 = vector.broadcast %broadcast_in_dim3A_2529 : vector<16x1xi32> to vector<16x128xi32>
      %eq3A_2546 = arith.cmpi eq, %add3A_132, %eq3A_2545 : vector<16x128xi32>
      %jit3A_2547 = arith.constant 0xFF800000 : f32
      %broadcast_in_dim3A_2548 = vector.broadcast %jit3A_2547 : f32 to vector<16x128xf32>
      %select_n3A_2549 = arith.select %eq3A_2546, %broadcast_in_dim3A_2548, %select_n3A_2393 : vector<16x128xi1>, vector<16x128xf32>
      %eq3A_2550 = vector.broadcast %broadcast_in_dim3A_2529 : vector<16x1xi32> to vector<16x128xi32>
      %eq3A_2551 = arith.cmpi eq, %add3A_162, %eq3A_2550 : vector<16x128xi32>
      %jit3A_2552 = arith.constant 0xFF800000 : f32
      %broadcast_in_dim3A_2553 = vector.broadcast %jit3A_2552 : f32 to vector<16x128xf32>
      %select_n3A_2554 = arith.select %eq3A_2551, %broadcast_in_dim3A_2553, %select_n3A_2398 : vector<16x128xi1>, vector<16x128xf32>
      %eq3A_2555 = vector.broadcast %broadcast_in_dim3A_2529 : vector<16x1xi32> to vector<16x128xi32>
      %eq3A_2556 = arith.cmpi eq, %add3A_192, %eq3A_2555 : vector<16x128xi32>
      %jit3A_2557 = arith.constant 0xFF800000 : f32
      %broadcast_in_dim3A_2558 = vector.broadcast %jit3A_2557 : f32 to vector<16x128xf32>
      %select_n3A_2559 = arith.select %eq3A_2556, %broadcast_in_dim3A_2558, %select_n3A_2403 : vector<16x128xi1>, vector<16x128xf32>
      %eq3A_2560 = vector.broadcast %broadcast_in_dim3A_2529 : vector<16x1xi32> to vector<16x128xi32>
      %eq3A_2561 = arith.cmpi eq, %add3A_222, %eq3A_2560 : vector<16x128xi32>
      %jit3A_2562 = arith.constant 0xFF800000 : f32
      %broadcast_in_dim3A_2563 = vector.broadcast %jit3A_2562 : f32 to vector<16x128xf32>
      %select_n3A_2564 = arith.select %eq3A_2561, %broadcast_in_dim3A_2563, %select_n3A_2408 : vector<16x128xi1>, vector<16x128xf32>
      %eq3A_2565 = vector.broadcast %broadcast_in_dim3A_2529 : vector<16x1xi32> to vector<16x128xi32>
      %eq3A_2566 = arith.cmpi eq, %add3A_252, %eq3A_2565 : vector<16x128xi32>
      %jit3A_2567 = arith.constant 0xFF800000 : f32
      %broadcast_in_dim3A_2568 = vector.broadcast %jit3A_2567 : f32 to vector<16x128xf32>
      %select_n3A_2569 = arith.select %eq3A_2566, %broadcast_in_dim3A_2568, %select_n3A_2413 : vector<16x128xi1>, vector<16x128xf32>
      %jit3A_2570 = arith.constant 128 : i32
      %div3A_2571 = vector.broadcast %jit3A_2570 : i32 to vector<16x1xi32>
      %div3A_2572 = arith.divsi %broadcast_in_dim3A_2529, %div3A_2571 : vector<16x1xi32>
      %sign3A_2573 = arith.constant 0 : i32
      %sign3A_2574 = vector.broadcast %sign3A_2573 : i32 to vector<16x1xi32>
      %sign3A_2575 = arith.cmpi sgt, %broadcast_in_dim3A_2529, %sign3A_2574 : vector<16x1xi32>
      %sign3A_2576 = arith.extui %sign3A_2575 : vector<16x1xi1> to vector<16x1xi32>
      %sign3A_2577 = arith.constant 0 : i32
      %sign3A_2578 = vector.broadcast %sign3A_2577 : i32 to vector<16x1xi32>
      %sign3A_2579 = arith.cmpi slt, %broadcast_in_dim3A_2529, %sign3A_2578 : vector<16x1xi32>
      %sign3A_2580 = arith.extui %sign3A_2579 : vector<16x1xi1> to vector<16x1xi32>
      %sign3A_2581 = arith.subi %sign3A_2576, %sign3A_2580 : vector<16x1xi32>
      %sign3A_2582 = arith.constant 0 : i32
      %sign3A_2583 = arith.cmpi sgt, %jit3A_2570, %sign3A_2582 : i32
      %sign3A_2584 = arith.extui %sign3A_2583 : i1 to i32
      %sign3A_2585 = arith.constant 0 : i32
      %sign3A_2586 = arith.cmpi slt, %jit3A_2570, %sign3A_2585 : i32
      %sign3A_2587 = arith.extui %sign3A_2586 : i1 to i32
      %sign3A_2588 = arith.subi %sign3A_2584, %sign3A_2587 : i32
      %ne3A_2589 = vector.broadcast %sign3A_2588 : i32 to vector<16x1xi32>
      %ne3A_2590 = arith.cmpi ne, %sign3A_2581, %ne3A_2589 : vector<16x1xi32>
      %rem3A_2591 = vector.broadcast %jit3A_2570 : i32 to vector<16x1xi32>
      %rem3A_2592 = arith.remsi %broadcast_in_dim3A_2529, %rem3A_2591 : vector<16x1xi32>
      %ne3A_2593 = arith.constant 0 : i32
      %ne3A_2594 = vector.broadcast %ne3A_2593 : i32 to vector<16x1xi32>
      %ne3A_2595 = arith.cmpi ne, %rem3A_2592, %ne3A_2594 : vector<16x1xi32>
      %and3A_2596 = arith.andi %ne3A_2590, %ne3A_2595 : vector<16x1xi1>
      %sub3A_2597 = arith.constant 1 : i32
      %sub3A_2598 = vector.broadcast %sub3A_2597 : i32 to vector<16x1xi32>
      %sub3A_2599 = arith.subi %div3A_2572, %sub3A_2598 : vector<16x1xi32>
      %select_n3A_2600 = arith.select %and3A_2596, %sub3A_2599, %div3A_2572 : vector<16x1xi1>, vector<16x1xi32>
      %mul3A_2601 = arith.constant 128 : i32
      %mul3A_2602 = vector.broadcast %mul3A_2601 : i32 to vector<16x1xi32>
      %mul3A_2603 = arith.muli %select_n3A_2600, %mul3A_2602 : vector<16x1xi32>
      %sub3A_2604 = arith.subi %broadcast_in_dim3A_2529, %mul3A_2603 : vector<16x1xi32>
      %eq3A_2605 = vector.broadcast %sub3A_2604 : vector<16x1xi32> to vector<16x128xi32>
      %eq3A_2606 = arith.cmpi eq, %iota3A_15, %eq3A_2605 : vector<16x128xi32>
      %jit3A_2607 = arith.constant 1 : i32
      %jit3A_2608 = arith.constant 0 : i32
      %broadcast_in_dim3A_2609 = vector.broadcast %jit3A_2607 : i32 to vector<16x128xi32>
      %broadcast_in_dim3A_2610 = vector.broadcast %jit3A_2608 : i32 to vector<16x128xi32>
      %select_n3A_2611 = arith.select %eq3A_2606, %broadcast_in_dim3A_2609, %broadcast_in_dim3A_2610 : vector<16x128xi1>, vector<16x128xi32>
      %add3A_2612 = arith.addi %add3A_2456, %select_n3A_2611 : vector<16x128xi32>
      %eq3A_2613 = vector.broadcast %scan3A_2466 : i32 to vector<16x64xi32>
      %eq3A_2614 = arith.cmpi eq, %iota3A_19, %eq3A_2613 : vector<16x64xi32>
      %broadcast_in_dim3A_2615 = vector.shape_cast %broadcast_in_dim3A_2476 : vector<16x1xf32> to vector<16x1xf32>
      %broadcast_in_dim3A_2616 = vector.broadcast %broadcast_in_dim3A_2615 : vector<16x1xf32> to vector<16x64xf32>
      %select_n3A_2617 = arith.select %eq3A_2614, %broadcast_in_dim3A_2616, %select_n3A_2461 : vector<16x64xi1>, vector<16x64xf32>
      %broadcast_in_dim3A_2618 = vector.shape_cast %broadcast_in_dim3A_2529 : vector<16x1xi32> to vector<16x1xi32>
      %broadcast_in_dim3A_2619 = vector.broadcast %broadcast_in_dim3A_2618 : vector<16x1xi32> to vector<16x64xi32>
      %select_n3A_2620 = arith.select %eq3A_2614, %broadcast_in_dim3A_2619, %select_n3A_2464 : vector<16x64xi1>, vector<16x64xi32>
      %scan3A_2621 = arith.constant 15 : i32
      %scan3A_2622 = arith.addi %scan3A_278, %scan3A_2621 : i32
      %max3A_2623 = arith.maximumf %select_n3A_2534, %select_n3A_2539 : vector<16x128xf32>
      %max3A_2624 = arith.maximumf %max3A_2623, %select_n3A_2544 : vector<16x128xf32>
      %max3A_2625 = arith.maximumf %max3A_2624, %select_n3A_2549 : vector<16x128xf32>
      %max3A_2626 = arith.maximumf %max3A_2625, %select_n3A_2554 : vector<16x128xf32>
      %max3A_2627 = arith.maximumf %max3A_2626, %select_n3A_2559 : vector<16x128xf32>
      %max3A_2628 = arith.maximumf %max3A_2627, %select_n3A_2564 : vector<16x128xf32>
      %max3A_2629 = arith.maximumf %max3A_2628, %select_n3A_2569 : vector<16x128xf32>
      %reduce_max3A_2630 = arith.constant dense<0xFF800000> : vector<16xf32>
      %reduce_max3A_2631 = vector.multi_reduction <maximumf>, %max3A_2629, %reduce_max3A_2630 [1] : vector<16x128xf32> to vector<16xf32>
      %broadcast_in_dim3A_2632 = vector.shape_cast %reduce_max3A_2631 : vector<16xf32> to vector<16x1xf32>
      %broadcast_in_dim3A_2633 = arith.constant 16777216 : i32
      %broadcast_in_dim3A_2634 = vector.broadcast %broadcast_in_dim3A_2633 : i32 to vector<16x128xi32>
      %eq3A_2635 = vector.broadcast %broadcast_in_dim3A_2632 : vector<16x1xf32> to vector<16x128xf32>
      %eq3A_2636 = arith.cmpf oeq, %select_n3A_2534, %eq3A_2635 : vector<16x128xf32>
      %jit3A_2637 = arith.constant 16777216 : i32
      %broadcast_in_dim3A_2638 = vector.broadcast %jit3A_2637 : i32 to vector<16x128xi32>
      %select_n3A_2639 = arith.select %eq3A_2636, %add3A_42, %broadcast_in_dim3A_2638 : vector<16x128xi1>, vector<16x128xi32>
      %min3A_2640 = arith.minsi %broadcast_in_dim3A_2634, %select_n3A_2639 : vector<16x128xi32>
      %eq3A_2641 = vector.broadcast %broadcast_in_dim3A_2632 : vector<16x1xf32> to vector<16x128xf32>
      %eq3A_2642 = arith.cmpf oeq, %select_n3A_2539, %eq3A_2641 : vector<16x128xf32>
      %jit3A_2643 = arith.constant 16777216 : i32
      %broadcast_in_dim3A_2644 = vector.broadcast %jit3A_2643 : i32 to vector<16x128xi32>
      %select_n3A_2645 = arith.select %eq3A_2642, %add3A_72, %broadcast_in_dim3A_2644 : vector<16x128xi1>, vector<16x128xi32>
      %min3A_2646 = arith.minsi %min3A_2640, %select_n3A_2645 : vector<16x128xi32>
      %eq3A_2647 = vector.broadcast %broadcast_in_dim3A_2632 : vector<16x1xf32> to vector<16x128xf32>
      %eq3A_2648 = arith.cmpf oeq, %select_n3A_2544, %eq3A_2647 : vector<16x128xf32>
      %jit3A_2649 = arith.constant 16777216 : i32
      %broadcast_in_dim3A_2650 = vector.broadcast %jit3A_2649 : i32 to vector<16x128xi32>
      %select_n3A_2651 = arith.select %eq3A_2648, %add3A_102, %broadcast_in_dim3A_2650 : vector<16x128xi1>, vector<16x128xi32>
      %min3A_2652 = arith.minsi %min3A_2646, %select_n3A_2651 : vector<16x128xi32>
      %eq3A_2653 = vector.broadcast %broadcast_in_dim3A_2632 : vector<16x1xf32> to vector<16x128xf32>
      %eq3A_2654 = arith.cmpf oeq, %select_n3A_2549, %eq3A_2653 : vector<16x128xf32>
      %jit3A_2655 = arith.constant 16777216 : i32
      %broadcast_in_dim3A_2656 = vector.broadcast %jit3A_2655 : i32 to vector<16x128xi32>
      %select_n3A_2657 = arith.select %eq3A_2654, %add3A_132, %broadcast_in_dim3A_2656 : vector<16x128xi1>, vector<16x128xi32>
      %min3A_2658 = arith.minsi %min3A_2652, %select_n3A_2657 : vector<16x128xi32>
      %eq3A_2659 = vector.broadcast %broadcast_in_dim3A_2632 : vector<16x1xf32> to vector<16x128xf32>
      %eq3A_2660 = arith.cmpf oeq, %select_n3A_2554, %eq3A_2659 : vector<16x128xf32>
      %jit3A_2661 = arith.constant 16777216 : i32
      %broadcast_in_dim3A_2662 = vector.broadcast %jit3A_2661 : i32 to vector<16x128xi32>
      %select_n3A_2663 = arith.select %eq3A_2660, %add3A_162, %broadcast_in_dim3A_2662 : vector<16x128xi1>, vector<16x128xi32>
      %min3A_2664 = arith.minsi %min3A_2658, %select_n3A_2663 : vector<16x128xi32>
      %eq3A_2665 = vector.broadcast %broadcast_in_dim3A_2632 : vector<16x1xf32> to vector<16x128xf32>
      %eq3A_2666 = arith.cmpf oeq, %select_n3A_2559, %eq3A_2665 : vector<16x128xf32>
      %jit3A_2667 = arith.constant 16777216 : i32
      %broadcast_in_dim3A_2668 = vector.broadcast %jit3A_2667 : i32 to vector<16x128xi32>
      %select_n3A_2669 = arith.select %eq3A_2666, %add3A_192, %broadcast_in_dim3A_2668 : vector<16x128xi1>, vector<16x128xi32>
      %min3A_2670 = arith.minsi %min3A_2664, %select_n3A_2669 : vector<16x128xi32>
      %eq3A_2671 = vector.broadcast %broadcast_in_dim3A_2632 : vector<16x1xf32> to vector<16x128xf32>
      %eq3A_2672 = arith.cmpf oeq, %select_n3A_2564, %eq3A_2671 : vector<16x128xf32>
      %jit3A_2673 = arith.constant 16777216 : i32
      %broadcast_in_dim3A_2674 = vector.broadcast %jit3A_2673 : i32 to vector<16x128xi32>
      %select_n3A_2675 = arith.select %eq3A_2672, %add3A_222, %broadcast_in_dim3A_2674 : vector<16x128xi1>, vector<16x128xi32>
      %min3A_2676 = arith.minsi %min3A_2670, %select_n3A_2675 : vector<16x128xi32>
      %eq3A_2677 = vector.broadcast %broadcast_in_dim3A_2632 : vector<16x1xf32> to vector<16x128xf32>
      %eq3A_2678 = arith.cmpf oeq, %select_n3A_2569, %eq3A_2677 : vector<16x128xf32>
      %jit3A_2679 = arith.constant 16777216 : i32
      %broadcast_in_dim3A_2680 = vector.broadcast %jit3A_2679 : i32 to vector<16x128xi32>
      %select_n3A_2681 = arith.select %eq3A_2678, %add3A_252, %broadcast_in_dim3A_2680 : vector<16x128xi1>, vector<16x128xi32>
      %min3A_2682 = arith.minsi %min3A_2676, %select_n3A_2681 : vector<16x128xi32>
      %reduce_min3A_2683 = arith.constant dense<2147483647> : vector<16xi32>
      %reduce_min3A_2684 = vector.multi_reduction <minsi>, %min3A_2682, %reduce_min3A_2683 [1] : vector<16x128xi32> to vector<16xi32>
      %broadcast_in_dim3A_2685 = vector.shape_cast %reduce_min3A_2684 : vector<16xi32> to vector<16x1xi32>
      %eq3A_2686 = vector.broadcast %broadcast_in_dim3A_2685 : vector<16x1xi32> to vector<16x128xi32>
      %eq3A_2687 = arith.cmpi eq, %add3A_42, %eq3A_2686 : vector<16x128xi32>
      %jit3A_2688 = arith.constant 0xFF800000 : f32
      %broadcast_in_dim3A_2689 = vector.broadcast %jit3A_2688 : f32 to vector<16x128xf32>
      %select_n3A_2690 = arith.select %eq3A_2687, %broadcast_in_dim3A_2689, %select_n3A_2534 : vector<16x128xi1>, vector<16x128xf32>
      %eq3A_2691 = vector.broadcast %broadcast_in_dim3A_2685 : vector<16x1xi32> to vector<16x128xi32>
      %eq3A_2692 = arith.cmpi eq, %add3A_72, %eq3A_2691 : vector<16x128xi32>
      %jit3A_2693 = arith.constant 0xFF800000 : f32
      %broadcast_in_dim3A_2694 = vector.broadcast %jit3A_2693 : f32 to vector<16x128xf32>
      %select_n3A_2695 = arith.select %eq3A_2692, %broadcast_in_dim3A_2694, %select_n3A_2539 : vector<16x128xi1>, vector<16x128xf32>
      %eq3A_2696 = vector.broadcast %broadcast_in_dim3A_2685 : vector<16x1xi32> to vector<16x128xi32>
      %eq3A_2697 = arith.cmpi eq, %add3A_102, %eq3A_2696 : vector<16x128xi32>
      %jit3A_2698 = arith.constant 0xFF800000 : f32
      %broadcast_in_dim3A_2699 = vector.broadcast %jit3A_2698 : f32 to vector<16x128xf32>
      %select_n3A_2700 = arith.select %eq3A_2697, %broadcast_in_dim3A_2699, %select_n3A_2544 : vector<16x128xi1>, vector<16x128xf32>
      %eq3A_2701 = vector.broadcast %broadcast_in_dim3A_2685 : vector<16x1xi32> to vector<16x128xi32>
      %eq3A_2702 = arith.cmpi eq, %add3A_132, %eq3A_2701 : vector<16x128xi32>
      %jit3A_2703 = arith.constant 0xFF800000 : f32
      %broadcast_in_dim3A_2704 = vector.broadcast %jit3A_2703 : f32 to vector<16x128xf32>
      %select_n3A_2705 = arith.select %eq3A_2702, %broadcast_in_dim3A_2704, %select_n3A_2549 : vector<16x128xi1>, vector<16x128xf32>
      %eq3A_2706 = vector.broadcast %broadcast_in_dim3A_2685 : vector<16x1xi32> to vector<16x128xi32>
      %eq3A_2707 = arith.cmpi eq, %add3A_162, %eq3A_2706 : vector<16x128xi32>
      %jit3A_2708 = arith.constant 0xFF800000 : f32
      %broadcast_in_dim3A_2709 = vector.broadcast %jit3A_2708 : f32 to vector<16x128xf32>
      %select_n3A_2710 = arith.select %eq3A_2707, %broadcast_in_dim3A_2709, %select_n3A_2554 : vector<16x128xi1>, vector<16x128xf32>
      %eq3A_2711 = vector.broadcast %broadcast_in_dim3A_2685 : vector<16x1xi32> to vector<16x128xi32>
      %eq3A_2712 = arith.cmpi eq, %add3A_192, %eq3A_2711 : vector<16x128xi32>
      %jit3A_2713 = arith.constant 0xFF800000 : f32
      %broadcast_in_dim3A_2714 = vector.broadcast %jit3A_2713 : f32 to vector<16x128xf32>
      %select_n3A_2715 = arith.select %eq3A_2712, %broadcast_in_dim3A_2714, %select_n3A_2559 : vector<16x128xi1>, vector<16x128xf32>
      %eq3A_2716 = vector.broadcast %broadcast_in_dim3A_2685 : vector<16x1xi32> to vector<16x128xi32>
      %eq3A_2717 = arith.cmpi eq, %add3A_222, %eq3A_2716 : vector<16x128xi32>
      %jit3A_2718 = arith.constant 0xFF800000 : f32
      %broadcast_in_dim3A_2719 = vector.broadcast %jit3A_2718 : f32 to vector<16x128xf32>
      %select_n3A_2720 = arith.select %eq3A_2717, %broadcast_in_dim3A_2719, %select_n3A_2564 : vector<16x128xi1>, vector<16x128xf32>
      %eq3A_2721 = vector.broadcast %broadcast_in_dim3A_2685 : vector<16x1xi32> to vector<16x128xi32>
      %eq3A_2722 = arith.cmpi eq, %add3A_252, %eq3A_2721 : vector<16x128xi32>
      %jit3A_2723 = arith.constant 0xFF800000 : f32
      %broadcast_in_dim3A_2724 = vector.broadcast %jit3A_2723 : f32 to vector<16x128xf32>
      %select_n3A_2725 = arith.select %eq3A_2722, %broadcast_in_dim3A_2724, %select_n3A_2569 : vector<16x128xi1>, vector<16x128xf32>
      %jit3A_2726 = arith.constant 128 : i32
      %div3A_2727 = vector.broadcast %jit3A_2726 : i32 to vector<16x1xi32>
      %div3A_2728 = arith.divsi %broadcast_in_dim3A_2685, %div3A_2727 : vector<16x1xi32>
      %sign3A_2729 = arith.constant 0 : i32
      %sign3A_2730 = vector.broadcast %sign3A_2729 : i32 to vector<16x1xi32>
      %sign3A_2731 = arith.cmpi sgt, %broadcast_in_dim3A_2685, %sign3A_2730 : vector<16x1xi32>
      %sign3A_2732 = arith.extui %sign3A_2731 : vector<16x1xi1> to vector<16x1xi32>
      %sign3A_2733 = arith.constant 0 : i32
      %sign3A_2734 = vector.broadcast %sign3A_2733 : i32 to vector<16x1xi32>
      %sign3A_2735 = arith.cmpi slt, %broadcast_in_dim3A_2685, %sign3A_2734 : vector<16x1xi32>
      %sign3A_2736 = arith.extui %sign3A_2735 : vector<16x1xi1> to vector<16x1xi32>
      %sign3A_2737 = arith.subi %sign3A_2732, %sign3A_2736 : vector<16x1xi32>
      %sign3A_2738 = arith.constant 0 : i32
      %sign3A_2739 = arith.cmpi sgt, %jit3A_2726, %sign3A_2738 : i32
      %sign3A_2740 = arith.extui %sign3A_2739 : i1 to i32
      %sign3A_2741 = arith.constant 0 : i32
      %sign3A_2742 = arith.cmpi slt, %jit3A_2726, %sign3A_2741 : i32
      %sign3A_2743 = arith.extui %sign3A_2742 : i1 to i32
      %sign3A_2744 = arith.subi %sign3A_2740, %sign3A_2743 : i32
      %ne3A_2745 = vector.broadcast %sign3A_2744 : i32 to vector<16x1xi32>
      %ne3A_2746 = arith.cmpi ne, %sign3A_2737, %ne3A_2745 : vector<16x1xi32>
      %rem3A_2747 = vector.broadcast %jit3A_2726 : i32 to vector<16x1xi32>
      %rem3A_2748 = arith.remsi %broadcast_in_dim3A_2685, %rem3A_2747 : vector<16x1xi32>
      %ne3A_2749 = arith.constant 0 : i32
      %ne3A_2750 = vector.broadcast %ne3A_2749 : i32 to vector<16x1xi32>
      %ne3A_2751 = arith.cmpi ne, %rem3A_2748, %ne3A_2750 : vector<16x1xi32>
      %and3A_2752 = arith.andi %ne3A_2746, %ne3A_2751 : vector<16x1xi1>
      %sub3A_2753 = arith.constant 1 : i32
      %sub3A_2754 = vector.broadcast %sub3A_2753 : i32 to vector<16x1xi32>
      %sub3A_2755 = arith.subi %div3A_2728, %sub3A_2754 : vector<16x1xi32>
      %select_n3A_2756 = arith.select %and3A_2752, %sub3A_2755, %div3A_2728 : vector<16x1xi1>, vector<16x1xi32>
      %mul3A_2757 = arith.constant 128 : i32
      %mul3A_2758 = vector.broadcast %mul3A_2757 : i32 to vector<16x1xi32>
      %mul3A_2759 = arith.muli %select_n3A_2756, %mul3A_2758 : vector<16x1xi32>
      %sub3A_2760 = arith.subi %broadcast_in_dim3A_2685, %mul3A_2759 : vector<16x1xi32>
      %eq3A_2761 = vector.broadcast %sub3A_2760 : vector<16x1xi32> to vector<16x128xi32>
      %eq3A_2762 = arith.cmpi eq, %iota3A_15, %eq3A_2761 : vector<16x128xi32>
      %jit3A_2763 = arith.constant 1 : i32
      %jit3A_2764 = arith.constant 0 : i32
      %broadcast_in_dim3A_2765 = vector.broadcast %jit3A_2763 : i32 to vector<16x128xi32>
      %broadcast_in_dim3A_2766 = vector.broadcast %jit3A_2764 : i32 to vector<16x128xi32>
      %select_n3A_2767 = arith.select %eq3A_2762, %broadcast_in_dim3A_2765, %broadcast_in_dim3A_2766 : vector<16x128xi1>, vector<16x128xi32>
      %add3A_2768 = arith.addi %add3A_2612, %select_n3A_2767 : vector<16x128xi32>
      %eq3A_2769 = vector.broadcast %scan3A_2622 : i32 to vector<16x64xi32>
      %eq3A_2770 = arith.cmpi eq, %iota3A_19, %eq3A_2769 : vector<16x64xi32>
      %broadcast_in_dim3A_2771 = vector.shape_cast %broadcast_in_dim3A_2632 : vector<16x1xf32> to vector<16x1xf32>
      %broadcast_in_dim3A_2772 = vector.broadcast %broadcast_in_dim3A_2771 : vector<16x1xf32> to vector<16x64xf32>
      %select_n3A_2773 = arith.select %eq3A_2770, %broadcast_in_dim3A_2772, %select_n3A_2617 : vector<16x64xi1>, vector<16x64xf32>
      %broadcast_in_dim3A_2774 = vector.shape_cast %broadcast_in_dim3A_2685 : vector<16x1xi32> to vector<16x1xi32>
      %broadcast_in_dim3A_2775 = vector.broadcast %broadcast_in_dim3A_2774 : vector<16x1xi32> to vector<16x64xi32>
      %select_n3A_2776 = arith.select %eq3A_2770, %broadcast_in_dim3A_2775, %select_n3A_2620 : vector<16x64xi1>, vector<16x64xi32>
      scf.yield %select_n3A_2690, %select_n3A_2695, %select_n3A_2700, %select_n3A_2705, %select_n3A_2710, %select_n3A_2715, %select_n3A_2720, %select_n3A_2725, %add3A_2768, %select_n3A_2773, %select_n3A_2776 : vector<16x128xf32>, vector<16x128xf32>, vector<16x128xf32>, vector<16x128xf32>, vector<16x128xf32>, vector<16x128xf32>, vector<16x128xf32>, vector<16x128xf32>, vector<16x128xi32>, vector<16x64xf32>, vector<16x64xi32>
    }
    %scan3A_263 = arith.constant 64 : i32
    %add3A_264 = arith.addi %scan3A_262#10, %mul3A_18 : vector<16x64xi32>
    %swap3A_265 = arith.constant 0 : index
    %swap3A_266 = arith.constant 0 : index
    %swap3A_267 = vector.load %arg3[%swap3A_265, %swap3A_266] : memref<16x64xi32, #tpu.memory_space<vmem>>, vector<16x64xi32>
    tpu.vector_store %arg3[%swap3A_265, %swap3A_266], %add3A_264 {strides = array<i32>} : memref<16x64xi32, #tpu.memory_space<vmem>>, vector<16x64xi32>,
    %tanh3A = math.tanh %scan3A_262#9 : vector<16x64xf32>
    %swap3A_268 = arith.constant 0 : index
    %swap3A_269 = arith.constant 0 : index
    %swap3A_270 = vector.load %arg4[%swap3A_268, %swap3A_269] : memref<16x64xf32, #tpu.memory_space<vmem>>, vector<16x64xf32>
    tpu.vector_store %arg4[%swap3A_268, %swap3A_269], %tanh3A {strides = array<i32>} : memref<16x64xf32, #tpu.memory_space<vmem>>, vector<16x64xf32>,
    %reduce_max3A_271 = vector.shape_cast %scan3A_262#8 : vector<16x128xi32> to vector<1x16x128xi32>
    %reduce_max3A_272 = arith.constant dense<-2147483648> : vector<1xi32>
    %reduce_max3A_273 = vector.multi_reduction <maxsi>, %reduce_max3A_271, %reduce_max3A_272 [1, 2] : vector<1x16x128xi32> to vector<1xi32>
    %reduce_max3A_274 = vector.shape_cast %reduce_max3A_273 : vector<1xi32> to vector<1x1x1xi32>
    %reduce_max3A_275 = vector.extract %reduce_max3A_274[0, 0, 0] : i32 from vector<1x1x1xi32>
    %ge3A = arith.constant 8 : i32
    %ge3A_276 = arith.cmpi sge, %reduce_max3A_275, %ge3A : i32
    %convert_element_type3A = arith.extui %ge3A_276 : i1 to i32
    %cond3A = arith.constant 0 : i32
    %cond3A_277 = arith.cmpi ne, %convert_element_type3A, %cond3A : i32
    scf.if %cond3A_277 {
      %get3A_278 = arith.constant 0 : index
      %get3A_279 = arith.constant 0 : index
      %get3A_280 = arith.constant 0 : index
      %get3A_281 = vector.load %arg0[%get3A_278, %get3A_279, %get3A_280] : memref<16x256x128xf32, #tpu.memory_space<vmem>>, vector<16x256x128xf32>
      %get3A_282 = arith.constant 0 : index
      %get3A_283 = arith.constant 0 : index
      %get3A_284 = vector.load %arg2[%get3A_282, %get3A_283] : memref<1x1xf32, #tpu.memory_space<vmem>>, vector<1x1xf32>
      %get3A_285 = vector.extract %get3A_284[0, 0] : f32 from vector<1x1xf32>
      %div3A_286 = vector.broadcast %get3A_285 : f32 to vector<16x256x128xf32>
      %div3A_287 = arith.divf %get3A_281, %div3A_286 : vector<16x256x128xf32>
      %get3A_288 = arith.constant 0 : index
      %get3A_289 = arith.constant 0 : index
      %get3A_290 = arith.constant 0 : index
      %get3A_291 = vector.load %arg1[%get3A_288, %get3A_289, %get3A_290] : memref<16x256x128xf32, #tpu.memory_space<vmem>>, vector<16x256x128xf32>
      %add3A_292 = arith.addf %div3A_287, %get3A_291 : vector<16x256x128xf32>
      %swap3A_293 = arith.constant 0 : index
      %swap3A_294 = arith.constant 0 : index
      %swap3A_295 = arith.constant 0 : index
      %swap3A_296 = vector.load %arg5[%swap3A_293, %swap3A_294, %swap3A_295] : memref<16x256x128xf32, #tpu.memory_space<vmem>>, vector<16x256x128xf32>
      tpu.vector_store %arg5[%swap3A_293, %swap3A_294, %swap3A_295], %add3A_292 {strides = array<i32>} : memref<16x256x128xf32, #tpu.memory_space<vmem>>, vector<16x256x128xf32>,
      %mul3A_297 = arith.constant 128 : i32
      %mul3A_298 = vector.broadcast %mul3A_297 : i32 to vector<16x256x128xi32>
      %mul3A_299 = arith.muli %iota3A, %mul3A_298 : vector<16x256x128xi32>
      %iota3A_300 = tpu.iota {dimensions = array<i32: 2>} : vector<16x256x128xi32>
      %add3A_301 = arith.addi %mul3A_299, %iota3A_300 : vector<16x256x128xi32>
      %broadcast_in_dim3A_302 = arith.constant 0.000000e+00 : f32
      %broadcast_in_dim3A_303 = vector.broadcast %broadcast_in_dim3A_302 : f32 to vector<16x64xf32>
      %broadcast_in_dim3A_304 = arith.constant 0 : i32
      %broadcast_in_dim3A_305 = vector.broadcast %broadcast_in_dim3A_304 : i32 to vector<16x64xi32>
      %scan3A_306 = arith.constant 0 : i32
      %scan3A_307 = arith.constant 64 : i32
      %scan3A_308 = arith.addi %scan3A_306, %scan3A_307 : i32
      %scan3A_309 = arith.constant 1 : i32
      %scan3A_310:2 = scf.for %scan3A_320 = %scan3A_306 to %scan3A_308 step %scan3A_309 iter_args(%scan3A_321 = %broadcast_in_dim3A_303, %scan3A_322 = %broadcast_in_dim3A_305) -> (vector<16x64xf32>, vector<16x64xi32>)  : i32 {
        %get3A_323 = arith.constant 0 : index
        %get3A_324 = arith.constant 0 : index
        %get3A_325 = arith.constant 0 : index
        %get3A_326 = vector.load %arg5[%get3A_323, %get3A_324, %get3A_325] : memref<16x256x128xf32, #tpu.memory_space<vmem>>, vector<16x256x128xf32>
        %reduce_max3A_327 = arith.constant dense<0xFF800000> : vector<16x128xf32>
        %reduce_max3A_328 = vector.multi_reduction <maximumf>, %get3A_326, %reduce_max3A_327 [1] : vector<16x256x128xf32> to vector<16x128xf32>
        %broadcast_in_dim3A_329 = vector.shape_cast %reduce_max3A_328 : vector<16x128xf32> to vector<16x1x128xf32>
        %reduce_max3A_330 = arith.constant dense<0xFF800000> : vector<16x1xf32>
        %reduce_max3A_331 = vector.multi_reduction <maximumf>, %broadcast_in_dim3A_329, %reduce_max3A_330 [2] : vector<16x1x128xf32> to vector<16x1xf32>
        %broadcast_in_dim3A_332 = vector.shape_cast %reduce_max3A_331 : vector<16x1xf32> to vector<16x1x1xf32>
        %eq3A_333 = vector.broadcast %broadcast_in_dim3A_332 : vector<16x1x1xf32> to vector<16x256x128xf32>
        %eq3A_334 = arith.cmpf oeq, %get3A_326, %eq3A_333 : vector<16x256x128xf32>
        %jit3A_335 = arith.constant 16777216 : i32
        %broadcast_in_dim3A_336 = vector.broadcast %jit3A_335 : i32 to vector<16x256x128xi32>
        %select_n3A_337 = arith.select %eq3A_334, %add3A_301, %broadcast_in_dim3A_336 : vector<16x256x128xi1>, vector<16x256x128xi32>
        %reduce_min3A_338 = arith.constant dense<2147483647> : vector<16x128xi32>
        %reduce_min3A_339 = vector.multi_reduction <minsi>, %select_n3A_337, %reduce_min3A_338 [1] : vector<16x256x128xi32> to vector<16x128xi32>
        %broadcast_in_dim3A_340 = vector.shape_cast %reduce_min3A_339 : vector<16x128xi32> to vector<16x1x128xi32>
        %reduce_min3A_341 = arith.constant dense<2147483647> : vector<16x1xi32>
        %reduce_min3A_342 = vector.multi_reduction <minsi>, %broadcast_in_dim3A_340, %reduce_min3A_341 [2] : vector<16x1x128xi32> to vector<16x1xi32>
        %broadcast_in_dim3A_343 = vector.shape_cast %reduce_min3A_342 : vector<16x1xi32> to vector<16x1x1xi32>
        %eq3A_344 = vector.broadcast %broadcast_in_dim3A_343 : vector<16x1x1xi32> to vector<16x256x128xi32>
        %eq3A_345 = arith.cmpi eq, %add3A_301, %eq3A_344 : vector<16x256x128xi32>
        %jit3A_346 = arith.constant 0xFF800000 : f32
        %broadcast_in_dim3A_347 = vector.broadcast %jit3A_346 : f32 to vector<16x256x128xf32>
        %select_n3A_348 = arith.select %eq3A_345, %broadcast_in_dim3A_347, %get3A_326 : vector<16x256x128xi1>, vector<16x256x128xf32>
        %swap3A_349 = arith.constant 0 : index
        %swap3A_350 = arith.constant 0 : index
        %swap3A_351 = arith.constant 0 : index
        %swap3A_352 = vector.load %arg5[%swap3A_349, %swap3A_350, %swap3A_351] : memref<16x256x128xf32, #tpu.memory_space<vmem>>, vector<16x256x128xf32>
        tpu.vector_store %arg5[%swap3A_349, %swap3A_350, %swap3A_351], %select_n3A_348 {strides = array<i32>} : memref<16x256x128xf32, #tpu.memory_space<vmem>>, vector<16x256x128xf32>,
        %eq3A_353 = vector.broadcast %scan3A_320 : i32 to vector<16x64xi32>
        %eq3A_354 = arith.cmpi eq, %iota3A_19, %eq3A_353 : vector<16x64xi32>
        %squeeze3A_355 = vector.shape_cast %broadcast_in_dim3A_332 : vector<16x1x1xf32> to vector<16x1xf32>
        %broadcast_in_dim3A_356 = vector.shape_cast %squeeze3A_355 : vector<16x1xf32> to vector<16x1xf32>
        %broadcast_in_dim3A_357 = vector.broadcast %broadcast_in_dim3A_356 : vector<16x1xf32> to vector<16x64xf32>
        %select_n3A_358 = arith.select %eq3A_354, %broadcast_in_dim3A_357, %scan3A_321 : vector<16x64xi1>, vector<16x64xf32>
        %squeeze3A_359 = vector.shape_cast %broadcast_in_dim3A_343 : vector<16x1x1xi32> to vector<16x1xi32>
        %broadcast_in_dim3A_360 = vector.shape_cast %squeeze3A_359 : vector<16x1xi32> to vector<16x1xi32>
        %broadcast_in_dim3A_361 = vector.broadcast %broadcast_in_dim3A_360 : vector<16x1xi32> to vector<16x64xi32>
        %select_n3A_362 = arith.select %eq3A_354, %broadcast_in_dim3A_361, %scan3A_322 : vector<16x64xi1>, vector<16x64xi32>
        scf.yield %select_n3A_358, %select_n3A_362 : vector<16x64xf32>, vector<16x64xi32>
      }
      %scan3A_311 = arith.constant 64 : i32
      %add3A_312 = arith.addi %scan3A_310#1, %mul3A_18 : vector<16x64xi32>
      %swap3A_313 = arith.constant 0 : index
      %swap3A_314 = arith.constant 0 : index
      %swap3A_315 = vector.load %arg3[%swap3A_313, %swap3A_314] : memref<16x64xi32, #tpu.memory_space<vmem>>, vector<16x64xi32>
      tpu.vector_store %arg3[%swap3A_313, %swap3A_314], %add3A_312 {strides = array<i32>} : memref<16x64xi32, #tpu.memory_space<vmem>>, vector<16x64xi32>,
      %tanh3A_316 = math.tanh %scan3A_310#0 : vector<16x64xf32>
      %swap3A_317 = arith.constant 0 : index
      %swap3A_318 = arith.constant 0 : index
      %swap3A_319 = vector.load %arg4[%swap3A_317, %swap3A_318] : memref<16x64xf32, #tpu.memory_space<vmem>>, vector<16x64xf32>
      tpu.vector_store %arg4[%swap3A_317, %swap3A_318], %tanh3A_316 {strides = array<i32>} : memref<16x64xf32, #tpu.memory_space<vmem>>, vector<16x64xf32>,
    } else {
    }
    return
  }
}

module attributes {stable_mosaic.version = 14 : i64} {
  func.func @_scale_t_body(%arg0: i32, %arg1: memref<1x64x128xf32, #tpu.memory_space<vmem>>, %arg2: memref<1x1x64xf32, #tpu.memory_space<vmem>>, %arg3: memref<1x128x64xf32, #tpu.memory_space<vmem>>) attributes {dimension_semantics = [#tpu.dimension_semantics<arbitrary>], iteration_bounds = array<i64: 16>, scalar_prefetch = 0 : i64, scratch_operands = 0 : i64, tpu.core_type = #tpu.core_type<tc>, window_params = [{transform_indices = @transform_0, window_bounds = array<i64: 1, 64, 128>}, {transform_indices = @transform_1, window_bounds = array<i64: 1, 1, 64>}, {transform_indices = @transform_2, window_bounds = array<i64: 1, 128, 64>}]} {
    %get3A = arith.constant 0 : index
    %get3A_0 = arith.constant 0 : index
    %get3A_1 = arith.constant 0 : index
    %get3A_2 = vector.load %arg1[%get3A, %get3A_0, %get3A_1] : memref<1x64x128xf32, #tpu.memory_space<vmem>>, vector<1x64x128xf32>
    %get3A_3 = vector.shape_cast %get3A_2 : vector<1x64x128xf32> to vector<64x128xf32>
    %transpose3A = tpu.transpose %get3A_3, [1, 0] : vector<64x128xf32> -> vector<128x64xf32>
    %get3A_4 = arith.constant 0 : index
    %get3A_5 = arith.constant 0 : index
    %get3A_6 = arith.constant 0 : index
    %get3A_7 = vector.load %arg2[%get3A_4, %get3A_5, %get3A_6] : memref<1x1x64xf32, #tpu.memory_space<vmem>>, vector<1x1x64xf32>
    %get3A_8 = vector.shape_cast %get3A_7 : vector<1x1x64xf32> to vector<1x64xf32>
    %mul3A = vector.broadcast %get3A_8 : vector<1x64xf32> to vector<128x64xf32>
    %mul3A_9 = arith.mulf %transpose3A, %mul3A : vector<128x64xf32>
    %swap3A = arith.constant 0 : index
    %swap3A_10 = arith.constant 0 : index
    %swap3A_11 = arith.constant 0 : index
    %swap3A_12 = vector.load %arg3[%swap3A, %swap3A_10, %swap3A_11] : memref<1x128x64xf32, #tpu.memory_space<vmem>>, vector<1x128x64xf32>
    %swap3A_13 = vector.shape_cast %swap3A_12 : vector<1x128x64xf32> to vector<128x64xf32>
    %swap3A_14 = vector.shape_cast %mul3A_9 : vector<128x64xf32> to vector<1x128x64xf32>
    tpu.vector_store %arg3[%swap3A, %swap3A_10, %swap3A_11], %swap3A_14 {strides = array<i32>} : memref<1x128x64xf32, #tpu.memory_space<vmem>>, vector<1x128x64xf32>,
    return
  }
  func.func @transform_0(%arg0: i32) -> (i32, i32, i32) {
    %c0_i32 = arith.constant 0 : i32
    %c0_i32_0 = arith.constant 0 : i32
    %c0_i32_1 = arith.constant 0 : i32
    return %arg0, %c0_i32, %c0_i32_0 : i32, i32, i32
  }
  func.func @transform_1(%arg0: i32) -> (i32, i32, i32) {
    %c0_i32 = arith.constant 0 : i32
    %c0_i32_0 = arith.constant 0 : i32
    %c0_i32_1 = arith.constant 0 : i32
    return %arg0, %c0_i32, %c0_i32_0 : i32, i32, i32
  }
  func.func @transform_2(%arg0: i32) -> (i32, i32, i32) {
    %c0_i32 = arith.constant 0 : i32
    %c0_i32_0 = arith.constant 0 : i32
    %c0_i32_1 = arith.constant 0 : i32
    return %arg0, %c0_i32, %c0_i32_0 : i32, i32, i32
  }
}

</mosaic_0001>

<sc_bundles>
// kernel: kernel.6.cloned.1.call-start
scs
__scs_entry_jumppad:
0x0: {  	(pc) =	sbr.rel $0x88, $3  }
0x1: {  	(tag) =	ssettag $0x0;
	lr =	simm.s32 $0x1  }
0x2: {  	[smem:$0x3F9E] =	sst lr;
	_ =	strace $0xD0000000  }
0x3: {  	_ = 	snop  }
0x4: {  	_ = 	snop  }
0x5: {  	_ = 	snop  }
0x6: {  	_ = 	snop  }
0x7: {  	_ = 	snop  }
__scs_overlays_trampoline_lowered:
0x8: {  	[smem:$0x3FAD] =	sst s0  }
0x9: {  	[smem:$0x3FAE] =	sst s1  }
0xa: {  	[smem:$0x3FAF] =	sst s2  }
0xb: {  	[smem:$0x3FB0] =	sst s3  }
0xc: {  	[smem:$0x3FB1] =	sst s4  }
0xd: {  	[smem:$0x3FB2] =	sst s5  }
0xe: {  	[smem:$0x3FB3] =	sst s6  }
0xf: {  	[smem:$0x3FB4] =	sst s7  }
0x10: {  	[smem:$0x3FB5] =	sst s8  }
0x11: {  	[smem:$0x3FB6] =	sst s9;
	s0 =	simm.s32 @!p0 $0x0  }
0x12: {  	s1 =	sld [smem:$0x3F9C];
	s0 =	simm.s32 @p0 $0x1  }
0x13: {  	[smem:$0x3FB7] =	sst s0;
	s0 =	simm.s32 @!p1 $0x0  }
0x14: {  	s2 =	sld [smem:$0x3F9B];
	s0 =	simm.s32 @p1 $0x1  }
0x15: {  	[smem:$0x3FB8] =	sst s0;
	s0 =	simm.s32 @!p2 $0x0  }
0x16: {  	s3 =	sld [smem:$0x3FDB];
	s0 =	simm.s32 @p2 $0x1  }
0x17: {  	s4 =	simm.s32 $0x1BF5;
	[smem:$0x3FBA] =	sst s0  }
0x18: {  	s0 =	sld [smem:$0x3F9D];
	_ =	swait.ge [sflag:s4], $0x0  }
0x19: {  	s7 =	sld [smem:$0x3F9E]  }
0x1a: {  	s8 =	sadd.s32 $0xFFFFE003, lr  }
0x1b: {  	s9 =	sadd.s32 $0xFFFFFEF7, lr;
	s5 =	simm.s32 $0xFFFFFFFF;
	p2 =	slt.u32 s8, $0xFFFFF086  }
0x1c: {  	p1 =	slt.u32 s9, $0xF7A;
	s5 =	simm.s32 @!p2 $0x0  }
0x1d: {  	s5 =	simm.s32 @p1 $0x1;
	p0 =	seq.s32 s7, s2  }
0x1e: {  	s7 =	smul.u32 @!p0 $0xF7A, s2;
	p2 =	seq.s32 @!p0 s5, $0x0  }
0x1f: {  	s9 =	smul.u32 $0xF7A, s1;
	s8 =	simm.s32 @!p0 $0x1BF5;
	p2 =	por !p2, p0  }
0x20: {  	[sflag:s8] =	ssyncset.s32 @!p0 $0xFFFFF086;
	s6 =	sadd.s32 @!p0 s3, s7;
	s7 =	simm.s32 @!p0 $0x108  }
0x21: {  	s3 =	sadd.s32 s3, s9;
	s6 =	sadd.s32 @!p0 $0x88, s6;
	s7 =	simm.s32 @p2 $0x1082  }
0x22: {  	[simem:s7], [sflag:s8] =	dma.local @!p0 [hbm:s6], $0xF7A  }
0x23: {  	s9 =	sor.u32 $0xD0000000, s2;
	s6 =	simm.s32 $0x108;
	_ =	swait.ge @!p0 [sflag:s8], $0x0  }
0x24: {  	s3 =	sadd.s32 $0x88, s3;
	s6 =	simm.s32 @!p1 $0x1082;
	[sflag:s4] =	ssyncset.s32 $0xFFFFF086  }
0x25: {  	[simem:s6], [sflag:s4] =	dma.local [hbm:s3], $0xF7A  }
0x26: {  	[smem:$0x3F9E] =	sst s1;
	(tag) =	ssettag s2;
	_ =	strace s9  }
0x27: {  	s1 =	sld [smem:$0x3FAE]  }
0x28: {  	s2 =	sld [smem:$0x3FAF]  }
0x29: {  	s4 =	sld [smem:$0x3FB1]  }
0x2a: {  	p0 =	seq.s32 s5, $0x0;
	s5 =	sld [smem:$0x3FB2]  }
0x2b: {  	s6 =	sld [smem:$0x3FB3]  }
0x2c: {  	s7 =	sld [smem:$0x3FB4]  }
0x2d: {  	s3 =	simm.s32 $0x108;
	s8 =	sld [smem:$0x3FB5]  }
0x2e: {  	s3 =	simm.s32 @!p0 $0x1082;
	s9 =	sld [smem:$0x3FB6]  }
0x2f: {  	lr =	sadd.s32 s0, s3;
	s0 =	sld [smem:$0x3FAD]  }
0x30: {  	s3 =	sld [smem:$0x3FB0]  }
0x31: {  	[smem:$0x3FB9] =	sst s10  }
0x32: {  	s10 =	sld [smem:$0x3FB7];
	_ =	sdelay $0x3  }
0x33: {  	p0 =	seq.s32 s10, $0x1;
	s10 =	sld [smem:$0x3FB9];
	_ =	sdelay $0x3  }
0x34: {  	[smem:$0x3FB9] =	sst s10  }
0x35: {  	s10 =	sld [smem:$0x3FB8];
	_ =	sdelay $0x3  }
0x36: {  	p1 =	seq.s32 s10, $0x1;
	s10 =	sld [smem:$0x3FB9];
	_ =	sdelay $0x3  }
0x37: {  	[smem:$0x3FB9] =	sst s10  }
0x38: {  	s10 =	sld [smem:$0x3FBA]  }
0x39: {  	_ = 	snop;
	(pc) =	sbr.ind lr, $3  }
0x3a: {  	_ = 	snop  }
0x3b: {  	_ = 	snop  }
0x3c: {  	p2 =	seq.s32 s10, $0x1;
	s10 =	sld [smem:$0x3FB9]  }
0x3d: {  	_ =	shalt  }
0x3e: {  	_ =	shalt  }
0x3f: {  	_ =	shalt  }
0x40: {  	_ =	shalt  }
0x41: {  	_ =	shalt  }
0x42: {  	_ =	shalt  }
0x43: {  	_ =	shalt  }
0x44: {  	_ =	shalt  }
0x45: {  	_ =	shalt  }
0x46: {  	_ =	shalt  }
0x47: {  	_ =	shalt  }
0x48: {  	_ =	shalt  }
0x49: {  	_ =	shalt  }
0x4a: {  	_ =	shalt  }
0x4b: {  	_ =	shalt  }
0x4c: {  	_ =	shalt  }
0x4d: {  	_ =	shalt  }
0x4e: {  	_ =	shalt  }
0x4f: {  	_ =	shalt  }
0x50: {  	_ =	shalt  }
0x51: {  	_ =	shalt  }
0x52: {  	_ =	shalt  }
0x53: {  	_ =	shalt  }
0x54: {  	_ =	shalt  }
0x55: {  	_ =	shalt  }
0x56: {  	_ =	shalt  }
0x57: {  	_ =	shalt  }
0x58: {  	_ =	shalt  }
0x59: {  	_ =	shalt  }
0x5a: {  	_ =	shalt  }
0x5b: {  	_ =	shalt  }
0x5c: {  	_ =	shalt  }
0x5d: {  	_ =	shalt  }
0x5e: {  	_ =	shalt  }
0x5f: {  	_ =	shalt  }
0x60: {  	_ =	shalt  }
0x61: {  	_ =	shalt  }
0x62: {  	_ =	shalt  }
0x63: {  	_ =	shalt  }
0x64: {  	_ =	shalt  }
0x65: {  	_ =	shalt  }
0x66: {  	_ =	shalt  }
0x67: {  	_ =	shalt  }
0x68: {  	_ =	shalt  }
0x69: {  	_ =	shalt  }
0x6a: {  	_ =	shalt  }
0x6b: {  	_ =	shalt  }
0x6c: {  	_ =	shalt  }
0x6d: {  	_ =	shalt  }
0x6e: {  	_ =	shalt  }
0x6f: {  	_ =	shalt  }
0x70: {  	_ =	shalt  }
0x71: {  	_ =	shalt  }
0x72: {  	_ =	shalt  }
0x73: {  	_ =	shalt  }
0x74: {  	_ =	shalt  }
0x75: {  	_ =	shalt  }
0x76: {  	_ =	shalt  }
0x77: {  	_ =	shalt  }
0x78: {  	_ =	shalt  }
0x79: {  	_ =	shalt  }
0x7a: {  	_ =	shalt  }
0x7b: {  	_ =	shalt  }
0x7c: {  	_ =	shalt  }
0x7d: {  	_ =	shalt  }
0x7e: {  	_ =	shalt  }
0x7f: {  	_ =	shalt  }
0x80: {  	_ =	shalt  }
0x81: {  	_ =	shalt  }
0x82: {  	_ =	shalt  }
0x83: {  	_ =	shalt  }
0x84: {  	_ =	shalt  }
0x85: {  	_ =	shalt  }
0x86: {  	_ =	shalt  }
0x87: {  	_ =	shalt  }
.Lfunc_end0:
.L_simem_size_0:
called_computation_lowered:
.L_overlay_start_0:
0x88: {  	s2 =	sld [smem:$0x3FD9]  }
0x89: {  	s3 =	sld [smem:$0x3FFE];
	_ =	sdelay $0x1  }
0x8a: {  	s1 =	srdreg.scid  }
0x8b: {  	s0 =	sand.u32 $0x1, s1  }
0x8c: {  	s17 =	sshll.u32 s0, $0xA;
	s2 =	sadd.s32 s3, s2  }
0x8d: {  	s2 =	sadd.s32 s2, s17  }
0x8e: {  	[smem:$0x3FC5] =	sst s2  }
0x8f: {  	_ = 	snop  }
0x90: {  	s2 =	sld [smem:$0x3FC9]  }
0x91: {  	s18 =	sld [smem:$0x3FD0];
	(tm) =	ssettm $0x1  }
0x92: {  	s4 =	sld [smem:$0x3FFB];
	_ =	sdelay $0x3  }
0x93: {  	_ =	strace s4  }
0x94: {  	s4 =	sld [smem:$0x3FFC];
	_ =	sdelay $0x3  }
0x95: {  	_ =	strace s4  }
0x96: {  	s4 =	sld [smem:$0x3FFD];
	_ =	sdelay $0x3  }
0x97: {  	_ =	strace s4  }
0x98: {  	_ =	strace $0x8FFFFFFF  }
0x99: {  	s19 =	sld [smem:$0x3FDB];
	_ =	sdelay $0x1  }
0x9a: {  	s5 =	simm.s32 $_scs_section_size  }
0x9b: {  	s6 =	simm.s32 $_size__tile_overlayer_lowered;
	s7 =	simm.s32 $_tile_overlayer_lowered  }
0x9c: {  	s22 =	simm.s32 $0x1BFF;
	s21 =	sshll.u32 s7, $0x1;
	s4 =	sadd.s32 s5, s19  }
0x9d: {  	s8 =	simm.s32 $0x0;
	s20 =	sshll.u32 s6, $0x1;
	s6 =	sadd.s32 s21, s4  }
0x9e: {  	[timem:s8], [sflag:s22] =	dma.local [hbm:s6], s20  }
0x9f: {  	_ =	swait.ge [sflag:s22], s20  }
0xa0: {  	s5 =	ssub.s32 $0x0, s20;
	[sflag:s22] =	ssyncset.done $0x0  }
0xa1: {  	[sflag:s22] =	ssyncadd.s32 s5;
	_ =	sdelay $0x1  }
0xa2: {  	s23 =	simm.s32 $0x1B8B  }
0xa3: {  	_ =	swait.ge [sflag:s23], $0x1  }
0xa4: {  	[sflag:s23] =	ssyncset.done $0x0  }
0xa5: {  	s25 =	simm.s32 $0x1B8E;
	s24 =	sld [smem:$0x3FFE];
	[sflag:s23] =	ssyncadd.s32 $0xFFFFFFFF  }
0xa6: {  	s26 =	simm.s32 $execute0_lowered;
	[smem:$0x3FD2] =	sst s25  }
0xa7: {  	s6 =	sshll.u32 s26, $0x1;
	_ =	strace $0x80000046;
	[dreg:$0x1] =	wrdreg $0xFFFFFFFF  }
0xa8: {  	s28 =	simm.s32 $_size_execute0_lowered;
	s4 =	sadd.s32 s4, s6;
	[dreg:$0x0] =	wrdreg $0x0  }
0xa9: {  	s6 =	sshll.u32 s28, $0x1;
	[dreg:$0x2] =	wrdreg s4  }
0xaa: {  	[dreg:$0x3] =	wrdreg s6  }
0xab: {  	[dreg:$0x4] =	wrdreg $0xC0  }
0xac: {  	_ =	task [dreg:s8], $0x5FFFF  }
0xad: {  	[dreg:$0x1] =	wrdreg $0xFFFFFFFF  }
0xae: {  	[dreg:$0x0] =	wrdreg $0x60  }
0xaf: {  	[dreg:$0x2] =	wrdreg s2  }
0xb0: {  	[dreg:$0x3] =	wrdreg s24  }
0xb1: {  	[dreg:$0x4] =	wrdreg s18  }
0xb2: {  	[dreg:$0x5] =	wrdreg $0x9  }
0xb3: {  	_ =	task.clear_ibuf [dreg:s8], $0x6FFFF;
	_ =	strace $0x90000046  }
0xb4: {  	s29 =	simm.s32 $0x9;
	_ =	strace $0x80000048  }
0xb5: {  	_ =	swait.ge [sflag:s29], $0x1  }
0xb6: {  	[sflag:s29] =	ssyncadd.s32 $0xFFFFFFFF  }
0xb7: {  	_ =	strace $0x90000048  }
0xb8: {  	_ =	sfence  }
0xb9: {  	s30 =	sld [smem:$0x0];
	_ =	sdelay $0x2  }
0xba: {  	s31 =	sshll.u32 s1, $0xD;
	s1 =	sshrl.u32 s1, $0x2  }
0xbb: {  	s3 =	sand.u32 $0x4000, s31;
	s1 =	sadd.s32 s1, s30  }
0xbc: {  	s0 =	sor.u32 s3, s0;
	s1 =	sshll.u32 s1, $0x11  }
0xbd: {  	s0 =	sor.u32 s1, s0  }
0xbe: {  	s0 =	sadd.s32 $0x8F2B, s0  }
0xbf: {  	[sflag:s0] =	ssyncadd.remote.s32 $0x1  }
0xc0: {  	_ =	sfence.sel $0xFFFF  }
0xc1: {  	[dreg:$0x0] =	wrdreg $0xFFFFFFFF;
	(pc) =	sbr.abs _section_cstart, $3  }
0xc2: {  	[dreg:$0x1] =	wrdreg $0xFFFFFFFF  }
0xc3: {  	_ =	task.clear_ibuf [dreg:s8], $0x2FFFF;
	_ =	strace $0x9FFFFFFF  }
0xc4: {  	(tm) =	ssettm $0x7FFFFFFF  }
0xc5: {  	_ =	shalt  }
tec
execute0_lowered:
.L_overlay_start_1:
0x0: {  	(tag) =	ssettag $0x1  }
0x1: {  	s1 =	stileid.u32  }
0x2: {  	p0 =	sgt.u32 s1, $0x7  }
.Ltmp0:
0x3: {  	s2 =	rddreg [dreg:$0x0];
	(pc) =	sbr.rel @p0 .LBB2_4-.Ltmp0, $4  }
0x4: {  	s4 =	rddreg [dreg:$0x1]  }
0x5: {  	s9 =	rddreg [dreg:$0x2];
	s3 =	simm.s32 $0x0  }
0x6: {  	[smem:$0x7FF] =	sst s3  }
0x7: {  	s0 =	rddreg [dreg:$0x3];
	_ =	strace $0x80000047  }
0x8: {  	s5 =	srdreg.scid  }
0x9: {  	s30 =	sshll.u32 s1, $0x1;
	s6 =	sand.u32 $0x1, s5  }
0xa: {  	s10 =	sor.u32 s6, s30  }
0xb: {  	s4 =	sadd.s32 $0x600, s4;
	s5 =	sshll.u32 s10, $0x4  }
0xc: {  	s11 =	ssub.s32 $0x2, s6;
	s5 =	sadd.s32 s4, s5;
	s4 =	simm.s32 $0x2  }
0xd: {  	[tilespmem:s3], [sflag:$0x2] =	stream.linear.gather [hbm4b:s5+s3], $0x80, $0x38;
	[tilespmem:$0x2080] =	vst v63  }
0xe: {  	s7 =	simm.s32 $0x80;
	s12 =	sshrl.u32 s11, $0x1;
	_ =	swait.ge [sflag:s4], $0x80  }
0xf: {  	s8 =	simm.s32 $0x1;
	s11 =	ssub.s32 s11, s12;
	[sflag:s4] =	ssyncset.done $0x0  }
0x10: {  	s6 =	simm.s32 $0x40;
	s31 =	smax.u32 s11, $0x1;
	[sflag:s4] =	ssyncadd.s32 $0xFFFFFF80  }
0x11: {  	[tilespmem:s7], [sflag:$0x1] =	stream.indirect.gather [hbm4b:s2+s6], $0x80, s3, s6, $0xb8;
	[tilespmem:$0x2080] =	vst v63  }
0x12: {  	p0 =	sne.s32 s31, $0x1;
	_ =	swait.ge [sflag:s8], $0x2000  }
.Ltmp1:
0x13: {  	s10 =	sshll.u32 s10, $0xA;
	[sflag:s8] =	ssyncset.done $0x0;
	(pc) =	sbr.rel @!p0 .LBB2_3-.Ltmp1, $4  }
0x14: {  	s9 =	sadd.s32 s9, s10;
	[sflag:s8] =	ssyncadd.s32 $0xFFFFE000  }
0x15: {  	[hbm4b:s9+s3] =	stream.linear.scatter [tilespmem:s7], [sflag:$0x2], $0x2000, $0x38;
	[tilespmem:$0x2080] =	vst v63  }
0x16: {  	_ =	swait.ge [sflag:s4], $0x2000  }
0x17: {  	s10 =	sadd.s32 $0xFFFFFFFF, s31;
	[sflag:s4] =	ssyncset.done $0x0  }
.LBB2_2:
0x18: {  	p0 =	sne.s32 s10, $0x1;
	s10 =	sadd.s32 $0xFFFFFFFF, s10;
	[sflag:s4] =	ssyncadd.s32 $0xFFFFE000  }
0x19: {  	[tilespmem:s3], [sflag:$0x2] =	stream.linear.gather [hbm4b:s5+s3], $0x80, $0x38;
	[tilespmem:$0x2080] =	vst v63  }
0x1a: {  	_ =	swait.ge [sflag:s4], $0x80  }
0x1b: {  	[sflag:s4] =	ssyncset.done $0x0  }
0x1c: {  	[sflag:s4] =	ssyncadd.s32 $0xFFFFFF80  }
0x1d: {  	[tilespmem:s7], [sflag:$0x1] =	stream.indirect.gather [hbm4b:s2+s6], $0x80, s3, s6, $0xb8;
	[tilespmem:$0x2080] =	vst v63  }
0x1e: {  	_ =	swait.ge [sflag:s8], $0x2000  }
.Ltmp2:
0x1f: {  	[sflag:s8] =	ssyncset.done $0x0;
	(pc) =	sbr.rel @p0 .LBB2_2-.Ltmp2, $4  }
0x20: {  	[sflag:s8] =	ssyncadd.s32 $0xFFFFE000  }
0x21: {  	[hbm4b:s9+s3] =	stream.linear.scatter [tilespmem:s7], [sflag:$0x2], $0x2000, $0x38;
	[tilespmem:$0x2080] =	vst v63  }
0x22: {  	_ =	swait.ge [sflag:s4], $0x2000  }
0x23: {  	[sflag:s4] =	ssyncset.done $0x0  }
.LBB2_3:
0x24: {  	[sflag:s4] =	ssyncadd.s32 $0xFFFFE000  }
.LBB2_4:
0x25: {  	_ =	sfence.sel $0x180000  }
0x26: {  	[bflag:$0x0] =	sbarrier.arrive $0xFFFF  }
0x27: {  	p0 =	sne.s32 s1, $0x0;
	_ =	strace $0x90000047  }
0x28: {  	s0 =	sadd.s32 @!p0 $0x100000, s0;
	[bflag:$0x2] =	sbarrier.arrive $0xFFFF  }
0x29: {  	[sflag:s0] =	ssyncadd.tile.s32 @!p0 $0x1;
	_ =	shalt  }
.Lfunc_end2:
_tile_overlayer_lowered:
.L_overlay_start_2:
0x2a: {  	(tag) =	ssettag $0x2  }
0x2b: {  	s0 =	rddreg [dreg:$0x0];
	s2 =	stileid.u32  }
0x2c: {  	s1 =	rddreg [dreg:$0x1];
	p0 =	sne.s32 s2, $0x0  }
0x2d: {  	s3 =	rddreg [dreg:$0x2];
	[bflag:$0x3] =	sbarrier.arrive $0xFFFF;
	s2 =	simm.s32 @!p0 $0x1C02  }
0x2e: {  	[timem:s3], [sflag:s2] =	dma.local @!p0 [hbm:s0], s1  }
0x2f: {  	s0 =	simm.s32 @!p0 $0x2  }
0x30: {  	_ =	swait.ge @!p0 [sflag:s0], s1  }
0x31: {  	s1 =	ssub.s32 @!p0 $0x0, s1;
	[sflag:s0] =	ssyncset.done @!p0 $0x0  }
0x32: {  	[sflag:s0] =	ssyncadd.s32 @!p0 s1  }
0x33: {  	[bflag:$0x3] =	sbarrier.arrive $0xFFFF  }
0x34: {  	_ =	shalt  }

</sc_bundles>
